<compile_context>
chip_gen: v7x
topology: tpu7x:2x2x1
jax: 0.10.2.dev20260603
libtpu: 0.0.44.dev20260713+nightly
codegen_flags: <defaults>
</compile_context>

<pallas_src>
import functools

import jax
import jax.numpy as jnp
import numpy as np
from jax import lax
from jax.experimental import pallas as pl
from jax.experimental.pallas import tpu as pltpu
from jax.experimental.pallas import tpu_sc as plsc

B = 8
N = 4096
F_IN = 3
NUM_CLASSES = 13
RATIOS = (0.2, 0.25)
RADII = (0.2, 0.4)
MAX_NEIGH = 64


S1, S1P = 819, 832
S2, S2P = 205, 256
NP1 = 896
PADPOS = 1e9




def _tile_store(ref, t, val_col):
    Bb = val_col.shape[0]
    tbase = pl.multiple_of((t // 128) * 128, 128)
    lane = jax.lax.broadcasted_iota(jnp.int32, (Bb, 128), 1)
    sel = lane == (t % 128)
    cur = ref[:, pl.ds(tbase, 128)]
    ref[:, pl.ds(tbase, 128)] = jnp.where(sel, jnp.broadcast_to(val_col, (Bb, 128)), cur)


def _fps_kernel(px_ref, py_ref, pz_ref, d0_ref, idx_ref, sx_ref, sy_ref, sz_ref,
                *, n_samples):
    posx = px_ref[...]
    posy = py_ref[...]
    posz = pz_ref[...]
    np_lanes = posx.shape[1]
    Bb = posx.shape[0]
    lane = jax.lax.broadcasted_iota(jnp.int32, posx.shape, 1)
    idx_ref[...] = jnp.zeros(idx_ref.shape, jnp.int32)
    sx_ref[...] = jnp.zeros(sx_ref.shape, jnp.float32)
    sy_ref[...] = jnp.zeros(sy_ref.shape, jnp.float32)
    sz_ref[...] = jnp.zeros(sz_ref.shape, jnp.float32)

    def step(t, carry):
        last, dists = carry
        onehot = lane == last
        px = jnp.sum(jnp.where(onehot, posx, 0.0), axis=1, keepdims=True)
        py = jnp.sum(jnp.where(onehot, posy, 0.0), axis=1, keepdims=True)
        pz = jnp.sum(jnp.where(onehot, posz, 0.0), axis=1, keepdims=True)
        dx = posx - px
        dy = posy - py
        dz = posz - pz
        d2 = (dx * dx + dy * dy) + dz * dz
        dists = jnp.minimum(dists, d2)
        m = jnp.max(dists, axis=1, keepdims=True)
        cand = jnp.where(dists == m, lane, np_lanes)
        nxt = jnp.min(cand, axis=1, keepdims=True)
        _tile_store(idx_ref, t, nxt)
        _tile_store(sx_ref, t - 1, px)
        _tile_store(sy_ref, t - 1, py)
        _tile_store(sz_ref, t - 1, pz)
        return nxt, dists

    last, _ = jax.lax.fori_loop(
        1, n_samples, step,
        (jnp.zeros((Bb, 1), jnp.int32), d0_ref[...]))
    onehot = lane == last
    _tile_store(sx_ref, n_samples - 1,
                jnp.sum(jnp.where(onehot, posx, 0.0), axis=1, keepdims=True))
    _tile_store(sy_ref, n_samples - 1,
                jnp.sum(jnp.where(onehot, posy, 0.0), axis=1, keepdims=True))
    _tile_store(sz_ref, n_samples - 1,
                jnp.sum(jnp.where(onehot, posz, 0.0), axis=1, keepdims=True))


def _fps(posx, posy, posz, n_real, n_samples):
    Bb, Np = posx.shape
    sp = -n_samples % 128 + n_samples
    lane = jax.lax.broadcasted_iota(jnp.int32, (Bb, Np), 1)
    d0 = jnp.where(lane < n_real, jnp.inf, -jnp.inf).astype(jnp.float32)
    out_shapes = (
        jax.ShapeDtypeStruct((Bb, sp), jnp.int32),
        jax.ShapeDtypeStruct((Bb, sp), jnp.float32),
        jax.ShapeDtypeStruct((Bb, sp), jnp.float32),
        jax.ShapeDtypeStruct((Bb, sp), jnp.float32),
    )
    idx, sx, sy, sz = pl.pallas_call(
        functools.partial(_fps_kernel, n_samples=n_samples),
        out_shape=out_shapes,
    )(posx, posy, posz, d0)
    return (idx[:, :n_samples], sx[:, :n_samples], sy[:, :n_samples],
            sz[:, :n_samples])



_SENT = 0x7F000000


def _select_kernel(qx_ref, qy_ref, qz_ref, px_ref, py_ref, pz_ref,
                   keys_ref, *, r2, k):
    qx = qx_ref[0]
    qy = qy_ref[0]
    qz = qz_ref[0]
    px = px_ref[0]
    py = py_ref[0]
    pz = pz_ref[0]
    dx = qx - px
    dy = qy - py
    dz = qz - pz
    d2 = (dx * dx + dy * dy) + dz * dz
    lane = jax.lax.broadcasted_iota(jnp.int32, d2.shape, 1)
    bits = jax.lax.bitcast_convert_type(d2, jnp.int32)
    keys_ref[0] = jnp.where(d2 <= r2, (bits & (~0xFFF)) | lane, _SENT)


def _select(qx, qy, qz, px, py, pz, r2, k, qblk):
    Bb, Qp = qx.shape
    Np = px.shape[1]
    q3 = qx.reshape(Bb, Qp, 1)
    grid = (Bb, Qp // qblk)
    qspec = pl.BlockSpec((1, qblk, 1), lambda b, i: (b, i, 0))
    pspec = pl.BlockSpec((1, 1, Np), lambda b, i: (b, 0, 0))
    return pl.pallas_call(
        functools.partial(_select_kernel, r2=r2, k=k),
        grid=grid,
        in_specs=[qspec, qspec, qspec, pspec, pspec, pspec],
        out_specs=pl.BlockSpec((1, qblk, Np), lambda b, i: (b, i, 0)),
        out_shape=jax.ShapeDtypeStruct((Bb, Qp, Np), jnp.int32),
    )(qx.reshape(Bb, Qp, 1), qy.reshape(Bb, Qp, 1), qz.reshape(Bb, Qp, 1),
      px.reshape(Bb, 1, Np), py.reshape(Bb, 1, Np), pz.reshape(Bb, 1, Np))




def _sa_mlp_kernel(g_ref, qpr_ref, cntr_ref, cnt_ref, w1_ref, w1p_ref, b1_ref,
                   w2_ref, b2_ref, w3_ref, b3_ref, o_ref, *, nneigh):
    g = g_ref[...]
    rows = g.shape[0]
    qb = rows // nneigh
    tq = jnp.dot(qpr_ref[...], w1p_ref[...], preferred_element_type=jnp.float32)
    h = jnp.dot(g, w1_ref[...], preferred_element_type=jnp.float32)
    h = jnp.maximum(h + b1_ref[...][None, :] - tq, 0.0)
    h = jnp.maximum(jnp.dot(h, w2_ref[...], preferred_element_type=jnp.float32)
                    + b2_ref[...][None, :], 0.0)
    h = jnp.dot(h, w3_ref[...], preferred_element_type=jnp.float32) + b3_ref[...][None, :]
    h = jnp.where(cntr_ref[...] > 0, h, -jnp.inf)
    m = jnp.max(h.reshape(qb, nneigh, h.shape[-1]), axis=1)
    o_ref[...] = jnp.where(cnt_ref[...] > 0, m, 0.0)


def _sa_mlp(G, qpos, counts, ps, nneigh, cin_split, qblk, vflags):
    (W1, b1), (W2, b2), (W3, b3) = ps
    Q, Cpad = G.shape[0] // nneigh, G.shape[1]
    W1x = W1[:cin_split]
    W1p = W1[cin_split:cin_split + 3]
    W1pad = jnp.zeros((Cpad, W1.shape[1]), jnp.float32)
    W1pad = W1pad.at[:cin_split].set(W1x).at[cin_split:cin_split + 3].set(W1p)
    qpos_rep = jnp.broadcast_to(qpos[:, None, :], (Q, nneigh, 3)).reshape(Q * nneigh, 3)
    cnt_rep = vflags
    grid = (Q // qblk,)
    return pl.pallas_call(
        functools.partial(_sa_mlp_kernel, nneigh=nneigh),
        grid=grid,
        in_specs=[
            pl.BlockSpec((qblk * nneigh, Cpad), lambda i: (i, 0)),
            pl.BlockSpec((qblk * nneigh, 3), lambda i: (i, 0)),
            pl.BlockSpec((qblk * nneigh, 1), lambda i: (i, 0)),
            pl.BlockSpec((qblk, 1), lambda i: (i, 0)),
            pl.BlockSpec(W1pad.shape, lambda i: (0, 0)),
            pl.BlockSpec(W1p.shape, lambda i: (0, 0)),
            pl.BlockSpec(b1.shape, lambda i: (0,)),
            pl.BlockSpec(W2.shape, lambda i: (0, 0)),
            pl.BlockSpec(b2.shape, lambda i: (0,)),
            pl.BlockSpec(W3.shape, lambda i: (0, 0)),
            pl.BlockSpec(b3.shape, lambda i: (0,)),
        ],
        out_specs=pl.BlockSpec((qblk, W3.shape[1]), lambda i: (i, 0)),
        out_shape=jax.ShapeDtypeStruct((Q, W3.shape[1]), jnp.float32),
    )(G, qpos_rep, cnt_rep, counts, W1pad, W1p, b1, W2, b2, W3, b3)




def _sa3_fp3_kernel(x2_ref, qp_ref, w1_ref, w1p_ref, b1_ref, w2_ref, b2_ref,
                    w3_ref, b3_ref, f1a_ref, f1b_ref, fb1_ref, f2w_ref,
                    fb2_ref, o_ref, *, n_real):
    x2 = x2_ref[0]
    qp = qp_ref[0]
    h = jnp.dot(x2, w1_ref[...], preferred_element_type=jnp.float32)
    h = h + jnp.dot(qp, w1p_ref[...], preferred_element_type=jnp.float32)
    h = jnp.maximum(h + b1_ref[...][None, :], 0.0)
    h = jnp.maximum(jnp.dot(h, w2_ref[...], preferred_element_type=jnp.float32)
                    + b2_ref[...][None, :], 0.0)
    h = jnp.dot(h, w3_ref[...], preferred_element_type=jnp.float32) + b3_ref[...][None, :]
    row = jax.lax.broadcasted_iota(jnp.int32, h.shape, 0)
    h = jnp.where(row < n_real, h, -jnp.inf)
    xg = jnp.max(h, axis=0, keepdims=True)
    f = jnp.dot(x2, f1b_ref[...], preferred_element_type=jnp.float32)
    f = f + jnp.dot(xg, f1a_ref[...], preferred_element_type=jnp.float32)
    f = jnp.maximum(f + fb1_ref[...][None, :], 0.0)
    f = jnp.dot(f, f2w_ref[...], preferred_element_type=jnp.float32) + fb2_ref[...][None, :]
    row2 = jax.lax.broadcasted_iota(jnp.int32, f.shape, 0)
    o_ref[0] = jnp.where(row2 < n_real, f, 0.0)


def _sa3_fp3(x2, pos2, ps3, psf, n_real):
    (W1, b1), (W2, b2), (W3, b3) = ps3
    (F1, fb1), (F2, fb2) = psf
    Bb, S2p, C = x2.shape
    W1x = W1[:C]
    W1p = W1[C:C + 3]
    F1a = F1[:W3.shape[1]]
    F1b = F1[W3.shape[1]:]
    grid = (Bb,)
    return pl.pallas_call(
        functools.partial(_sa3_fp3_kernel, n_real=n_real),
        grid=grid,
        in_specs=[
            pl.BlockSpec((1, S2p, C), lambda b: (b, 0, 0)),
            pl.BlockSpec((1, S2p, 3), lambda b: (b, 0, 0)),
            pl.BlockSpec(W1x.shape, lambda b: (0, 0)),
            pl.BlockSpec(W1p.shape, lambda b: (0, 0)),
            pl.BlockSpec(b1.shape, lambda b: (0,)),
            pl.BlockSpec(W2.shape, lambda b: (0, 0)),
            pl.BlockSpec(b2.shape, lambda b: (0,)),
            pl.BlockSpec(W3.shape, lambda b: (0, 0)),
            pl.BlockSpec(b3.shape, lambda b: (0,)),
            pl.BlockSpec(F1a.shape, lambda b: (0, 0)),
            pl.BlockSpec(F1b.shape, lambda b: (0, 0)),
            pl.BlockSpec(fb1.shape, lambda b: (0,)),
            pl.BlockSpec(F2.shape, lambda b: (0, 0)),
            pl.BlockSpec(fb2.shape, lambda b: (0,)),
        ],
        out_specs=pl.BlockSpec((1, S2p, F2.shape[1]), lambda b: (b, 0, 0)),
        out_shape=jax.ShapeDtypeStruct((Bb, S2p, F2.shape[1]), jnp.float32),
    )(x2, pos2, W1x, W1p, b1, W2, b2, W3, b3, F1a, F1b, fb1, F2, fb2)




def _interp_kernel(qx_ref, qy_ref, qz_ref, px_ref, py_ref, pz_ref, f_ref,
                   xskip_ref, wa_ref, wb_ref, b1_ref, *rest, n_layers):
    if n_layers == 2:
        w2_ref, b2_ref, o_ref = rest
    else:
        w2_ref, b2_ref, w3_ref, b3_ref, o_ref = rest
    qx = qx_ref[0]
    qy = qy_ref[0]
    qz = qz_ref[0]
    px = px_ref[0]
    py = py_ref[0]
    pz = pz_ref[0]
    dx = qx - px
    dy = qy - py
    dz = qz - pz
    d2 = (dx * dx + dy * dy) + dz * dz
    lane = jax.lax.broadcasted_iota(jnp.int32, d2.shape, 1)
    qb, ncand = d2.shape
    Wint = jnp.zeros(d2.shape, jnp.float32)
    wsum = jnp.zeros((qb, 1), jnp.float32)
    for _ in range(3):
        m = jnp.min(d2, axis=1, keepdims=True)
        cand = jnp.where(d2 == m, lane, ncand)
        idxk = jnp.min(cand, axis=1, keepdims=True)
        w = 1.0 / jnp.maximum(m, 1e-16)
        hit = lane == idxk
        Wint = jnp.where(hit, w, Wint)
        wsum = wsum + w
        d2 = jnp.where(hit, jnp.inf, d2)
    Wint = Wint / wsum
    xi = jnp.dot(Wint, f_ref[0], preferred_element_type=jnp.float32)
    h = jnp.dot(xi, wa_ref[...], preferred_element_type=jnp.float32)
    h = h + jnp.dot(xskip_ref[0], wb_ref[...], preferred_element_type=jnp.float32)
    h = jnp.maximum(h + b1_ref[...][None, :], 0.0)
    h = jnp.dot(h, w2_ref[...], preferred_element_type=jnp.float32) + b2_ref[...][None, :]
    if n_layers == 3:
        h = jnp.maximum(h, 0.0)
        h = jnp.dot(h, w3_ref[...], preferred_element_type=jnp.float32) + b3_ref[...][None, :]
    o_ref[0] = h


def _interp_mlp(qplanes, cplanes, f_src, x_skip, ps, c_src, qblk):
    (W1, b1), *restps = ps
    Bb, Qp = qplanes[0].shape
    Ncp = cplanes[0].shape[1]
    Cs = x_skip.shape[-1]
    Wa = W1[:c_src]
    Wb = W1[c_src:]
    n_layers = 1 + len(restps)
    grid = (Bb, Qp // qblk)
    qspec = pl.BlockSpec((1, qblk, 1), lambda b, i: (b, i, 0))
    cspec = pl.BlockSpec((1, 1, Ncp), lambda b, i: (b, 0, 0))
    ins = [q.reshape(Bb, Qp, 1) for q in qplanes] + \
          [c.reshape(Bb, 1, Ncp) for c in cplanes] + [f_src, x_skip]
    in_specs = [qspec] * 3 + [cspec] * 3 + [
        pl.BlockSpec((1, Ncp, c_src), lambda b, i: (b, 0, 0)),
        pl.BlockSpec((1, qblk, Cs), lambda b, i: (b, i, 0)),
        pl.BlockSpec(Wa.shape, lambda b, i: (0, 0)),
        pl.BlockSpec(Wb.shape, lambda b, i: (0, 0)),
        pl.BlockSpec(b1.shape, lambda b, i: (0,)),
    ]
    args = ins + [Wa, Wb, b1]
    for (W, b) in restps:
        in_specs += [pl.BlockSpec(W.shape, lambda b, i: (0, 0)),
                     pl.BlockSpec(b.shape, lambda b, i: (0,))]
        args += [W, b]
    Cout = restps[-1][0].shape[1]
    return pl.pallas_call(
        functools.partial(_interp_kernel, n_layers=n_layers),
        grid=grid,
        in_specs=in_specs,
        out_specs=pl.BlockSpec((1, qblk, Cout), lambda b, i: (b, i, 0)),
        out_shape=jax.ShapeDtypeStruct((Bb, Qp, Cout), jnp.float32),
    )(*args)




def _head_kernel(f_ref, w0, b0, w1, b1, w2, b2, o_ref):
    h = f_ref[...]
    h = jnp.maximum(h @ w0[...] + b0[...][None, :], 0.0)
    h = jnp.maximum(h @ w1[...] + b1[...][None, :], 0.0)
    o = h @ w2[...] + b2[...][None, :]
    o = o - jax.scipy.special.logsumexp(o, axis=-1, keepdims=True)
    o_ref[...] = o


def _head(f1, ps):
    (w0, b0), (w1, b1), (w2, b2) = ps
    M = f1.shape[0]
    TILE = 2048
    grid = (M // TILE,)
    return pl.pallas_call(
        _head_kernel,
        grid=grid,
        in_specs=[
            pl.BlockSpec((TILE, f1.shape[1]), lambda i: (i, 0)),
            pl.BlockSpec(w0.shape, lambda i: (0, 0)),
            pl.BlockSpec(b0.shape, lambda i: (0,)),
            pl.BlockSpec(w1.shape, lambda i: (0, 0)),
            pl.BlockSpec(b1.shape, lambda i: (0,)),
            pl.BlockSpec(w2.shape, lambda i: (0, 0)),
            pl.BlockSpec(b2.shape, lambda i: (0,)),
        ],
        out_specs=pl.BlockSpec((TILE, NUM_CLASSES), lambda i: (i, 0)),
        out_shape=jax.ShapeDtypeStruct((M, NUM_CLASSES), jnp.float32),
    )(f1, w0, b0, w1, b1, w2, b2)



_SC_TILES = 32


def _sc_compact_gather(keys, tau, table, rows_per_b, cand_pb):
    R, Np = keys.shape
    T, C = table.shape
    NR = R // _SC_TILES
    n_chunks = Np // 16
    tau16 = jnp.broadcast_to(tau[:, None], (R, 16))
    mesh = plsc.VectorSubcoreMesh(core_axis_name="c", subcore_axis_name="s")

    @functools.partial(
        pl.kernel, mesh=mesh,
        out_type=[
            jax.ShapeDtypeStruct((R * MAX_NEIGH, C), jnp.float32),
            jax.ShapeDtypeStruct((R * 16,), jnp.int32),
        ],
        scratch_types=[
            pltpu.VMEM((16,), jnp.int32),
            pltpu.VMEM((Np,), jnp.int32),
            pltpu.VMEM((MAX_NEIGH,), jnp.int32),
            pltpu.VMEM((MAX_NEIGH, C), jnp.float32),
            pltpu.VMEM((NR * 16,), jnp.int32),
            pltpu.SemaphoreType.DMA,
        ],
    )
    def k(keys_hbm, tau_hbm, table_hbm, g_out, cnt_out,
          tau_v, kbuf, idxbuf, gbuf, cnt_v, sem):
        wid = lax.axis_index("s") * 2 + lax.axis_index("c")
        base = wid * NR
        iota = lax.iota(jnp.int32, 16)
        for c4 in range(MAX_NEIGH // 16):
            idxbuf[pl.ds(c4 * 16, 16)] = jnp.zeros((16,), jnp.int32)

        def row_body(rloc, _):
            r = base + rloc
            gbase = (r // rows_per_b) * cand_pb
            pltpu.sync_copy(keys_hbm.at[r], kbuf)
            pltpu.sync_copy(tau_hbm.at[r], tau_v)
            t16 = tau_v[...]

            def chunk(c, off):
                kk = kbuf[pl.ds(c * 16, 16)]
                m = kk <= t16
                mi = m.astype(jnp.int32)
                cum = plsc.cumsum(mi)
                pos = cum + (off - 1)
                vals = iota + (gbase + c * 16)
                plsc.store_scatter(idxbuf, [pos], vals, mask=m)
                return off + jnp.sum(mi)

            off = lax.fori_loop(0, n_chunks, chunk, jnp.int32(0))
            cnt_v[pl.ds(rloc * 16, 16)] = jnp.zeros((16,), jnp.int32) + off
            pltpu.async_copy(table_hbm.at[idxbuf], gbuf, sem).wait()
            pltpu.sync_copy(gbuf, g_out.at[pl.ds(r * MAX_NEIGH, MAX_NEIGH)])
            return 0

        lax.fori_loop(0, NR, row_body, 0)
        pltpu.sync_copy(cnt_v, cnt_out.at[pl.ds(base * 16, NR * 16)])

    G, cnt16 = k(keys, tau16, table)
    return G, cnt16.reshape(R, 16)[:, 0]


def _tie(dep, *xs):
    out = lax.optimization_barrier((dep, *xs))
    return out[1:] if len(xs) > 1 else out[1]


def _plane_pad(p, npad, fill=PADPOS):
    return jnp.pad(p, ((0, 0), (0, npad - p.shape[1])), constant_values=fill)


def _neighbors(keys):
    _, nidx = jax.lax.approx_min_k(keys.astype(jnp.float32), MAX_NEIGH,
                                   recall_target=0.99)
    nidx = nidx.astype(jnp.int32)
    kg = jnp.take_along_axis(keys, nidx, axis=-1)
    valid = (kg < _SENT).astype(jnp.int32)
    cnt = jnp.sum(valid, axis=-1)
    nidx = jnp.where(valid > 0, nidx, 0)
    return nidx, valid, cnt


def kernel(x, pos, batch, params):
    del batch
    x0 = x.reshape(B, N, F_IN)
    p0 = pos.reshape(B, N, 3)
    p0x, p0y, p0z = p0[..., 0], p0[..., 1], p0[..., 2]

    _, s1x, s1y, s1z = _fps(p0x, p0y, p0z, N, S1)
    q1x, q1y, q1z = (_plane_pad(s, S1P) for s in (s1x, s1y, s1z))
    keys1 = _select(q1x, q1y, q1z, p0x, p0y, p0z, RADII[0] ** 2,
                    MAX_NEIGH, qblk=208)
    table1 = jnp.concatenate(
        [x0, p0, jnp.zeros((B, N, 10), jnp.float32)], axis=-1).reshape(B * N, 16)
    nidx1, val1, cnt1 = _neighbors(keys1)
    gid1 = (jnp.arange(B, dtype=jnp.int32)[:, None, None] * N + nidx1).reshape(-1)
    G1 = table1[gid1]
    qpos1 = jnp.stack([q1x, q1y, q1z], axis=-1).reshape(B * S1P, 3)
    x1 = _sa_mlp(G1, qpos1, cnt1.reshape(-1, 1), params['sa1'], MAX_NEIGH,
                 cin_split=3, qblk=104, vflags=val1.reshape(-1, 1))
    x1 = x1.reshape(B, S1P, 128)

    c1x, c1y, c1z = (_plane_pad(s, NP1) for s in (s1x, s1y, s1z))
    c1x, c1y, c1z = _tie(cnt1, c1x, c1y, c1z)
    _, s2x, s2y, s2z = _fps(c1x, c1y, c1z, S1, S2)
    q2x, q2y, q2z = (_plane_pad(s, S2P) for s in (s2x, s2y, s2z))
    keys2 = _select(q2x, q2y, q2z, c1x, c1y, c1z, RADII[1] ** 2,
                    MAX_NEIGH, qblk=256)
    x1w = jnp.pad(x1, ((0, 0), (0, NP1 - S1P), (0, 0)))
    table2 = jnp.concatenate(
        [x1w, jnp.stack([c1x, c1y, c1z], axis=-1),
         jnp.zeros((B, NP1, 13), jnp.float32)], axis=-1).reshape(B * NP1, 144)
    nidx2, val2, cnt2 = _neighbors(keys2)
    gid2 = (jnp.arange(B, dtype=jnp.int32)[:, None, None] * NP1 + nidx2).reshape(-1)
    G2 = table2[gid2]
    qpos2 = jnp.stack([q2x, q2y, q2z], axis=-1).reshape(B * S2P, 3)
    x2 = _sa_mlp(G2, qpos2, cnt2.reshape(-1, 1), params['sa2'], MAX_NEIGH,
                 cin_split=128, qblk=64, vflags=val2.reshape(-1, 1))
    x2 = x2.reshape(B, S2P, 256)

    x2 = _tie(cnt2, x2)
    pos2 = jnp.stack([q2x, q2y, q2z], axis=-1)
    f3 = _sa3_fp3(x2, pos2, params['sa3'], params['fp3'], S2)

    f2 = _interp_mlp((q1x, q1y, q1z), (q2x, q2y, q2z), f3, x1,
                     params['fp2'], c_src=256, qblk=208)

    f2w = jnp.pad(f2, ((0, 0), (0, NP1 - S1P), (0, 0)))
    f1 = _interp_mlp((p0x, p0y, p0z), (c1x, c1y, c1z), f2w, x0,
                     params['fp1'], c_src=128, qblk=512)

    out = _head(f1.reshape(B * N, 128), params['out'])
    return out.reshape(B * N, NUM_CLASSES)

# --- scband reference (transcript-rebuilt; emitter-appended) ---
"""Pipeline reference for scband-point-net-segmentation-4801773437702 (READ-ONLY COPY).

The authoritative reference and input builder live on the scoring server;
editing this copy changes nothing except your own understanding.
"""

import jax, jax.numpy as jnp
import numpy as np

B = 8
N = 4096
F_IN = 3
NUM_CLASSES = 13
RATIOS = (0.2, 0.25)
RADII = (0.2, 0.4)
MAX_NEIGH = 64
K_INTERP = (1, 3, 3)
SA1_CH = (F_IN + 3, 64, 64, 128)
SA2_CH = (128 + 3, 128, 128, 256)
SA3_CH = (256 + 3, 256, 512, 1024)
FP3_CH = (1024 + 256, 256, 256)
FP2_CH = (256 + 128, 256, 128)
FP1_CH = (128 + F_IN, 128, 128, 128)
OUT_CH = (128, 128, 128, NUM_CLASSES)


def _mlp_params(key, channels):
    ps = []
    for i in range(len(channels) - 1):
        key, k1 = jax.random.split(key)
        W = jax.random.normal(k1, (channels[i], channels[i + 1]), jnp.float32) / np.sqrt(channels[i])
        b = jnp.zeros((channels[i + 1],), jnp.float32)
        ps.append((W, b))
    return ps


def _apply_mlp(ps, x):
    n = len(ps)
    for i, (W, b) in enumerate(ps):
        x = x @ W + b
        if i < n - 1:
            x = jax.nn.relu(x)
    return x


def _fps_single(pos, n_sample):
    # farthest point sampling, deterministic start at index 0
    dists0 = jnp.full((pos.shape[0],), jnp.inf, jnp.float32)

    def step(carry, _):
        last, dists = carry
        d = jnp.sum((pos - pos[last]) ** 2, axis=-1)
        dists = jnp.minimum(dists, d)
        nxt = jnp.argmax(dists).astype(jnp.int32)
        return (nxt, dists), nxt

    (_, _), rest = jax.lax.scan(step, (jnp.int32(0), dists0), None, length=n_sample - 1)
    return jnp.concatenate([jnp.zeros((1,), jnp.int32), rest])


def _radius_knn(pos_all, pos_q, r, k):
    # k nearest neighbors within radius r (center always included, d2=0)
    d2 = jnp.sum((pos_q[:, None, :] - pos_all[None, :, :]) ** 2, axis=-1)
    d2m = jnp.where(d2 <= r * r, d2, jnp.inf)
    neg, idx = jax.lax.top_k(-d2m, k)
    return idx, jnp.isfinite(neg)


def _sa_module(ps, x, pos, ratio, r):
    S = max(1, int(round(pos.shape[1] * ratio)))
    idx = jax.vmap(lambda p: _fps_single(p, S))(pos)
    pos_dst = jnp.take_along_axis(pos, idx[..., None], axis=1)
    nidx, valid = jax.vmap(lambda pa, pq: _radius_knn(pa, pq, r, MAX_NEIGH))(pos, pos_dst)
    pos_j = jax.vmap(lambda p, i: p[i])(pos, nidx)
    x_j = jax.vmap(lambda xs, i: xs[i])(x, nidx)
    rel = pos_j - pos_dst[:, :, None, :]
    msg = _apply_mlp(ps, jnp.concatenate([x_j, rel], axis=-1))
    msg = jnp.where(valid[..., None], msg, -jnp.inf)
    return jnp.max(msg, axis=2), pos_dst


def _global_sa(ps, x, pos):
    h = _apply_mlp(ps, jnp.concatenate([x, pos], axis=-1))
    xg = jnp.max(h, axis=1, keepdims=True)
    posg = jnp.zeros((x.shape[0], 1, 3), jnp.float32)
    return xg, posg


def _knn_interpolate(x, pos, pos_skip, k):
    d2 = jnp.sum((pos_skip[:, :, None, :] - pos[:, None, :, :]) ** 2, axis=-1)
    neg, idx = jax.lax.top_k(-d2, k)
    w = 1.0 / jnp.maximum(-neg, 1e-16)
    w = w / jnp.sum(w, axis=-1, keepdims=True)
    xk = jax.vmap(lambda xs, i: xs[i])(x, idx)
    return jnp.sum(w[..., None] * xk, axis=2)


def _fp_module(ps, k, x, pos, x_skip, pos_skip):
    xi = _knn_interpolate(x, pos, pos_skip, k)
    xi = jnp.concatenate([xi, x_skip], axis=-1)
    return _apply_mlp(ps, xi)


def _forward(x, pos, params):
    x0 = x.reshape(B, N, F_IN)
    p0 = pos.reshape(B, N, 3)
    x1, p1 = _sa_module(params['sa1'], x0, p0, RATIOS[0], RADII[0])
    x2, p2 = _sa_module(params['sa2'], x1, p1, RATIOS[1], RADII[1])
    x3, p3 = _global_sa(params['sa3'], x2, p2)
    f3 = _fp_module(params['fp3'], K_INTERP[0], x3, p3, x2, p2)
    f2 = _fp_module(params['fp2'], K_INTERP[1], f3, p2, x1, p1)
    f1 = _fp_module(params['fp1'], K_INTERP[2], f2, p1, x0, p0)
    out = _apply_mlp(params['out'], f1)
    out = jax.nn.log_softmax(out, axis=-1)
    return out.reshape(B * N, NUM_CLASSES)


def setup_inputs(seed: int = 0):
    key = jax.random.key(seed)
    kx, kp, kw = jax.random.split(key, 3)
    x = jax.random.normal(kx, (B * N, F_IN), jnp.float32)
    pos = jax.random.uniform(kp, (B * N, 3), dtype=jnp.float32)
    batch = jnp.repeat(jnp.arange(B, dtype=jnp.int32), N)
    keys = jax.random.split(kw, 7)
    params = {
        'sa1': _mlp_params(keys[0], SA1_CH),
        'sa2': _mlp_params(keys[1], SA2_CH),
        'sa3': _mlp_params(keys[2], SA3_CH),
        'fp3': _mlp_params(keys[3], FP3_CH),
        'fp2': _mlp_params(keys[4], FP2_CH),
        'fp1': _mlp_params(keys[5], FP1_CH),
        'out': _mlp_params(keys[6], OUT_CH),
    }
    return {'x': x, 'pos': pos, 'batch': batch, 'params': params}


def reference(x, pos, batch, params):
    del batch  # equal-size clouds encoded by reshape(B, N, ...)
    return _forward(x, pos, params)

if __name__ == "__main__":
    import jax
    _d = setup_inputs()
    print(jax.jit(kernel)(*tuple(_d.values())))

</pallas_src>

<mosaic_0001>
module attributes {stable_mosaic.version = 14 : i64} {
  func.func @_fps_kernel(%arg0: memref<8x4096xf32, #tpu.memory_space<vmem>>, %arg1: memref<8x4096xf32, #tpu.memory_space<vmem>>, %arg2: memref<8x4096xf32, #tpu.memory_space<vmem>>, %arg3: memref<8x4096xf32, #tpu.memory_space<vmem>>, %arg4: memref<8x896xi32, #tpu.memory_space<vmem>>, %arg5: memref<8x896xf32, #tpu.memory_space<vmem>>, %arg6: memref<8x896xf32, #tpu.memory_space<vmem>>, %arg7: memref<8x896xf32, #tpu.memory_space<vmem>>) attributes {dimension_semantics = [], scalar_prefetch = 0 : i64, scratch_operands = 0 : i64, tpu.core_type = #tpu.core_type<tc>} {
    %get3A = arith.constant 0 : index
    %get3A_0 = arith.constant 0 : index
    %get3A_1 = vector.load %arg0[%get3A, %get3A_0] : memref<8x4096xf32, #tpu.memory_space<vmem>>, vector<8x4096xf32>
    %get3A_2 = arith.constant 0 : index
    %get3A_3 = arith.constant 0 : index
    %get3A_4 = vector.load %arg1[%get3A_2, %get3A_3] : memref<8x4096xf32, #tpu.memory_space<vmem>>, vector<8x4096xf32>
    %get3A_5 = arith.constant 0 : index
    %get3A_6 = arith.constant 0 : index
    %get3A_7 = vector.load %arg2[%get3A_5, %get3A_6] : memref<8x4096xf32, #tpu.memory_space<vmem>>, vector<8x4096xf32>
    %iota3A = tpu.iota {dimensions = array<i32: 1>} : vector<8x4096xi32>
    %broadcast_in_dim3A = arith.constant 0 : i32
    %broadcast_in_dim3A_8 = vector.broadcast %broadcast_in_dim3A : i32 to vector<8x896xi32>
    %swap3A = arith.constant 0 : index
    %swap3A_9 = arith.constant 0 : index
    %swap3A_10 = vector.load %arg4[%swap3A, %swap3A_9] : memref<8x896xi32, #tpu.memory_space<vmem>>, vector<8x896xi32>
    tpu.vector_store %arg4[%swap3A, %swap3A_9], %broadcast_in_dim3A_8 {strides = array<i32>} : memref<8x896xi32, #tpu.memory_space<vmem>>, vector<8x896xi32>,
    %broadcast_in_dim3A_11 = arith.constant 0.000000e+00 : f32
    %broadcast_in_dim3A_12 = vector.broadcast %broadcast_in_dim3A_11 : f32 to vector<8x896xf32>
    %swap3A_13 = arith.constant 0 : index
    %swap3A_14 = arith.constant 0 : index
    %swap3A_15 = vector.load %arg5[%swap3A_13, %swap3A_14] : memref<8x896xf32, #tpu.memory_space<vmem>>, vector<8x896xf32>
    tpu.vector_store %arg5[%swap3A_13, %swap3A_14], %broadcast_in_dim3A_12 {strides = array<i32>} : memref<8x896xf32, #tpu.memory_space<vmem>>, vector<8x896xf32>,
    %broadcast_in_dim3A_16 = arith.constant 0.000000e+00 : f32
    %broadcast_in_dim3A_17 = vector.broadcast %broadcast_in_dim3A_16 : f32 to vector<8x896xf32>
    %swap3A_18 = arith.constant 0 : index
    %swap3A_19 = arith.constant 0 : index
    %swap3A_20 = vector.load %arg6[%swap3A_18, %swap3A_19] : memref<8x896xf32, #tpu.memory_space<vmem>>, vector<8x896xf32>
    tpu.vector_store %arg6[%swap3A_18, %swap3A_19], %broadcast_in_dim3A_17 {strides = array<i32>} : memref<8x896xf32, #tpu.memory_space<vmem>>, vector<8x896xf32>,
    %broadcast_in_dim3A_21 = arith.constant 0.000000e+00 : f32
    %broadcast_in_dim3A_22 = vector.broadcast %broadcast_in_dim3A_21 : f32 to vector<8x896xf32>
    %swap3A_23 = arith.constant 0 : index
    %swap3A_24 = arith.constant 0 : index
    %swap3A_25 = vector.load %arg7[%swap3A_23, %swap3A_24] : memref<8x896xf32, #tpu.memory_space<vmem>>, vector<8x896xf32>
    tpu.vector_store %arg7[%swap3A_23, %swap3A_24], %broadcast_in_dim3A_22 {strides = array<i32>} : memref<8x896xf32, #tpu.memory_space<vmem>>, vector<8x896xf32>,
    %broadcast_in_dim3A_26 = arith.constant 0 : i32
    %broadcast_in_dim3A_27 = vector.broadcast %broadcast_in_dim3A_26 : i32 to vector<8x1xi32>
    %get3A_28 = arith.constant 0 : index
    %get3A_29 = arith.constant 0 : index
    %get3A_30 = vector.load %arg3[%get3A_28, %get3A_29] : memref<8x4096xf32, #tpu.memory_space<vmem>>, vector<8x4096xf32>
    %scan3A = arith.constant 1 : i32
    %scan3A_31 = arith.constant 818 : i32
    %scan3A_32 = arith.addi %scan3A, %scan3A_31 : i32
    %scan3A_33 = arith.constant 1 : i32
    %scan3A_34:2 = scf.for %scan3A_96 = %scan3A to %scan3A_32 step %scan3A_33 iter_args(%scan3A_97 = %broadcast_in_dim3A_27, %scan3A_98 = %get3A_30) -> (vector<8x1xi32>, vector<8x4096xf32>)  : i32 {
      %eq3A_99 = vector.broadcast %scan3A_97 : vector<8x1xi32> to vector<8x4096xi32>
      %eq3A_100 = arith.cmpi eq, %iota3A, %eq3A_99 : vector<8x4096xi32>
      %jit3A_101 = arith.constant 0.000000e+00 : f32
      %broadcast_in_dim3A_102 = vector.broadcast %jit3A_101 : f32 to vector<8x4096xf32>
      %select_n3A_103 = arith.select %eq3A_100, %get3A_1, %broadcast_in_dim3A_102 : vector<8x4096xi1>, vector<8x4096xf32>
      %reduce_sum3A_104 = arith.constant dense<0.000000e+00> : vector<8xf32>
      %reduce_sum3A_105 = vector.multi_reduction <add>, %select_n3A_103, %reduce_sum3A_104 [1] : vector<8x4096xf32> to vector<8xf32>
      %broadcast_in_dim3A_106 = vector.shape_cast %reduce_sum3A_105 : vector<8xf32> to vector<8x1xf32>
      %jit3A_107 = arith.constant 0.000000e+00 : f32
      %broadcast_in_dim3A_108 = vector.broadcast %jit3A_107 : f32 to vector<8x4096xf32>
      %select_n3A_109 = arith.select %eq3A_100, %get3A_4, %broadcast_in_dim3A_108 : vector<8x4096xi1>, vector<8x4096xf32>
      %reduce_sum3A_110 = arith.constant dense<0.000000e+00> : vector<8xf32>
      %reduce_sum3A_111 = vector.multi_reduction <add>, %select_n3A_109, %reduce_sum3A_110 [1] : vector<8x4096xf32> to vector<8xf32>
      %broadcast_in_dim3A_112 = vector.shape_cast %reduce_sum3A_111 : vector<8xf32> to vector<8x1xf32>
      %jit3A_113 = arith.constant 0.000000e+00 : f32
      %broadcast_in_dim3A_114 = vector.broadcast %jit3A_113 : f32 to vector<8x4096xf32>
      %select_n3A_115 = arith.select %eq3A_100, %get3A_7, %broadcast_in_dim3A_114 : vector<8x4096xi1>, vector<8x4096xf32>
      %reduce_sum3A_116 = arith.constant dense<0.000000e+00> : vector<8xf32>
      %reduce_sum3A_117 = vector.multi_reduction <add>, %select_n3A_115, %reduce_sum3A_116 [1] : vector<8x4096xf32> to vector<8xf32>
      %broadcast_in_dim3A_118 = vector.shape_cast %reduce_sum3A_117 : vector<8xf32> to vector<8x1xf32>
      %sub3A = vector.broadcast %broadcast_in_dim3A_106 : vector<8x1xf32> to vector<8x4096xf32>
      %sub3A_119 = arith.subf %get3A_1, %sub3A : vector<8x4096xf32>
      %sub3A_120 = vector.broadcast %broadcast_in_dim3A_112 : vector<8x1xf32> to vector<8x4096xf32>
      %sub3A_121 = arith.subf %get3A_4, %sub3A_120 : vector<8x4096xf32>
      %sub3A_122 = vector.broadcast %broadcast_in_dim3A_118 : vector<8x1xf32> to vector<8x4096xf32>
      %sub3A_123 = arith.subf %get3A_7, %sub3A_122 : vector<8x4096xf32>
      %mul3A = arith.mulf %sub3A_119, %sub3A_119 : vector<8x4096xf32>
      %mul3A_124 = arith.mulf %sub3A_121, %sub3A_121 : vector<8x4096xf32>
      %add3A = arith.addf %mul3A, %mul3A_124 : vector<8x4096xf32>
      %mul3A_125 = arith.mulf %sub3A_123, %sub3A_123 : vector<8x4096xf32>
      %add3A_126 = arith.addf %add3A, %mul3A_125 : vector<8x4096xf32>
      %min3A = arith.minimumf %scan3A_98, %add3A_126 : vector<8x4096xf32>
      %reduce_max3A = arith.constant dense<0xFF800000> : vector<8xf32>
      %reduce_max3A_127 = vector.multi_reduction <maximumf>, %min3A, %reduce_max3A [1] : vector<8x4096xf32> to vector<8xf32>
      %broadcast_in_dim3A_128 = vector.shape_cast %reduce_max3A_127 : vector<8xf32> to vector<8x1xf32>
      %eq3A_129 = vector.broadcast %broadcast_in_dim3A_128 : vector<8x1xf32> to vector<8x4096xf32>
      %eq3A_130 = arith.cmpf oeq, %min3A, %eq3A_129 : vector<8x4096xf32>
      %jit3A_131 = arith.constant 4096 : i32
      %broadcast_in_dim3A_132 = vector.broadcast %jit3A_131 : i32 to vector<8x4096xi32>
      %select_n3A_133 = arith.select %eq3A_130, %iota3A, %broadcast_in_dim3A_132 : vector<8x4096xi1>, vector<8x4096xi32>
      %reduce_min3A = arith.constant dense<2147483647> : vector<8xi32>
      %reduce_min3A_134 = vector.multi_reduction <minsi>, %select_n3A_133, %reduce_min3A [1] : vector<8x4096xi32> to vector<8xi32>
      %broadcast_in_dim3A_135 = vector.shape_cast %reduce_min3A_134 : vector<8xi32> to vector<8x1xi32>
      %jit3A_136 = arith.constant 128 : i32
      %div3A = arith.divsi %scan3A_96, %jit3A_136 : i32
      %sign3A = arith.constant 0 : i32
      %sign3A_137 = arith.cmpi sgt, %scan3A_96, %sign3A : i32
      %sign3A_138 = arith.extui %sign3A_137 : i1 to i32
      %sign3A_139 = arith.constant 0 : i32
      %sign3A_140 = arith.cmpi slt, %scan3A_96, %sign3A_139 : i32
      %sign3A_141 = arith.extui %sign3A_140 : i1 to i32
      %sign3A_142 = arith.subi %sign3A_138, %sign3A_141 : i32
      %sign3A_143 = arith.constant 0 : i32
      %sign3A_144 = arith.cmpi sgt, %jit3A_136, %sign3A_143 : i32
      %sign3A_145 = arith.extui %sign3A_144 : i1 to i32
      %sign3A_146 = arith.constant 0 : i32
      %sign3A_147 = arith.cmpi slt, %jit3A_136, %sign3A_146 : i32
      %sign3A_148 = arith.extui %sign3A_147 : i1 to i32
      %sign3A_149 = arith.subi %sign3A_145, %sign3A_148 : i32
      %ne3A = arith.cmpi ne, %sign3A_142, %sign3A_149 : i32
      %rem3A = arith.remsi %scan3A_96, %jit3A_136 : i32
      %ne3A_150 = arith.constant 0 : i32
      %ne3A_151 = arith.cmpi ne, %rem3A, %ne3A_150 : i32
      %and3A = arith.andi %ne3A, %ne3A_151 : i1
      %sub3A_152 = arith.constant 1 : i32
      %sub3A_153 = arith.subi %div3A, %sub3A_152 : i32
      %select_n3A_154 = arith.select %and3A, %sub3A_153, %div3A : i32
      %mul3A_155 = arith.constant 128 : i32
      %mul3A_156 = arith.muli %select_n3A_154, %mul3A_155 : i32
      %multiple_of3A_157 = tpu.assume_multiple %mul3A_156, 128 : i32
      %iota3A_158 = tpu.iota {dimensions = array<i32: 1>} : vector<8x128xi32>
      %jit3A_159 = arith.constant 128 : i32
      %eq3A_160 = arith.constant 0 : i32
      %eq3A_161 = arith.cmpi eq, %jit3A_159, %eq3A_160 : i32
      %jit3A_162 = arith.constant 1 : i32
      %select_n3A_163 = arith.select %eq3A_161, %jit3A_162, %jit3A_159 : i32
      %rem3A_164 = arith.remsi %scan3A_96, %select_n3A_163 : i32
      %ne3A_165 = arith.constant 0 : i32
      %ne3A_166 = arith.cmpi ne, %rem3A_164, %ne3A_165 : i32
      %lt3A = arith.constant 0 : i32
      %lt3A_167 = arith.cmpi slt, %rem3A_164, %lt3A : i32
      %lt3A_168 = arith.constant 0 : i32
      %lt3A_169 = arith.cmpi slt, %select_n3A_163, %lt3A_168 : i32
      %ne3A_170 = arith.xori %lt3A_167, %lt3A_169 : i1
      %and3A_171 = arith.andi %ne3A_170, %ne3A_166 : i1
      %add3A_172 = arith.addi %rem3A_164, %select_n3A_163 : i32
      %select_n3A_173 = arith.select %and3A_171, %add3A_172, %rem3A_164 : i32
      %eq3A_174 = vector.broadcast %select_n3A_173 : i32 to vector<8x128xi32>
      %eq3A_175 = arith.cmpi eq, %iota3A_158, %eq3A_174 : vector<8x128xi32>
      %get3A_176 = arith.constant 0 : index
      %get3A_177 = arith.index_cast %multiple_of3A_157 : i32 to index
      %get3A_178 = vector.load %arg4[%get3A_176, %get3A_177] : memref<8x896xi32, #tpu.memory_space<vmem>>, vector<8x128xi32>
      %broadcast_in_dim3A_179 = vector.shape_cast %broadcast_in_dim3A_135 : vector<8x1xi32> to vector<8x1xi32>
      %broadcast_in_dim3A_180 = vector.broadcast %broadcast_in_dim3A_179 : vector<8x1xi32> to vector<8x128xi32>
      %select_n3A_181 = arith.select %eq3A_175, %broadcast_in_dim3A_180, %get3A_178 : vector<8x128xi1>, vector<8x128xi32>
      %swap3A_182 = arith.constant 0 : index
      %swap3A_183 = arith.index_cast %multiple_of3A_157 : i32 to index
      %swap3A_184 = vector.load %arg4[%swap3A_182, %swap3A_183] : memref<8x896xi32, #tpu.memory_space<vmem>>, vector<8x128xi32>
      tpu.vector_store %arg4[%swap3A_182, %swap3A_183], %select_n3A_181 {strides = array<i32>} : memref<8x896xi32, #tpu.memory_space<vmem>>, vector<8x128xi32>,
      %sub3A_185 = arith.constant 1 : i32
      %sub3A_186 = arith.subi %scan3A_96, %sub3A_185 : i32
      %jit3A_187 = arith.constant 128 : i32
      %div3A_188 = arith.divsi %sub3A_186, %jit3A_187 : i32
      %sign3A_189 = arith.constant 0 : i32
      %sign3A_190 = arith.cmpi sgt, %sub3A_186, %sign3A_189 : i32
      %sign3A_191 = arith.extui %sign3A_190 : i1 to i32
      %sign3A_192 = arith.constant 0 : i32
      %sign3A_193 = arith.cmpi slt, %sub3A_186, %sign3A_192 : i32
      %sign3A_194 = arith.extui %sign3A_193 : i1 to i32
      %sign3A_195 = arith.subi %sign3A_191, %sign3A_194 : i32
      %sign3A_196 = arith.constant 0 : i32
      %sign3A_197 = arith.cmpi sgt, %jit3A_187, %sign3A_196 : i32
      %sign3A_198 = arith.extui %sign3A_197 : i1 to i32
      %sign3A_199 = arith.constant 0 : i32
      %sign3A_200 = arith.cmpi slt, %jit3A_187, %sign3A_199 : i32
      %sign3A_201 = arith.extui %sign3A_200 : i1 to i32
      %sign3A_202 = arith.subi %sign3A_198, %sign3A_201 : i32
      %ne3A_203 = arith.cmpi ne, %sign3A_195, %sign3A_202 : i32
      %rem3A_204 = arith.remsi %sub3A_186, %jit3A_187 : i32
      %ne3A_205 = arith.constant 0 : i32
      %ne3A_206 = arith.cmpi ne, %rem3A_204, %ne3A_205 : i32
      %and3A_207 = arith.andi %ne3A_203, %ne3A_206 : i1
      %sub3A_208 = arith.constant 1 : i32
      %sub3A_209 = arith.subi %div3A_188, %sub3A_208 : i32
      %select_n3A_210 = arith.select %and3A_207, %sub3A_209, %div3A_188 : i32
      %mul3A_211 = arith.constant 128 : i32
      %mul3A_212 = arith.muli %select_n3A_210, %mul3A_211 : i32
      %multiple_of3A_213 = tpu.assume_multiple %mul3A_212, 128 : i32
      %iota3A_214 = tpu.iota {dimensions = array<i32: 1>} : vector<8x128xi32>
      %jit3A_215 = arith.constant 128 : i32
      %eq3A_216 = arith.constant 0 : i32
      %eq3A_217 = arith.cmpi eq, %jit3A_215, %eq3A_216 : i32
      %jit3A_218 = arith.constant 1 : i32
      %select_n3A_219 = arith.select %eq3A_217, %jit3A_218, %jit3A_215 : i32
      %rem3A_220 = arith.remsi %sub3A_186, %select_n3A_219 : i32
      %ne3A_221 = arith.constant 0 : i32
      %ne3A_222 = arith.cmpi ne, %rem3A_220, %ne3A_221 : i32
      %lt3A_223 = arith.constant 0 : i32
      %lt3A_224 = arith.cmpi slt, %rem3A_220, %lt3A_223 : i32
      %lt3A_225 = arith.constant 0 : i32
      %lt3A_226 = arith.cmpi slt, %select_n3A_219, %lt3A_225 : i32
      %ne3A_227 = arith.xori %lt3A_224, %lt3A_226 : i1
      %and3A_228 = arith.andi %ne3A_227, %ne3A_222 : i1
      %add3A_229 = arith.addi %rem3A_220, %select_n3A_219 : i32
      %select_n3A_230 = arith.select %and3A_228, %add3A_229, %rem3A_220 : i32
      %eq3A_231 = vector.broadcast %select_n3A_230 : i32 to vector<8x128xi32>
      %eq3A_232 = arith.cmpi eq, %iota3A_214, %eq3A_231 : vector<8x128xi32>
      %get3A_233 = arith.constant 0 : index
      %get3A_234 = arith.index_cast %multiple_of3A_213 : i32 to index
      %get3A_235 = vector.load %arg5[%get3A_233, %get3A_234] : memref<8x896xf32, #tpu.memory_space<vmem>>, vector<8x128xf32>
      %broadcast_in_dim3A_236 = vector.shape_cast %broadcast_in_dim3A_106 : vector<8x1xf32> to vector<8x1xf32>
      %broadcast_in_dim3A_237 = vector.broadcast %broadcast_in_dim3A_236 : vector<8x1xf32> to vector<8x128xf32>
      %select_n3A_238 = arith.select %eq3A_232, %broadcast_in_dim3A_237, %get3A_235 : vector<8x128xi1>, vector<8x128xf32>
      %swap3A_239 = arith.constant 0 : index
      %swap3A_240 = arith.index_cast %multiple_of3A_213 : i32 to index
      %swap3A_241 = vector.load %arg5[%swap3A_239, %swap3A_240] : memref<8x896xf32, #tpu.memory_space<vmem>>, vector<8x128xf32>
      tpu.vector_store %arg5[%swap3A_239, %swap3A_240], %select_n3A_238 {strides = array<i32>} : memref<8x896xf32, #tpu.memory_space<vmem>>, vector<8x128xf32>,
      %sub3A_242 = arith.constant 1 : i32
      %sub3A_243 = arith.subi %scan3A_96, %sub3A_242 : i32
      %jit3A_244 = arith.constant 128 : i32
      %div3A_245 = arith.divsi %sub3A_243, %jit3A_244 : i32
      %sign3A_246 = arith.constant 0 : i32
      %sign3A_247 = arith.cmpi sgt, %sub3A_243, %sign3A_246 : i32
      %sign3A_248 = arith.extui %sign3A_247 : i1 to i32
      %sign3A_249 = arith.constant 0 : i32
      %sign3A_250 = arith.cmpi slt, %sub3A_243, %sign3A_249 : i32
      %sign3A_251 = arith.extui %sign3A_250 : i1 to i32
      %sign3A_252 = arith.subi %sign3A_248, %sign3A_251 : i32
      %sign3A_253 = arith.constant 0 : i32
      %sign3A_254 = arith.cmpi sgt, %jit3A_244, %sign3A_253 : i32
      %sign3A_255 = arith.extui %sign3A_254 : i1 to i32
      %sign3A_256 = arith.constant 0 : i32
      %sign3A_257 = arith.cmpi slt, %jit3A_244, %sign3A_256 : i32
      %sign3A_258 = arith.extui %sign3A_257 : i1 to i32
      %sign3A_259 = arith.subi %sign3A_255, %sign3A_258 : i32
      %ne3A_260 = arith.cmpi ne, %sign3A_252, %sign3A_259 : i32
      %rem3A_261 = arith.remsi %sub3A_243, %jit3A_244 : i32
      %ne3A_262 = arith.constant 0 : i32
      %ne3A_263 = arith.cmpi ne, %rem3A_261, %ne3A_262 : i32
      %and3A_264 = arith.andi %ne3A_260, %ne3A_263 : i1
      %sub3A_265 = arith.constant 1 : i32
      %sub3A_266 = arith.subi %div3A_245, %sub3A_265 : i32
      %select_n3A_267 = arith.select %and3A_264, %sub3A_266, %div3A_245 : i32
      %mul3A_268 = arith.constant 128 : i32
      %mul3A_269 = arith.muli %select_n3A_267, %mul3A_268 : i32
      %multiple_of3A_270 = tpu.assume_multiple %mul3A_269, 128 : i32
      %iota3A_271 = tpu.iota {dimensions = array<i32: 1>} : vector<8x128xi32>
      %jit3A_272 = arith.constant 128 : i32
      %eq3A_273 = arith.constant 0 : i32
      %eq3A_274 = arith.cmpi eq, %jit3A_272, %eq3A_273 : i32
      %jit3A_275 = arith.constant 1 : i32
      %select_n3A_276 = arith.select %eq3A_274, %jit3A_275, %jit3A_272 : i32
      %rem3A_277 = arith.remsi %sub3A_243, %select_n3A_276 : i32
      %ne3A_278 = arith.constant 0 : i32
      %ne3A_279 = arith.cmpi ne, %rem3A_277, %ne3A_278 : i32
      %lt3A_280 = arith.constant 0 : i32
      %lt3A_281 = arith.cmpi slt, %rem3A_277, %lt3A_280 : i32
      %lt3A_282 = arith.constant 0 : i32
      %lt3A_283 = arith.cmpi slt, %select_n3A_276, %lt3A_282 : i32
      %ne3A_284 = arith.xori %lt3A_281, %lt3A_283 : i1
      %and3A_285 = arith.andi %ne3A_284, %ne3A_279 : i1
      %add3A_286 = arith.addi %rem3A_277, %select_n3A_276 : i32
      %select_n3A_287 = arith.select %and3A_285, %add3A_286, %rem3A_277 : i32
      %eq3A_288 = vector.broadcast %select_n3A_287 : i32 to vector<8x128xi32>
      %eq3A_289 = arith.cmpi eq, %iota3A_271, %eq3A_288 : vector<8x128xi32>
      %get3A_290 = arith.constant 0 : index
      %get3A_291 = arith.index_cast %multiple_of3A_270 : i32 to index
      %get3A_292 = vector.load %arg6[%get3A_290, %get3A_291] : memref<8x896xf32, #tpu.memory_space<vmem>>, vector<8x128xf32>
      %broadcast_in_dim3A_293 = vector.shape_cast %broadcast_in_dim3A_112 : vector<8x1xf32> to vector<8x1xf32>
      %broadcast_in_dim3A_294 = vector.broadcast %broadcast_in_dim3A_293 : vector<8x1xf32> to vector<8x128xf32>
      %select_n3A_295 = arith.select %eq3A_289, %broadcast_in_dim3A_294, %get3A_292 : vector<8x128xi1>, vector<8x128xf32>
      %swap3A_296 = arith.constant 0 : index
      %swap3A_297 = arith.index_cast %multiple_of3A_270 : i32 to index
      %swap3A_298 = vector.load %arg6[%swap3A_296, %swap3A_297] : memref<8x896xf32, #tpu.memory_space<vmem>>, vector<8x128xf32>
      tpu.vector_store %arg6[%swap3A_296, %swap3A_297], %select_n3A_295 {strides = array<i32>} : memref<8x896xf32, #tpu.memory_space<vmem>>, vector<8x128xf32>,
      %sub3A_299 = arith.constant 1 : i32
      %sub3A_300 = arith.subi %scan3A_96, %sub3A_299 : i32
      %jit3A_301 = arith.constant 128 : i32
      %div3A_302 = arith.divsi %sub3A_300, %jit3A_301 : i32
      %sign3A_303 = arith.constant 0 : i32
      %sign3A_304 = arith.cmpi sgt, %sub3A_300, %sign3A_303 : i32
      %sign3A_305 = arith.extui %sign3A_304 : i1 to i32
      %sign3A_306 = arith.constant 0 : i32
      %sign3A_307 = arith.cmpi slt, %sub3A_300, %sign3A_306 : i32
      %sign3A_308 = arith.extui %sign3A_307 : i1 to i32
      %sign3A_309 = arith.subi %sign3A_305, %sign3A_308 : i32
      %sign3A_310 = arith.constant 0 : i32
      %sign3A_311 = arith.cmpi sgt, %jit3A_301, %sign3A_310 : i32
      %sign3A_312 = arith.extui %sign3A_311 : i1 to i32
      %sign3A_313 = arith.constant 0 : i32
      %sign3A_314 = arith.cmpi slt, %jit3A_301, %sign3A_313 : i32
      %sign3A_315 = arith.extui %sign3A_314 : i1 to i32
      %sign3A_316 = arith.subi %sign3A_312, %sign3A_315 : i32
      %ne3A_317 = arith.cmpi ne, %sign3A_309, %sign3A_316 : i32
      %rem3A_318 = arith.remsi %sub3A_300, %jit3A_301 : i32
      %ne3A_319 = arith.constant 0 : i32
      %ne3A_320 = arith.cmpi ne, %rem3A_318, %ne3A_319 : i32
      %and3A_321 = arith.andi %ne3A_317, %ne3A_320 : i1
      %sub3A_322 = arith.constant 1 : i32
      %sub3A_323 = arith.subi %div3A_302, %sub3A_322 : i32
      %select_n3A_324 = arith.select %and3A_321, %sub3A_323, %div3A_302 : i32
      %mul3A_325 = arith.constant 128 : i32
      %mul3A_326 = arith.muli %select_n3A_324, %mul3A_325 : i32
      %multiple_of3A_327 = tpu.assume_multiple %mul3A_326, 128 : i32
      %iota3A_328 = tpu.iota {dimensions = array<i32: 1>} : vector<8x128xi32>
      %jit3A_329 = arith.constant 128 : i32
      %eq3A_330 = arith.constant 0 : i32
      %eq3A_331 = arith.cmpi eq, %jit3A_329, %eq3A_330 : i32
      %jit3A_332 = arith.constant 1 : i32
      %select_n3A_333 = arith.select %eq3A_331, %jit3A_332, %jit3A_329 : i32
      %rem3A_334 = arith.remsi %sub3A_300, %select_n3A_333 : i32
      %ne3A_335 = arith.constant 0 : i32
      %ne3A_336 = arith.cmpi ne, %rem3A_334, %ne3A_335 : i32
      %lt3A_337 = arith.constant 0 : i32
      %lt3A_338 = arith.cmpi slt, %rem3A_334, %lt3A_337 : i32
      %lt3A_339 = arith.constant 0 : i32
      %lt3A_340 = arith.cmpi slt, %select_n3A_333, %lt3A_339 : i32
      %ne3A_341 = arith.xori %lt3A_338, %lt3A_340 : i1
      %and3A_342 = arith.andi %ne3A_341, %ne3A_336 : i1
      %add3A_343 = arith.addi %rem3A_334, %select_n3A_333 : i32
      %select_n3A_344 = arith.select %and3A_342, %add3A_343, %rem3A_334 : i32
      %eq3A_345 = vector.broadcast %select_n3A_344 : i32 to vector<8x128xi32>
      %eq3A_346 = arith.cmpi eq, %iota3A_328, %eq3A_345 : vector<8x128xi32>
      %get3A_347 = arith.constant 0 : index
      %get3A_348 = arith.index_cast %multiple_of3A_327 : i32 to index
      %get3A_349 = vector.load %arg7[%get3A_347, %get3A_348] : memref<8x896xf32, #tpu.memory_space<vmem>>, vector<8x128xf32>
      %broadcast_in_dim3A_350 = vector.shape_cast %broadcast_in_dim3A_118 : vector<8x1xf32> to vector<8x1xf32>
      %broadcast_in_dim3A_351 = vector.broadcast %broadcast_in_dim3A_350 : vector<8x1xf32> to vector<8x128xf32>
      %select_n3A_352 = arith.select %eq3A_346, %broadcast_in_dim3A_351, %get3A_349 : vector<8x128xi1>, vector<8x128xf32>
      %swap3A_353 = arith.constant 0 : index
      %swap3A_354 = arith.index_cast %multiple_of3A_327 : i32 to index
      %swap3A_355 = vector.load %arg7[%swap3A_353, %swap3A_354] : memref<8x896xf32, #tpu.memory_space<vmem>>, vector<8x128xf32>
      tpu.vector_store %arg7[%swap3A_353, %swap3A_354], %select_n3A_352 {strides = array<i32>} : memref<8x896xf32, #tpu.memory_space<vmem>>, vector<8x128xf32>,
      scf.yield %broadcast_in_dim3A_135, %min3A : vector<8x1xi32>, vector<8x4096xf32>
    }
    %scan3A_35 = arith.constant 818 : i32
    %eq3A = vector.broadcast %scan3A_34#0 : vector<8x1xi32> to vector<8x4096xi32>
    %eq3A_36 = arith.cmpi eq, %iota3A, %eq3A : vector<8x4096xi32>
    %jit3A = arith.constant 0.000000e+00 : f32
    %broadcast_in_dim3A_37 = vector.broadcast %jit3A : f32 to vector<8x4096xf32>
    %select_n3A = arith.select %eq3A_36, %get3A_1, %broadcast_in_dim3A_37 : vector<8x4096xi1>, vector<8x4096xf32>
    %reduce_sum3A = arith.constant dense<0.000000e+00> : vector<8xf32>
    %reduce_sum3A_38 = vector.multi_reduction <add>, %select_n3A, %reduce_sum3A [1] : vector<8x4096xf32> to vector<8xf32>
    %broadcast_in_dim3A_39 = vector.shape_cast %reduce_sum3A_38 : vector<8xf32> to vector<8x1xf32>
    %multiple_of3A = arith.constant 768 : i32
    %multiple_of3A_40 = tpu.assume_multiple %multiple_of3A, 128 : i32
    %iota3A_41 = tpu.iota {dimensions = array<i32: 1>} : vector<8x128xi32>
    %eq3A_42 = arith.constant 50 : i32
    %eq3A_43 = vector.broadcast %eq3A_42 : i32 to vector<8x128xi32>
    %eq3A_44 = arith.cmpi eq, %iota3A_41, %eq3A_43 : vector<8x128xi32>
    %get3A_45 = arith.constant 0 : index
    %get3A_46 = arith.index_cast %multiple_of3A_40 : i32 to index
    %get3A_47 = vector.load %arg5[%get3A_45, %get3A_46] : memref<8x896xf32, #tpu.memory_space<vmem>>, vector<8x128xf32>
    %broadcast_in_dim3A_48 = vector.shape_cast %broadcast_in_dim3A_39 : vector<8x1xf32> to vector<8x1xf32>
    %broadcast_in_dim3A_49 = vector.broadcast %broadcast_in_dim3A_48 : vector<8x1xf32> to vector<8x128xf32>
    %select_n3A_50 = arith.select %eq3A_44, %broadcast_in_dim3A_49, %get3A_47 : vector<8x128xi1>, vector<8x128xf32>
    %swap3A_51 = arith.constant 0 : index
    %swap3A_52 = arith.index_cast %multiple_of3A_40 : i32 to index
    %swap3A_53 = vector.load %arg5[%swap3A_51, %swap3A_52] : memref<8x896xf32, #tpu.memory_space<vmem>>, vector<8x128xf32>
    tpu.vector_store %arg5[%swap3A_51, %swap3A_52], %select_n3A_50 {strides = array<i32>} : memref<8x896xf32, #tpu.memory_space<vmem>>, vector<8x128xf32>,
    %jit3A_54 = arith.constant 0.000000e+00 : f32
    %broadcast_in_dim3A_55 = vector.broadcast %jit3A_54 : f32 to vector<8x4096xf32>
    %select_n3A_56 = arith.select %eq3A_36, %get3A_4, %broadcast_in_dim3A_55 : vector<8x4096xi1>, vector<8x4096xf32>
    %reduce_sum3A_57 = arith.constant dense<0.000000e+00> : vector<8xf32>
    %reduce_sum3A_58 = vector.multi_reduction <add>, %select_n3A_56, %reduce_sum3A_57 [1] : vector<8x4096xf32> to vector<8xf32>
    %broadcast_in_dim3A_59 = vector.shape_cast %reduce_sum3A_58 : vector<8xf32> to vector<8x1xf32>
    %multiple_of3A_60 = arith.constant 768 : i32
    %multiple_of3A_61 = tpu.assume_multiple %multiple_of3A_60, 128 : i32
    %iota3A_62 = tpu.iota {dimensions = array<i32: 1>} : vector<8x128xi32>
    %eq3A_63 = arith.constant 50 : i32
    %eq3A_64 = vector.broadcast %eq3A_63 : i32 to vector<8x128xi32>
    %eq3A_65 = arith.cmpi eq, %iota3A_62, %eq3A_64 : vector<8x128xi32>
    %get3A_66 = arith.constant 0 : index
    %get3A_67 = arith.index_cast %multiple_of3A_61 : i32 to index
    %get3A_68 = vector.load %arg6[%get3A_66, %get3A_67] : memref<8x896xf32, #tpu.memory_space<vmem>>, vector<8x128xf32>
    %broadcast_in_dim3A_69 = vector.shape_cast %broadcast_in_dim3A_59 : vector<8x1xf32> to vector<8x1xf32>
    %broadcast_in_dim3A_70 = vector.broadcast %broadcast_in_dim3A_69 : vector<8x1xf32> to vector<8x128xf32>
    %select_n3A_71 = arith.select %eq3A_65, %broadcast_in_dim3A_70, %get3A_68 : vector<8x128xi1>, vector<8x128xf32>
    %swap3A_72 = arith.constant 0 : index
    %swap3A_73 = arith.index_cast %multiple_of3A_61 : i32 to index
    %swap3A_74 = vector.load %arg6[%swap3A_72, %swap3A_73] : memref<8x896xf32, #tpu.memory_space<vmem>>, vector<8x128xf32>
    tpu.vector_store %arg6[%swap3A_72, %swap3A_73], %select_n3A_71 {strides = array<i32>} : memref<8x896xf32, #tpu.memory_space<vmem>>, vector<8x128xf32>,
    %jit3A_75 = arith.constant 0.000000e+00 : f32
    %broadcast_in_dim3A_76 = vector.broadcast %jit3A_75 : f32 to vector<8x4096xf32>
    %select_n3A_77 = arith.select %eq3A_36, %get3A_7, %broadcast_in_dim3A_76 : vector<8x4096xi1>, vector<8x4096xf32>
    %reduce_sum3A_78 = arith.constant dense<0.000000e+00> : vector<8xf32>
    %reduce_sum3A_79 = vector.multi_reduction <add>, %select_n3A_77, %reduce_sum3A_78 [1] : vector<8x4096xf32> to vector<8xf32>
    %broadcast_in_dim3A_80 = vector.shape_cast %reduce_sum3A_79 : vector<8xf32> to vector<8x1xf32>
    %multiple_of3A_81 = arith.constant 768 : i32
    %multiple_of3A_82 = tpu.assume_multiple %multiple_of3A_81, 128 : i32
    %iota3A_83 = tpu.iota {dimensions = array<i32: 1>} : vector<8x128xi32>
    %eq3A_84 = arith.constant 50 : i32
    %eq3A_85 = vector.broadcast %eq3A_84 : i32 to vector<8x128xi32>
    %eq3A_86 = arith.cmpi eq, %iota3A_83, %eq3A_85 : vector<8x128xi32>
    %get3A_87 = arith.constant 0 : index
    %get3A_88 = arith.index_cast %multiple_of3A_82 : i32 to index
    %get3A_89 = vector.load %arg7[%get3A_87, %get3A_88] : memref<8x896xf32, #tpu.memory_space<vmem>>, vector<8x128xf32>
    %broadcast_in_dim3A_90 = vector.shape_cast %broadcast_in_dim3A_80 : vector<8x1xf32> to vector<8x1xf32>
    %broadcast_in_dim3A_91 = vector.broadcast %broadcast_in_dim3A_90 : vector<8x1xf32> to vector<8x128xf32>
    %select_n3A_92 = arith.select %eq3A_86, %broadcast_in_dim3A_91, %get3A_89 : vector<8x128xi1>, vector<8x128xf32>
    %swap3A_93 = arith.constant 0 : index
    %swap3A_94 = arith.index_cast %multiple_of3A_82 : i32 to index
    %swap3A_95 = vector.load %arg7[%swap3A_93, %swap3A_94] : memref<8x896xf32, #tpu.memory_space<vmem>>, vector<8x128xf32>
    tpu.vector_store %arg7[%swap3A_93, %swap3A_94], %select_n3A_92 {strides = array<i32>} : memref<8x896xf32, #tpu.memory_space<vmem>>, vector<8x128xf32>,
    return
  }
}

module attributes {stable_mosaic.version = 14 : i64} {
  func.func @_select_kernel(%arg0: i32, %arg1: i32, %arg2: memref<1x208x1xf32, #tpu.memory_space<vmem>>, %arg3: memref<1x208x1xf32, #tpu.memory_space<vmem>>, %arg4: memref<1x208x1xf32, #tpu.memory_space<vmem>>, %arg5: memref<1x1x4096xf32, #tpu.memory_space<vmem>>, %arg6: memref<1x1x4096xf32, #tpu.memory_space<vmem>>, %arg7: memref<1x1x4096xf32, #tpu.memory_space<vmem>>, %arg8: memref<1x208x4096xi32, #tpu.memory_space<vmem>>) attributes {dimension_semantics = [#tpu.dimension_semantics<arbitrary>, #tpu.dimension_semantics<arbitrary>], iteration_bounds = array<i64: 8, 4>, scalar_prefetch = 0 : i64, scratch_operands = 0 : i64, tpu.core_type = #tpu.core_type<tc>, window_params = [{transform_indices = @transform_0, window_bounds = array<i64: 1, 208, 1>}, {transform_indices = @transform_1, window_bounds = array<i64: 1, 208, 1>}, {transform_indices = @transform_2, window_bounds = array<i64: 1, 208, 1>}, {transform_indices = @transform_3, window_bounds = array<i64: 1, 1, 4096>}, {transform_indices = @transform_4, window_bounds = array<i64: 1, 1, 4096>}, {transform_indices = @transform_5, window_bounds = array<i64: 1, 1, 4096>}, {transform_indices = @transform_6, window_bounds = array<i64: 1, 208, 4096>}]} {
    %get3A = arith.constant 0 : index
    %get3A_0 = arith.constant 0 : index
    %get3A_1 = arith.constant 0 : index
    %get3A_2 = vector.load %arg2[%get3A, %get3A_0, %get3A_1] : memref<1x208x1xf32, #tpu.memory_space<vmem>>, vector<1x208x1xf32>
    %get3A_3 = vector.shape_cast %get3A_2 : vector<1x208x1xf32> to vector<208x1xf32>
    %get3A_4 = arith.constant 0 : index
    %get3A_5 = arith.constant 0 : index
    %get3A_6 = arith.constant 0 : index
    %get3A_7 = vector.load %arg3[%get3A_4, %get3A_5, %get3A_6] : memref<1x208x1xf32, #tpu.memory_space<vmem>>, vector<1x208x1xf32>
    %get3A_8 = vector.shape_cast %get3A_7 : vector<1x208x1xf32> to vector<208x1xf32>
    %get3A_9 = arith.constant 0 : index
    %get3A_10 = arith.constant 0 : index
    %get3A_11 = arith.constant 0 : index
    %get3A_12 = vector.load %arg4[%get3A_9, %get3A_10, %get3A_11] : memref<1x208x1xf32, #tpu.memory_space<vmem>>, vector<1x208x1xf32>
    %get3A_13 = vector.shape_cast %get3A_12 : vector<1x208x1xf32> to vector<208x1xf32>
    %get3A_14 = arith.constant 0 : index
    %get3A_15 = arith.constant 0 : index
    %get3A_16 = arith.constant 0 : index
    %get3A_17 = vector.load %arg5[%get3A_14, %get3A_15, %get3A_16] : memref<1x1x4096xf32, #tpu.memory_space<vmem>>, vector<1x1x4096xf32>
    %get3A_18 = vector.shape_cast %get3A_17 : vector<1x1x4096xf32> to vector<1x4096xf32>
    %get3A_19 = arith.constant 0 : index
    %get3A_20 = arith.constant 0 : index
    %get3A_21 = arith.constant 0 : index
    %get3A_22 = vector.load %arg6[%get3A_19, %get3A_20, %get3A_21] : memref<1x1x4096xf32, #tpu.memory_space<vmem>>, vector<1x1x4096xf32>
    %get3A_23 = vector.shape_cast %get3A_22 : vector<1x1x4096xf32> to vector<1x4096xf32>
    %get3A_24 = arith.constant 0 : index
    %get3A_25 = arith.constant 0 : index
    %get3A_26 = arith.constant 0 : index
    %get3A_27 = vector.load %arg7[%get3A_24, %get3A_25, %get3A_26] : memref<1x1x4096xf32, #tpu.memory_space<vmem>>, vector<1x1x4096xf32>
    %get3A_28 = vector.shape_cast %get3A_27 : vector<1x1x4096xf32> to vector<1x4096xf32>
    %sub3A = vector.broadcast %get3A_3 : vector<208x1xf32> to vector<208x4096xf32>
    %sub3A_29 = vector.broadcast %get3A_18 : vector<1x4096xf32> to vector<208x4096xf32>
    %sub3A_30 = arith.subf %sub3A, %sub3A_29 : vector<208x4096xf32>
    %sub3A_31 = vector.broadcast %get3A_8 : vector<208x1xf32> to vector<208x4096xf32>
    %sub3A_32 = vector.broadcast %get3A_23 : vector<1x4096xf32> to vector<208x4096xf32>
    %sub3A_33 = arith.subf %sub3A_31, %sub3A_32 : vector<208x4096xf32>
    %sub3A_34 = vector.broadcast %get3A_13 : vector<208x1xf32> to vector<208x4096xf32>
    %sub3A_35 = vector.broadcast %get3A_28 : vector<1x4096xf32> to vector<208x4096xf32>
    %sub3A_36 = arith.subf %sub3A_34, %sub3A_35 : vector<208x4096xf32>
    %mul3A = arith.mulf %sub3A_30, %sub3A_30 : vector<208x4096xf32>
    %mul3A_37 = arith.mulf %sub3A_33, %sub3A_33 : vector<208x4096xf32>
    %add3A = arith.addf %mul3A, %mul3A_37 : vector<208x4096xf32>
    %mul3A_38 = arith.mulf %sub3A_36, %sub3A_36 : vector<208x4096xf32>
    %add3A_39 = arith.addf %add3A, %mul3A_38 : vector<208x4096xf32>
    %iota3A = tpu.iota {dimensions = array<i32: 1>} : vector<208x4096xi32>
    %bitcast_convert_type3A = tpu.bitcast %add3A_39 : vector<208x4096xf32> -> vector<208x4096xi32>
    %le3A = arith.constant 4.000000e-02 : f32
    %le3A_40 = vector.broadcast %le3A : f32 to vector<208x4096xf32>
    %le3A_41 = arith.cmpf ole, %add3A_39, %le3A_40 : vector<208x4096xf32>
    %and3A = arith.constant -4096 : i32
    %and3A_42 = vector.broadcast %and3A : i32 to vector<208x4096xi32>
    %and3A_43 = arith.andi %bitcast_convert_type3A, %and3A_42 : vector<208x4096xi32>
    %or3A = arith.ori %and3A_43, %iota3A : vector<208x4096xi32>
    %jit3A = arith.constant 2130706432 : i32
    %broadcast_in_dim3A = vector.broadcast %jit3A : i32 to vector<208x4096xi32>
    %select_n3A = arith.select %le3A_41, %or3A, %broadcast_in_dim3A : vector<208x4096xi1>, vector<208x4096xi32>
    %swap3A = arith.constant 0 : index
    %swap3A_44 = arith.constant 0 : index
    %swap3A_45 = arith.constant 0 : index
    %swap3A_46 = vector.load %arg8[%swap3A, %swap3A_44, %swap3A_45] : memref<1x208x4096xi32, #tpu.memory_space<vmem>>, vector<1x208x4096xi32>
    %swap3A_47 = vector.shape_cast %swap3A_46 : vector<1x208x4096xi32> to vector<208x4096xi32>
    %swap3A_48 = vector.shape_cast %select_n3A : vector<208x4096xi32> to vector<1x208x4096xi32>
    tpu.vector_store %arg8[%swap3A, %swap3A_44, %swap3A_45], %swap3A_48 {strides = array<i32>} : memref<1x208x4096xi32, #tpu.memory_space<vmem>>, vector<1x208x4096xi32>,
    return
  }
  func.func @transform_0(%arg0: i32, %arg1: i32) -> (i32, i32, i32) {
    %c0_i32 = arith.constant 0 : i32
    %c0_i32_0 = arith.constant 0 : i32
    return %arg0, %arg1, %c0_i32 : i32, i32, i32
  }
  func.func @transform_1(%arg0: i32, %arg1: i32) -> (i32, i32, i32) {
    %c0_i32 = arith.constant 0 : i32
    %c0_i32_0 = arith.constant 0 : i32
    return %arg0, %arg1, %c0_i32 : i32, i32, i32
  }
  func.func @transform_2(%arg0: i32, %arg1: i32) -> (i32, i32, i32) {
    %c0_i32 = arith.constant 0 : i32
    %c0_i32_0 = arith.constant 0 : i32
    return %arg0, %arg1, %c0_i32 : i32, i32, i32
  }
  func.func @transform_3(%arg0: i32, %arg1: i32) -> (i32, i32, i32) {
    %c0_i32 = arith.constant 0 : i32
    %c0_i32_0 = arith.constant 0 : i32
    %c0_i32_1 = arith.constant 0 : i32
    return %arg0, %c0_i32, %c0_i32_0 : i32, i32, i32
  }
  func.func @transform_4(%arg0: i32, %arg1: i32) -> (i32, i32, i32) {
    %c0_i32 = arith.constant 0 : i32
    %c0_i32_0 = arith.constant 0 : i32
    %c0_i32_1 = arith.constant 0 : i32
    return %arg0, %c0_i32, %c0_i32_0 : i32, i32, i32
  }
  func.func @transform_5(%arg0: i32, %arg1: i32) -> (i32, i32, i32) {
    %c0_i32 = arith.constant 0 : i32
    %c0_i32_0 = arith.constant 0 : i32
    %c0_i32_1 = arith.constant 0 : i32
    return %arg0, %c0_i32, %c0_i32_0 : i32, i32, i32
  }
  func.func @transform_6(%arg0: i32, %arg1: i32) -> (i32, i32, i32) {
    %c0_i32 = arith.constant 0 : i32
    %c0_i32_0 = arith.constant 0 : i32
    return %arg0, %arg1, %c0_i32 : i32, i32, i32
  }
}

module attributes {stable_mosaic.version = 14 : i64} {
  func.func @_fps_kernel(%arg0: memref<8x896xf32, #tpu.memory_space<vmem>>, %arg1: memref<8x896xf32, #tpu.memory_space<vmem>>, %arg2: memref<8x896xf32, #tpu.memory_space<vmem>>, %arg3: memref<8x896xf32, #tpu.memory_space<vmem>>, %arg4: memref<8x256xi32, #tpu.memory_space<vmem>>, %arg5: memref<8x256xf32, #tpu.memory_space<vmem>>, %arg6: memref<8x256xf32, #tpu.memory_space<vmem>>, %arg7: memref<8x256xf32, #tpu.memory_space<vmem>>) attributes {dimension_semantics = [], scalar_prefetch = 0 : i64, scratch_operands = 0 : i64, tpu.core_type = #tpu.core_type<tc>} {
    %get3A = arith.constant 0 : index
    %get3A_0 = arith.constant 0 : index
    %get3A_1 = vector.load %arg0[%get3A, %get3A_0] : memref<8x896xf32, #tpu.memory_space<vmem>>, vector<8x896xf32>
    %get3A_2 = arith.constant 0 : index
    %get3A_3 = arith.constant 0 : index
    %get3A_4 = vector.load %arg1[%get3A_2, %get3A_3] : memref<8x896xf32, #tpu.memory_space<vmem>>, vector<8x896xf32>
    %get3A_5 = arith.constant 0 : index
    %get3A_6 = arith.constant 0 : index
    %get3A_7 = vector.load %arg2[%get3A_5, %get3A_6] : memref<8x896xf32, #tpu.memory_space<vmem>>, vector<8x896xf32>
    %iota3A = tpu.iota {dimensions = array<i32: 1>} : vector<8x896xi32>
    %broadcast_in_dim3A = arith.constant 0 : i32
    %broadcast_in_dim3A_8 = vector.broadcast %broadcast_in_dim3A : i32 to vector<8x256xi32>
    %swap3A = arith.constant 0 : index
    %swap3A_9 = arith.constant 0 : index
    %swap3A_10 = vector.load %arg4[%swap3A, %swap3A_9] : memref<8x256xi32, #tpu.memory_space<vmem>>, vector<8x256xi32>
    tpu.vector_store %arg4[%swap3A, %swap3A_9], %broadcast_in_dim3A_8 {strides = array<i32>} : memref<8x256xi32, #tpu.memory_space<vmem>>, vector<8x256xi32>,
    %broadcast_in_dim3A_11 = arith.constant 0.000000e+00 : f32
    %broadcast_in_dim3A_12 = vector.broadcast %broadcast_in_dim3A_11 : f32 to vector<8x256xf32>
    %swap3A_13 = arith.constant 0 : index
    %swap3A_14 = arith.constant 0 : index
    %swap3A_15 = vector.load %arg5[%swap3A_13, %swap3A_14] : memref<8x256xf32, #tpu.memory_space<vmem>>, vector<8x256xf32>
    tpu.vector_store %arg5[%swap3A_13, %swap3A_14], %broadcast_in_dim3A_12 {strides = array<i32>} : memref<8x256xf32, #tpu.memory_space<vmem>>, vector<8x256xf32>,
    %broadcast_in_dim3A_16 = arith.constant 0.000000e+00 : f32
    %broadcast_in_dim3A_17 = vector.broadcast %broadcast_in_dim3A_16 : f32 to vector<8x256xf32>
    %swap3A_18 = arith.constant 0 : index
    %swap3A_19 = arith.constant 0 : index
    %swap3A_20 = vector.load %arg6[%swap3A_18, %swap3A_19] : memref<8x256xf32, #tpu.memory_space<vmem>>, vector<8x256xf32>
    tpu.vector_store %arg6[%swap3A_18, %swap3A_19], %broadcast_in_dim3A_17 {strides = array<i32>} : memref<8x256xf32, #tpu.memory_space<vmem>>, vector<8x256xf32>,
    %broadcast_in_dim3A_21 = arith.constant 0.000000e+00 : f32
    %broadcast_in_dim3A_22 = vector.broadcast %broadcast_in_dim3A_21 : f32 to vector<8x256xf32>
    %swap3A_23 = arith.constant 0 : index
    %swap3A_24 = arith.constant 0 : index
    %swap3A_25 = vector.load %arg7[%swap3A_23, %swap3A_24] : memref<8x256xf32, #tpu.memory_space<vmem>>, vector<8x256xf32>
    tpu.vector_store %arg7[%swap3A_23, %swap3A_24], %broadcast_in_dim3A_22 {strides = array<i32>} : memref<8x256xf32, #tpu.memory_space<vmem>>, vector<8x256xf32>,
    %broadcast_in_dim3A_26 = arith.constant 0 : i32
    %broadcast_in_dim3A_27 = vector.broadcast %broadcast_in_dim3A_26 : i32 to vector<8x1xi32>
    %get3A_28 = arith.constant 0 : index
    %get3A_29 = arith.constant 0 : index
    %get3A_30 = vector.load %arg3[%get3A_28, %get3A_29] : memref<8x896xf32, #tpu.memory_space<vmem>>, vector<8x896xf32>
    %scan3A = arith.constant 1 : i32
    %scan3A_31 = arith.constant 204 : i32
    %scan3A_32 = arith.addi %scan3A, %scan3A_31 : i32
    %scan3A_33 = arith.constant 1 : i32
    %scan3A_34:2 = scf.for %scan3A_96 = %scan3A to %scan3A_32 step %scan3A_33 iter_args(%scan3A_97 = %broadcast_in_dim3A_27, %scan3A_98 = %get3A_30) -> (vector<8x1xi32>, vector<8x896xf32>)  : i32 {
      %eq3A_99 = vector.broadcast %scan3A_97 : vector<8x1xi32> to vector<8x896xi32>
      %eq3A_100 = arith.cmpi eq, %iota3A, %eq3A_99 : vector<8x896xi32>
      %jit3A_101 = arith.constant 0.000000e+00 : f32
      %broadcast_in_dim3A_102 = vector.broadcast %jit3A_101 : f32 to vector<8x896xf32>
      %select_n3A_103 = arith.select %eq3A_100, %get3A_1, %broadcast_in_dim3A_102 : vector<8x896xi1>, vector<8x896xf32>
      %reduce_sum3A_104 = arith.constant dense<0.000000e+00> : vector<8xf32>
      %reduce_sum3A_105 = vector.multi_reduction <add>, %select_n3A_103, %reduce_sum3A_104 [1] : vector<8x896xf32> to vector<8xf32>
      %broadcast_in_dim3A_106 = vector.shape_cast %reduce_sum3A_105 : vector<8xf32> to vector<8x1xf32>
      %jit3A_107 = arith.constant 0.000000e+00 : f32
      %broadcast_in_dim3A_108 = vector.broadcast %jit3A_107 : f32 to vector<8x896xf32>
      %select_n3A_109 = arith.select %eq3A_100, %get3A_4, %broadcast_in_dim3A_108 : vector<8x896xi1>, vector<8x896xf32>
      %reduce_sum3A_110 = arith.constant dense<0.000000e+00> : vector<8xf32>
      %reduce_sum3A_111 = vector.multi_reduction <add>, %select_n3A_109, %reduce_sum3A_110 [1] : vector<8x896xf32> to vector<8xf32>
      %broadcast_in_dim3A_112 = vector.shape_cast %reduce_sum3A_111 : vector<8xf32> to vector<8x1xf32>
      %jit3A_113 = arith.constant 0.000000e+00 : f32
      %broadcast_in_dim3A_114 = vector.broadcast %jit3A_113 : f32 to vector<8x896xf32>
      %select_n3A_115 = arith.select %eq3A_100, %get3A_7, %broadcast_in_dim3A_114 : vector<8x896xi1>, vector<8x896xf32>
      %reduce_sum3A_116 = arith.constant dense<0.000000e+00> : vector<8xf32>
      %reduce_sum3A_117 = vector.multi_reduction <add>, %select_n3A_115, %reduce_sum3A_116 [1] : vector<8x896xf32> to vector<8xf32>
      %broadcast_in_dim3A_118 = vector.shape_cast %reduce_sum3A_117 : vector<8xf32> to vector<8x1xf32>
      %sub3A = vector.broadcast %broadcast_in_dim3A_106 : vector<8x1xf32> to vector<8x896xf32>
      %sub3A_119 = arith.subf %get3A_1, %sub3A : vector<8x896xf32>
      %sub3A_120 = vector.broadcast %broadcast_in_dim3A_112 : vector<8x1xf32> to vector<8x896xf32>
      %sub3A_121 = arith.subf %get3A_4, %sub3A_120 : vector<8x896xf32>
      %sub3A_122 = vector.broadcast %broadcast_in_dim3A_118 : vector<8x1xf32> to vector<8x896xf32>
      %sub3A_123 = arith.subf %get3A_7, %sub3A_122 : vector<8x896xf32>
      %mul3A = arith.mulf %sub3A_119, %sub3A_119 : vector<8x896xf32>
      %mul3A_124 = arith.mulf %sub3A_121, %sub3A_121 : vector<8x896xf32>
      %add3A = arith.addf %mul3A, %mul3A_124 : vector<8x896xf32>
      %mul3A_125 = arith.mulf %sub3A_123, %sub3A_123 : vector<8x896xf32>
      %add3A_126 = arith.addf %add3A, %mul3A_125 : vector<8x896xf32>
      %min3A = arith.minimumf %scan3A_98, %add3A_126 : vector<8x896xf32>
      %reduce_max3A = arith.constant dense<0xFF800000> : vector<8xf32>
      %reduce_max3A_127 = vector.multi_reduction <maximumf>, %min3A, %reduce_max3A [1] : vector<8x896xf32> to vector<8xf32>
      %broadcast_in_dim3A_128 = vector.shape_cast %reduce_max3A_127 : vector<8xf32> to vector<8x1xf32>
      %eq3A_129 = vector.broadcast %broadcast_in_dim3A_128 : vector<8x1xf32> to vector<8x896xf32>
      %eq3A_130 = arith.cmpf oeq, %min3A, %eq3A_129 : vector<8x896xf32>
      %jit3A_131 = arith.constant 896 : i32
      %broadcast_in_dim3A_132 = vector.broadcast %jit3A_131 : i32 to vector<8x896xi32>
      %select_n3A_133 = arith.select %eq3A_130, %iota3A, %broadcast_in_dim3A_132 : vector<8x896xi1>, vector<8x896xi32>
      %reduce_min3A = arith.constant dense<2147483647> : vector<8xi32>
      %reduce_min3A_134 = vector.multi_reduction <minsi>, %select_n3A_133, %reduce_min3A [1] : vector<8x896xi32> to vector<8xi32>
      %broadcast_in_dim3A_135 = vector.shape_cast %reduce_min3A_134 : vector<8xi32> to vector<8x1xi32>
      %jit3A_136 = arith.constant 128 : i32
      %div3A = arith.divsi %scan3A_96, %jit3A_136 : i32
      %sign3A = arith.constant 0 : i32
      %sign3A_137 = arith.cmpi sgt, %scan3A_96, %sign3A : i32
      %sign3A_138 = arith.extui %sign3A_137 : i1 to i32
      %sign3A_139 = arith.constant 0 : i32
      %sign3A_140 = arith.cmpi slt, %scan3A_96, %sign3A_139 : i32
      %sign3A_141 = arith.extui %sign3A_140 : i1 to i32
      %sign3A_142 = arith.subi %sign3A_138, %sign3A_141 : i32
      %sign3A_143 = arith.constant 0 : i32
      %sign3A_144 = arith.cmpi sgt, %jit3A_136, %sign3A_143 : i32
      %sign3A_145 = arith.extui %sign3A_144 : i1 to i32
      %sign3A_146 = arith.constant 0 : i32
      %sign3A_147 = arith.cmpi slt, %jit3A_136, %sign3A_146 : i32
      %sign3A_148 = arith.extui %sign3A_147 : i1 to i32
      %sign3A_149 = arith.subi %sign3A_145, %sign3A_148 : i32
      %ne3A = arith.cmpi ne, %sign3A_142, %sign3A_149 : i32
      %rem3A = arith.remsi %scan3A_96, %jit3A_136 : i32
      %ne3A_150 = arith.constant 0 : i32
      %ne3A_151 = arith.cmpi ne, %rem3A, %ne3A_150 : i32
      %and3A = arith.andi %ne3A, %ne3A_151 : i1
      %sub3A_152 = arith.constant 1 : i32
      %sub3A_153 = arith.subi %div3A, %sub3A_152 : i32
      %select_n3A_154 = arith.select %and3A, %sub3A_153, %div3A : i32
      %mul3A_155 = arith.constant 128 : i32
      %mul3A_156 = arith.muli %select_n3A_154, %mul3A_155 : i32
      %multiple_of3A_157 = tpu.assume_multiple %mul3A_156, 128 : i32
      %iota3A_158 = tpu.iota {dimensions = array<i32: 1>} : vector<8x128xi32>
      %jit3A_159 = arith.constant 128 : i32
      %eq3A_160 = arith.constant 0 : i32
      %eq3A_161 = arith.cmpi eq, %jit3A_159, %eq3A_160 : i32
      %jit3A_162 = arith.constant 1 : i32
      %select_n3A_163 = arith.select %eq3A_161, %jit3A_162, %jit3A_159 : i32
      %rem3A_164 = arith.remsi %scan3A_96, %select_n3A_163 : i32
      %ne3A_165 = arith.constant 0 : i32
      %ne3A_166 = arith.cmpi ne, %rem3A_164, %ne3A_165 : i32
      %lt3A = arith.constant 0 : i32
      %lt3A_167 = arith.cmpi slt, %rem3A_164, %lt3A : i32
      %lt3A_168 = arith.constant 0 : i32
      %lt3A_169 = arith.cmpi slt, %select_n3A_163, %lt3A_168 : i32
      %ne3A_170 = arith.xori %lt3A_167, %lt3A_169 : i1
      %and3A_171 = arith.andi %ne3A_170, %ne3A_166 : i1
      %add3A_172 = arith.addi %rem3A_164, %select_n3A_163 : i32
      %select_n3A_173 = arith.select %and3A_171, %add3A_172, %rem3A_164 : i32
      %eq3A_174 = vector.broadcast %select_n3A_173 : i32 to vector<8x128xi32>
      %eq3A_175 = arith.cmpi eq, %iota3A_158, %eq3A_174 : vector<8x128xi32>
      %get3A_176 = arith.constant 0 : index
      %get3A_177 = arith.index_cast %multiple_of3A_157 : i32 to index
      %get3A_178 = vector.load %arg4[%get3A_176, %get3A_177] : memref<8x256xi32, #tpu.memory_space<vmem>>, vector<8x128xi32>
      %broadcast_in_dim3A_179 = vector.shape_cast %broadcast_in_dim3A_135 : vector<8x1xi32> to vector<8x1xi32>
      %broadcast_in_dim3A_180 = vector.broadcast %broadcast_in_dim3A_179 : vector<8x1xi32> to vector<8x128xi32>
      %select_n3A_181 = arith.select %eq3A_175, %broadcast_in_dim3A_180, %get3A_178 : vector<8x128xi1>, vector<8x128xi32>
      %swap3A_182 = arith.constant 0 : index
      %swap3A_183 = arith.index_cast %multiple_of3A_157 : i32 to index
      %swap3A_184 = vector.load %arg4[%swap3A_182, %swap3A_183] : memref<8x256xi32, #tpu.memory_space<vmem>>, vector<8x128xi32>
      tpu.vector_store %arg4[%swap3A_182, %swap3A_183], %select_n3A_181 {strides = array<i32>} : memref<8x256xi32, #tpu.memory_space<vmem>>, vector<8x128xi32>,
      %sub3A_185 = arith.constant 1 : i32
      %sub3A_186 = arith.subi %scan3A_96, %sub3A_185 : i32
      %jit3A_187 = arith.constant 128 : i32
      %div3A_188 = arith.divsi %sub3A_186, %jit3A_187 : i32
      %sign3A_189 = arith.constant 0 : i32
      %sign3A_190 = arith.cmpi sgt, %sub3A_186, %sign3A_189 : i32
      %sign3A_191 = arith.extui %sign3A_190 : i1 to i32
      %sign3A_192 = arith.constant 0 : i32
      %sign3A_193 = arith.cmpi slt, %sub3A_186, %sign3A_192 : i32
      %sign3A_194 = arith.extui %sign3A_193 : i1 to i32
      %sign3A_195 = arith.subi %sign3A_191, %sign3A_194 : i32
      %sign3A_196 = arith.constant 0 : i32
      %sign3A_197 = arith.cmpi sgt, %jit3A_187, %sign3A_196 : i32
      %sign3A_198 = arith.extui %sign3A_197 : i1 to i32
      %sign3A_199 = arith.constant 0 : i32
      %sign3A_200 = arith.cmpi slt, %jit3A_187, %sign3A_199 : i32
      %sign3A_201 = arith.extui %sign3A_200 : i1 to i32
      %sign3A_202 = arith.subi %sign3A_198, %sign3A_201 : i32
      %ne3A_203 = arith.cmpi ne, %sign3A_195, %sign3A_202 : i32
      %rem3A_204 = arith.remsi %sub3A_186, %jit3A_187 : i32
      %ne3A_205 = arith.constant 0 : i32
      %ne3A_206 = arith.cmpi ne, %rem3A_204, %ne3A_205 : i32
      %and3A_207 = arith.andi %ne3A_203, %ne3A_206 : i1
      %sub3A_208 = arith.constant 1 : i32
      %sub3A_209 = arith.subi %div3A_188, %sub3A_208 : i32
      %select_n3A_210 = arith.select %and3A_207, %sub3A_209, %div3A_188 : i32
      %mul3A_211 = arith.constant 128 : i32
      %mul3A_212 = arith.muli %select_n3A_210, %mul3A_211 : i32
      %multiple_of3A_213 = tpu.assume_multiple %mul3A_212, 128 : i32
      %iota3A_214 = tpu.iota {dimensions = array<i32: 1>} : vector<8x128xi32>
      %jit3A_215 = arith.constant 128 : i32
      %eq3A_216 = arith.constant 0 : i32
      %eq3A_217 = arith.cmpi eq, %jit3A_215, %eq3A_216 : i32
      %jit3A_218 = arith.constant 1 : i32
      %select_n3A_219 = arith.select %eq3A_217, %jit3A_218, %jit3A_215 : i32
      %rem3A_220 = arith.remsi %sub3A_186, %select_n3A_219 : i32
      %ne3A_221 = arith.constant 0 : i32
      %ne3A_222 = arith.cmpi ne, %rem3A_220, %ne3A_221 : i32
      %lt3A_223 = arith.constant 0 : i32
      %lt3A_224 = arith.cmpi slt, %rem3A_220, %lt3A_223 : i32
      %lt3A_225 = arith.constant 0 : i32
      %lt3A_226 = arith.cmpi slt, %select_n3A_219, %lt3A_225 : i32
      %ne3A_227 = arith.xori %lt3A_224, %lt3A_226 : i1
      %and3A_228 = arith.andi %ne3A_227, %ne3A_222 : i1
      %add3A_229 = arith.addi %rem3A_220, %select_n3A_219 : i32
      %select_n3A_230 = arith.select %and3A_228, %add3A_229, %rem3A_220 : i32
      %eq3A_231 = vector.broadcast %select_n3A_230 : i32 to vector<8x128xi32>
      %eq3A_232 = arith.cmpi eq, %iota3A_214, %eq3A_231 : vector<8x128xi32>
      %get3A_233 = arith.constant 0 : index
      %get3A_234 = arith.index_cast %multiple_of3A_213 : i32 to index
      %get3A_235 = vector.load %arg5[%get3A_233, %get3A_234] : memref<8x256xf32, #tpu.memory_space<vmem>>, vector<8x128xf32>
      %broadcast_in_dim3A_236 = vector.shape_cast %broadcast_in_dim3A_106 : vector<8x1xf32> to vector<8x1xf32>
      %broadcast_in_dim3A_237 = vector.broadcast %broadcast_in_dim3A_236 : vector<8x1xf32> to vector<8x128xf32>
      %select_n3A_238 = arith.select %eq3A_232, %broadcast_in_dim3A_237, %get3A_235 : vector<8x128xi1>, vector<8x128xf32>
      %swap3A_239 = arith.constant 0 : index
      %swap3A_240 = arith.index_cast %multiple_of3A_213 : i32 to index
      %swap3A_241 = vector.load %arg5[%swap3A_239, %swap3A_240] : memref<8x256xf32, #tpu.memory_space<vmem>>, vector<8x128xf32>
      tpu.vector_store %arg5[%swap3A_239, %swap3A_240], %select_n3A_238 {strides = array<i32>} : memref<8x256xf32, #tpu.memory_space<vmem>>, vector<8x128xf32>,
      %sub3A_242 = arith.constant 1 : i32
      %sub3A_243 = arith.subi %scan3A_96, %sub3A_242 : i32
      %jit3A_244 = arith.constant 128 : i32
      %div3A_245 = arith.divsi %sub3A_243, %jit3A_244 : i32
      %sign3A_246 = arith.constant 0 : i32
      %sign3A_247 = arith.cmpi sgt, %sub3A_243, %sign3A_246 : i32
      %sign3A_248 = arith.extui %sign3A_247 : i1 to i32
      %sign3A_249 = arith.constant 0 : i32
      %sign3A_250 = arith.cmpi slt, %sub3A_243, %sign3A_249 : i32
      %sign3A_251 = arith.extui %sign3A_250 : i1 to i32
      %sign3A_252 = arith.subi %sign3A_248, %sign3A_251 : i32
      %sign3A_253 = arith.constant 0 : i32
      %sign3A_254 = arith.cmpi sgt, %jit3A_244, %sign3A_253 : i32
      %sign3A_255 = arith.extui %sign3A_254 : i1 to i32
      %sign3A_256 = arith.constant 0 : i32
      %sign3A_257 = arith.cmpi slt, %jit3A_244, %sign3A_256 : i32
      %sign3A_258 = arith.extui %sign3A_257 : i1 to i32
      %sign3A_259 = arith.subi %sign3A_255, %sign3A_258 : i32
      %ne3A_260 = arith.cmpi ne, %sign3A_252, %sign3A_259 : i32
      %rem3A_261 = arith.remsi %sub3A_243, %jit3A_244 : i32
      %ne3A_262 = arith.constant 0 : i32
      %ne3A_263 = arith.cmpi ne, %rem3A_261, %ne3A_262 : i32
      %and3A_264 = arith.andi %ne3A_260, %ne3A_263 : i1
      %sub3A_265 = arith.constant 1 : i32
      %sub3A_266 = arith.subi %div3A_245, %sub3A_265 : i32
      %select_n3A_267 = arith.select %and3A_264, %sub3A_266, %div3A_245 : i32
      %mul3A_268 = arith.constant 128 : i32
      %mul3A_269 = arith.muli %select_n3A_267, %mul3A_268 : i32
      %multiple_of3A_270 = tpu.assume_multiple %mul3A_269, 128 : i32
      %iota3A_271 = tpu.iota {dimensions = array<i32: 1>} : vector<8x128xi32>
      %jit3A_272 = arith.constant 128 : i32
      %eq3A_273 = arith.constant 0 : i32
      %eq3A_274 = arith.cmpi eq, %jit3A_272, %eq3A_273 : i32
      %jit3A_275 = arith.constant 1 : i32
      %select_n3A_276 = arith.select %eq3A_274, %jit3A_275, %jit3A_272 : i32
      %rem3A_277 = arith.remsi %sub3A_243, %select_n3A_276 : i32
      %ne3A_278 = arith.constant 0 : i32
      %ne3A_279 = arith.cmpi ne, %rem3A_277, %ne3A_278 : i32
      %lt3A_280 = arith.constant 0 : i32
      %lt3A_281 = arith.cmpi slt, %rem3A_277, %lt3A_280 : i32
      %lt3A_282 = arith.constant 0 : i32
      %lt3A_283 = arith.cmpi slt, %select_n3A_276, %lt3A_282 : i32
      %ne3A_284 = arith.xori %lt3A_281, %lt3A_283 : i1
      %and3A_285 = arith.andi %ne3A_284, %ne3A_279 : i1
      %add3A_286 = arith.addi %rem3A_277, %select_n3A_276 : i32
      %select_n3A_287 = arith.select %and3A_285, %add3A_286, %rem3A_277 : i32
      %eq3A_288 = vector.broadcast %select_n3A_287 : i32 to vector<8x128xi32>
      %eq3A_289 = arith.cmpi eq, %iota3A_271, %eq3A_288 : vector<8x128xi32>
      %get3A_290 = arith.constant 0 : index
      %get3A_291 = arith.index_cast %multiple_of3A_270 : i32 to index
      %get3A_292 = vector.load %arg6[%get3A_290, %get3A_291] : memref<8x256xf32, #tpu.memory_space<vmem>>, vector<8x128xf32>
      %broadcast_in_dim3A_293 = vector.shape_cast %broadcast_in_dim3A_112 : vector<8x1xf32> to vector<8x1xf32>
      %broadcast_in_dim3A_294 = vector.broadcast %broadcast_in_dim3A_293 : vector<8x1xf32> to vector<8x128xf32>
      %select_n3A_295 = arith.select %eq3A_289, %broadcast_in_dim3A_294, %get3A_292 : vector<8x128xi1>, vector<8x128xf32>
      %swap3A_296 = arith.constant 0 : index
      %swap3A_297 = arith.index_cast %multiple_of3A_270 : i32 to index
      %swap3A_298 = vector.load %arg6[%swap3A_296, %swap3A_297] : memref<8x256xf32, #tpu.memory_space<vmem>>, vector<8x128xf32>
      tpu.vector_store %arg6[%swap3A_296, %swap3A_297], %select_n3A_295 {strides = array<i32>} : memref<8x256xf32, #tpu.memory_space<vmem>>, vector<8x128xf32>,
      %sub3A_299 = arith.constant 1 : i32
      %sub3A_300 = arith.subi %scan3A_96, %sub3A_299 : i32
      %jit3A_301 = arith.constant 128 : i32
      %div3A_302 = arith.divsi %sub3A_300, %jit3A_301 : i32
      %sign3A_303 = arith.constant 0 : i32
      %sign3A_304 = arith.cmpi sgt, %sub3A_300, %sign3A_303 : i32
      %sign3A_305 = arith.extui %sign3A_304 : i1 to i32
      %sign3A_306 = arith.constant 0 : i32
      %sign3A_307 = arith.cmpi slt, %sub3A_300, %sign3A_306 : i32
      %sign3A_308 = arith.extui %sign3A_307 : i1 to i32
      %sign3A_309 = arith.subi %sign3A_305, %sign3A_308 : i32
      %sign3A_310 = arith.constant 0 : i32
      %sign3A_311 = arith.cmpi sgt, %jit3A_301, %sign3A_310 : i32
      %sign3A_312 = arith.extui %sign3A_311 : i1 to i32
      %sign3A_313 = arith.constant 0 : i32
      %sign3A_314 = arith.cmpi slt, %jit3A_301, %sign3A_313 : i32
      %sign3A_315 = arith.extui %sign3A_314 : i1 to i32
      %sign3A_316 = arith.subi %sign3A_312, %sign3A_315 : i32
      %ne3A_317 = arith.cmpi ne, %sign3A_309, %sign3A_316 : i32
      %rem3A_318 = arith.remsi %sub3A_300, %jit3A_301 : i32
      %ne3A_319 = arith.constant 0 : i32
      %ne3A_320 = arith.cmpi ne, %rem3A_318, %ne3A_319 : i32
      %and3A_321 = arith.andi %ne3A_317, %ne3A_320 : i1
      %sub3A_322 = arith.constant 1 : i32
      %sub3A_323 = arith.subi %div3A_302, %sub3A_322 : i32
      %select_n3A_324 = arith.select %and3A_321, %sub3A_323, %div3A_302 : i32
      %mul3A_325 = arith.constant 128 : i32
      %mul3A_326 = arith.muli %select_n3A_324, %mul3A_325 : i32
      %multiple_of3A_327 = tpu.assume_multiple %mul3A_326, 128 : i32
      %iota3A_328 = tpu.iota {dimensions = array<i32: 1>} : vector<8x128xi32>
      %jit3A_329 = arith.constant 128 : i32
      %eq3A_330 = arith.constant 0 : i32
      %eq3A_331 = arith.cmpi eq, %jit3A_329, %eq3A_330 : i32
      %jit3A_332 = arith.constant 1 : i32
      %select_n3A_333 = arith.select %eq3A_331, %jit3A_332, %jit3A_329 : i32
      %rem3A_334 = arith.remsi %sub3A_300, %select_n3A_333 : i32
      %ne3A_335 = arith.constant 0 : i32
      %ne3A_336 = arith.cmpi ne, %rem3A_334, %ne3A_335 : i32
      %lt3A_337 = arith.constant 0 : i32
      %lt3A_338 = arith.cmpi slt, %rem3A_334, %lt3A_337 : i32
      %lt3A_339 = arith.constant 0 : i32
      %lt3A_340 = arith.cmpi slt, %select_n3A_333, %lt3A_339 : i32
      %ne3A_341 = arith.xori %lt3A_338, %lt3A_340 : i1
      %and3A_342 = arith.andi %ne3A_341, %ne3A_336 : i1
      %add3A_343 = arith.addi %rem3A_334, %select_n3A_333 : i32
      %select_n3A_344 = arith.select %and3A_342, %add3A_343, %rem3A_334 : i32
      %eq3A_345 = vector.broadcast %select_n3A_344 : i32 to vector<8x128xi32>
      %eq3A_346 = arith.cmpi eq, %iota3A_328, %eq3A_345 : vector<8x128xi32>
      %get3A_347 = arith.constant 0 : index
      %get3A_348 = arith.index_cast %multiple_of3A_327 : i32 to index
      %get3A_349 = vector.load %arg7[%get3A_347, %get3A_348] : memref<8x256xf32, #tpu.memory_space<vmem>>, vector<8x128xf32>
      %broadcast_in_dim3A_350 = vector.shape_cast %broadcast_in_dim3A_118 : vector<8x1xf32> to vector<8x1xf32>
      %broadcast_in_dim3A_351 = vector.broadcast %broadcast_in_dim3A_350 : vector<8x1xf32> to vector<8x128xf32>
      %select_n3A_352 = arith.select %eq3A_346, %broadcast_in_dim3A_351, %get3A_349 : vector<8x128xi1>, vector<8x128xf32>
      %swap3A_353 = arith.constant 0 : index
      %swap3A_354 = arith.index_cast %multiple_of3A_327 : i32 to index
      %swap3A_355 = vector.load %arg7[%swap3A_353, %swap3A_354] : memref<8x256xf32, #tpu.memory_space<vmem>>, vector<8x128xf32>
      tpu.vector_store %arg7[%swap3A_353, %swap3A_354], %select_n3A_352 {strides = array<i32>} : memref<8x256xf32, #tpu.memory_space<vmem>>, vector<8x128xf32>,
      scf.yield %broadcast_in_dim3A_135, %min3A : vector<8x1xi32>, vector<8x896xf32>
    }
    %scan3A_35 = arith.constant 204 : i32
    %eq3A = vector.broadcast %scan3A_34#0 : vector<8x1xi32> to vector<8x896xi32>
    %eq3A_36 = arith.cmpi eq, %iota3A, %eq3A : vector<8x896xi32>
    %jit3A = arith.constant 0.000000e+00 : f32
    %broadcast_in_dim3A_37 = vector.broadcast %jit3A : f32 to vector<8x896xf32>
    %select_n3A = arith.select %eq3A_36, %get3A_1, %broadcast_in_dim3A_37 : vector<8x896xi1>, vector<8x896xf32>
    %reduce_sum3A = arith.constant dense<0.000000e+00> : vector<8xf32>
    %reduce_sum3A_38 = vector.multi_reduction <add>, %select_n3A, %reduce_sum3A [1] : vector<8x896xf32> to vector<8xf32>
    %broadcast_in_dim3A_39 = vector.shape_cast %reduce_sum3A_38 : vector<8xf32> to vector<8x1xf32>
    %multiple_of3A = arith.constant 128 : i32
    %multiple_of3A_40 = tpu.assume_multiple %multiple_of3A, 128 : i32
    %iota3A_41 = tpu.iota {dimensions = array<i32: 1>} : vector<8x128xi32>
    %eq3A_42 = arith.constant 76 : i32
    %eq3A_43 = vector.broadcast %eq3A_42 : i32 to vector<8x128xi32>
    %eq3A_44 = arith.cmpi eq, %iota3A_41, %eq3A_43 : vector<8x128xi32>
    %get3A_45 = arith.constant 0 : index
    %get3A_46 = arith.index_cast %multiple_of3A_40 : i32 to index
    %get3A_47 = vector.load %arg5[%get3A_45, %get3A_46] : memref<8x256xf32, #tpu.memory_space<vmem>>, vector<8x128xf32>
    %broadcast_in_dim3A_48 = vector.shape_cast %broadcast_in_dim3A_39 : vector<8x1xf32> to vector<8x1xf32>
    %broadcast_in_dim3A_49 = vector.broadcast %broadcast_in_dim3A_48 : vector<8x1xf32> to vector<8x128xf32>
    %select_n3A_50 = arith.select %eq3A_44, %broadcast_in_dim3A_49, %get3A_47 : vector<8x128xi1>, vector<8x128xf32>
    %swap3A_51 = arith.constant 0 : index
    %swap3A_52 = arith.index_cast %multiple_of3A_40 : i32 to index
    %swap3A_53 = vector.load %arg5[%swap3A_51, %swap3A_52] : memref<8x256xf32, #tpu.memory_space<vmem>>, vector<8x128xf32>
    tpu.vector_store %arg5[%swap3A_51, %swap3A_52], %select_n3A_50 {strides = array<i32>} : memref<8x256xf32, #tpu.memory_space<vmem>>, vector<8x128xf32>,
    %jit3A_54 = arith.constant 0.000000e+00 : f32
    %broadcast_in_dim3A_55 = vector.broadcast %jit3A_54 : f32 to vector<8x896xf32>
    %select_n3A_56 = arith.select %eq3A_36, %get3A_4, %broadcast_in_dim3A_55 : vector<8x896xi1>, vector<8x896xf32>
    %reduce_sum3A_57 = arith.constant dense<0.000000e+00> : vector<8xf32>
    %reduce_sum3A_58 = vector.multi_reduction <add>, %select_n3A_56, %reduce_sum3A_57 [1] : vector<8x896xf32> to vector<8xf32>
    %broadcast_in_dim3A_59 = vector.shape_cast %reduce_sum3A_58 : vector<8xf32> to vector<8x1xf32>
    %multiple_of3A_60 = arith.constant 128 : i32
    %multiple_of3A_61 = tpu.assume_multiple %multiple_of3A_60, 128 : i32
    %iota3A_62 = tpu.iota {dimensions = array<i32: 1>} : vector<8x128xi32>
    %eq3A_63 = arith.constant 76 : i32
    %eq3A_64 = vector.broadcast %eq3A_63 : i32 to vector<8x128xi32>
    %eq3A_65 = arith.cmpi eq, %iota3A_62, %eq3A_64 : vector<8x128xi32>
    %get3A_66 = arith.constant 0 : index
    %get3A_67 = arith.index_cast %multiple_of3A_61 : i32 to index
    %get3A_68 = vector.load %arg6[%get3A_66, %get3A_67] : memref<8x256xf32, #tpu.memory_space<vmem>>, vector<8x128xf32>
    %broadcast_in_dim3A_69 = vector.shape_cast %broadcast_in_dim3A_59 : vector<8x1xf32> to vector<8x1xf32>
    %broadcast_in_dim3A_70 = vector.broadcast %broadcast_in_dim3A_69 : vector<8x1xf32> to vector<8x128xf32>
    %select_n3A_71 = arith.select %eq3A_65, %broadcast_in_dim3A_70, %get3A_68 : vector<8x128xi1>, vector<8x128xf32>
    %swap3A_72 = arith.constant 0 : index
    %swap3A_73 = arith.index_cast %multiple_of3A_61 : i32 to index
    %swap3A_74 = vector.load %arg6[%swap3A_72, %swap3A_73] : memref<8x256xf32, #tpu.memory_space<vmem>>, vector<8x128xf32>
    tpu.vector_store %arg6[%swap3A_72, %swap3A_73], %select_n3A_71 {strides = array<i32>} : memref<8x256xf32, #tpu.memory_space<vmem>>, vector<8x128xf32>,
    %jit3A_75 = arith.constant 0.000000e+00 : f32
    %broadcast_in_dim3A_76 = vector.broadcast %jit3A_75 : f32 to vector<8x896xf32>
    %select_n3A_77 = arith.select %eq3A_36, %get3A_7, %broadcast_in_dim3A_76 : vector<8x896xi1>, vector<8x896xf32>
    %reduce_sum3A_78 = arith.constant dense<0.000000e+00> : vector<8xf32>
    %reduce_sum3A_79 = vector.multi_reduction <add>, %select_n3A_77, %reduce_sum3A_78 [1] : vector<8x896xf32> to vector<8xf32>
    %broadcast_in_dim3A_80 = vector.shape_cast %reduce_sum3A_79 : vector<8xf32> to vector<8x1xf32>
    %multiple_of3A_81 = arith.constant 128 : i32
    %multiple_of3A_82 = tpu.assume_multiple %multiple_of3A_81, 128 : i32
    %iota3A_83 = tpu.iota {dimensions = array<i32: 1>} : vector<8x128xi32>
    %eq3A_84 = arith.constant 76 : i32
    %eq3A_85 = vector.broadcast %eq3A_84 : i32 to vector<8x128xi32>
    %eq3A_86 = arith.cmpi eq, %iota3A_83, %eq3A_85 : vector<8x128xi32>
    %get3A_87 = arith.constant 0 : index
    %get3A_88 = arith.index_cast %multiple_of3A_82 : i32 to index
    %get3A_89 = vector.load %arg7[%get3A_87, %get3A_88] : memref<8x256xf32, #tpu.memory_space<vmem>>, vector<8x128xf32>
    %broadcast_in_dim3A_90 = vector.shape_cast %broadcast_in_dim3A_80 : vector<8x1xf32> to vector<8x1xf32>
    %broadcast_in_dim3A_91 = vector.broadcast %broadcast_in_dim3A_90 : vector<8x1xf32> to vector<8x128xf32>
    %select_n3A_92 = arith.select %eq3A_86, %broadcast_in_dim3A_91, %get3A_89 : vector<8x128xi1>, vector<8x128xf32>
    %swap3A_93 = arith.constant 0 : index
    %swap3A_94 = arith.index_cast %multiple_of3A_82 : i32 to index
    %swap3A_95 = vector.load %arg7[%swap3A_93, %swap3A_94] : memref<8x256xf32, #tpu.memory_space<vmem>>, vector<8x128xf32>
    tpu.vector_store %arg7[%swap3A_93, %swap3A_94], %select_n3A_92 {strides = array<i32>} : memref<8x256xf32, #tpu.memory_space<vmem>>, vector<8x128xf32>,
    return
  }
}

module attributes {stable_mosaic.version = 14 : i64} {
  func.func @_select_kernel(%arg0: i32, %arg1: i32, %arg2: memref<1x256x1xf32, #tpu.memory_space<vmem>>, %arg3: memref<1x256x1xf32, #tpu.memory_space<vmem>>, %arg4: memref<1x256x1xf32, #tpu.memory_space<vmem>>, %arg5: memref<1x1x896xf32, #tpu.memory_space<vmem>>, %arg6: memref<1x1x896xf32, #tpu.memory_space<vmem>>, %arg7: memref<1x1x896xf32, #tpu.memory_space<vmem>>, %arg8: memref<1x256x896xi32, #tpu.memory_space<vmem>>) attributes {dimension_semantics = [#tpu.dimension_semantics<arbitrary>, #tpu.dimension_semantics<arbitrary>], iteration_bounds = array<i64: 8, 1>, scalar_prefetch = 0 : i64, scratch_operands = 0 : i64, tpu.core_type = #tpu.core_type<tc>, window_params = [{transform_indices = @transform_0, window_bounds = array<i64: 1, 256, 1>}, {transform_indices = @transform_1, window_bounds = array<i64: 1, 256, 1>}, {transform_indices = @transform_2, window_bounds = array<i64: 1, 256, 1>}, {transform_indices = @transform_3, window_bounds = array<i64: 1, 1, 896>}, {transform_indices = @transform_4, window_bounds = array<i64: 1, 1, 896>}, {transform_indices = @transform_5, window_bounds = array<i64: 1, 1, 896>}, {transform_indices = @transform_6, window_bounds = array<i64: 1, 256, 896>}]} {
    %get3A = arith.constant 0 : index
    %get3A_0 = arith.constant 0 : index
    %get3A_1 = arith.constant 0 : index
    %get3A_2 = vector.load %arg2[%get3A, %get3A_0, %get3A_1] : memref<1x256x1xf32, #tpu.memory_space<vmem>>, vector<1x256x1xf32>
    %get3A_3 = vector.shape_cast %get3A_2 : vector<1x256x1xf32> to vector<256x1xf32>
    %get3A_4 = arith.constant 0 : index
    %get3A_5 = arith.constant 0 : index
    %get3A_6 = arith.constant 0 : index
    %get3A_7 = vector.load %arg3[%get3A_4, %get3A_5, %get3A_6] : memref<1x256x1xf32, #tpu.memory_space<vmem>>, vector<1x256x1xf32>
    %get3A_8 = vector.shape_cast %get3A_7 : vector<1x256x1xf32> to vector<256x1xf32>
    %get3A_9 = arith.constant 0 : index
    %get3A_10 = arith.constant 0 : index
    %get3A_11 = arith.constant 0 : index
    %get3A_12 = vector.load %arg4[%get3A_9, %get3A_10, %get3A_11] : memref<1x256x1xf32, #tpu.memory_space<vmem>>, vector<1x256x1xf32>
    %get3A_13 = vector.shape_cast %get3A_12 : vector<1x256x1xf32> to vector<256x1xf32>
    %get3A_14 = arith.constant 0 : index
    %get3A_15 = arith.constant 0 : index
    %get3A_16 = arith.constant 0 : index
    %get3A_17 = vector.load %arg5[%get3A_14, %get3A_15, %get3A_16] : memref<1x1x896xf32, #tpu.memory_space<vmem>>, vector<1x1x896xf32>
    %get3A_18 = vector.shape_cast %get3A_17 : vector<1x1x896xf32> to vector<1x896xf32>
    %get3A_19 = arith.constant 0 : index
    %get3A_20 = arith.constant 0 : index
    %get3A_21 = arith.constant 0 : index
    %get3A_22 = vector.load %arg6[%get3A_19, %get3A_20, %get3A_21] : memref<1x1x896xf32, #tpu.memory_space<vmem>>, vector<1x1x896xf32>
    %get3A_23 = vector.shape_cast %get3A_22 : vector<1x1x896xf32> to vector<1x896xf32>
    %get3A_24 = arith.constant 0 : index
    %get3A_25 = arith.constant 0 : index
    %get3A_26 = arith.constant 0 : index
    %get3A_27 = vector.load %arg7[%get3A_24, %get3A_25, %get3A_26] : memref<1x1x896xf32, #tpu.memory_space<vmem>>, vector<1x1x896xf32>
    %get3A_28 = vector.shape_cast %get3A_27 : vector<1x1x896xf32> to vector<1x896xf32>
    %sub3A = vector.broadcast %get3A_3 : vector<256x1xf32> to vector<256x896xf32>
    %sub3A_29 = vector.broadcast %get3A_18 : vector<1x896xf32> to vector<256x896xf32>
    %sub3A_30 = arith.subf %sub3A, %sub3A_29 : vector<256x896xf32>
    %sub3A_31 = vector.broadcast %get3A_8 : vector<256x1xf32> to vector<256x896xf32>
    %sub3A_32 = vector.broadcast %get3A_23 : vector<1x896xf32> to vector<256x896xf32>
    %sub3A_33 = arith.subf %sub3A_31, %sub3A_32 : vector<256x896xf32>
    %sub3A_34 = vector.broadcast %get3A_13 : vector<256x1xf32> to vector<256x896xf32>
    %sub3A_35 = vector.broadcast %get3A_28 : vector<1x896xf32> to vector<256x896xf32>
    %sub3A_36 = arith.subf %sub3A_34, %sub3A_35 : vector<256x896xf32>
    %mul3A = arith.mulf %sub3A_30, %sub3A_30 : vector<256x896xf32>
    %mul3A_37 = arith.mulf %sub3A_33, %sub3A_33 : vector<256x896xf32>
    %add3A = arith.addf %mul3A, %mul3A_37 : vector<256x896xf32>
    %mul3A_38 = arith.mulf %sub3A_36, %sub3A_36 : vector<256x896xf32>
    %add3A_39 = arith.addf %add3A, %mul3A_38 : vector<256x896xf32>
    %iota3A = tpu.iota {dimensions = array<i32: 1>} : vector<256x896xi32>
    %bitcast_convert_type3A = tpu.bitcast %add3A_39 : vector<256x896xf32> -> vector<256x896xi32>
    %le3A = arith.constant 1.600000e-01 : f32
    %le3A_40 = vector.broadcast %le3A : f32 to vector<256x896xf32>
    %le3A_41 = arith.cmpf ole, %add3A_39, %le3A_40 : vector<256x896xf32>
    %and3A = arith.constant -4096 : i32
    %and3A_42 = vector.broadcast %and3A : i32 to vector<256x896xi32>
    %and3A_43 = arith.andi %bitcast_convert_type3A, %and3A_42 : vector<256x896xi32>
    %or3A = arith.ori %and3A_43, %iota3A : vector<256x896xi32>
    %jit3A = arith.constant 2130706432 : i32
    %broadcast_in_dim3A = vector.broadcast %jit3A : i32 to vector<256x896xi32>
    %select_n3A = arith.select %le3A_41, %or3A, %broadcast_in_dim3A : vector<256x896xi1>, vector<256x896xi32>
    %swap3A = arith.constant 0 : index
    %swap3A_44 = arith.constant 0 : index
    %swap3A_45 = arith.constant 0 : index
    %swap3A_46 = vector.load %arg8[%swap3A, %swap3A_44, %swap3A_45] : memref<1x256x896xi32, #tpu.memory_space<vmem>>, vector<1x256x896xi32>
    %swap3A_47 = vector.shape_cast %swap3A_46 : vector<1x256x896xi32> to vector<256x896xi32>
    %swap3A_48 = vector.shape_cast %select_n3A : vector<256x896xi32> to vector<1x256x896xi32>
    tpu.vector_store %arg8[%swap3A, %swap3A_44, %swap3A_45], %swap3A_48 {strides = array<i32>} : memref<1x256x896xi32, #tpu.memory_space<vmem>>, vector<1x256x896xi32>,
    return
  }
  func.func @transform_0(%arg0: i32, %arg1: i32) -> (i32, i32, i32) {
    %c0_i32 = arith.constant 0 : i32
    %c0_i32_0 = arith.constant 0 : i32
    return %arg0, %arg1, %c0_i32 : i32, i32, i32
  }
  func.func @transform_1(%arg0: i32, %arg1: i32) -> (i32, i32, i32) {
    %c0_i32 = arith.constant 0 : i32
    %c0_i32_0 = arith.constant 0 : i32
    return %arg0, %arg1, %c0_i32 : i32, i32, i32
  }
  func.func @transform_2(%arg0: i32, %arg1: i32) -> (i32, i32, i32) {
    %c0_i32 = arith.constant 0 : i32
    %c0_i32_0 = arith.constant 0 : i32
    return %arg0, %arg1, %c0_i32 : i32, i32, i32
  }
  func.func @transform_3(%arg0: i32, %arg1: i32) -> (i32, i32, i32) {
    %c0_i32 = arith.constant 0 : i32
    %c0_i32_0 = arith.constant 0 : i32
    %c0_i32_1 = arith.constant 0 : i32
    return %arg0, %c0_i32, %c0_i32_0 : i32, i32, i32
  }
  func.func @transform_4(%arg0: i32, %arg1: i32) -> (i32, i32, i32) {
    %c0_i32 = arith.constant 0 : i32
    %c0_i32_0 = arith.constant 0 : i32
    %c0_i32_1 = arith.constant 0 : i32
    return %arg0, %c0_i32, %c0_i32_0 : i32, i32, i32
  }
  func.func @transform_5(%arg0: i32, %arg1: i32) -> (i32, i32, i32) {
    %c0_i32 = arith.constant 0 : i32
    %c0_i32_0 = arith.constant 0 : i32
    %c0_i32_1 = arith.constant 0 : i32
    return %arg0, %c0_i32, %c0_i32_0 : i32, i32, i32
  }
  func.func @transform_6(%arg0: i32, %arg1: i32) -> (i32, i32, i32) {
    %c0_i32 = arith.constant 0 : i32
    %c0_i32_0 = arith.constant 0 : i32
    return %arg0, %arg1, %c0_i32 : i32, i32, i32
  }
}

module attributes {stable_mosaic.version = 14 : i64} {
  func.func @_sa_mlp_kernel(%arg0: i32, %arg1: memref<6656x16xf32, #tpu.memory_space<vmem>>, %arg2: memref<6656x3xf32, #tpu.memory_space<vmem>>, %arg3: memref<6656x1xi32, #tpu.memory_space<vmem>>, %arg4: memref<104x1xi32, #tpu.memory_space<vmem>>, %arg5: memref<16x64xf32, #tpu.memory_space<vmem>>, %arg6: memref<3x64xf32, #tpu.memory_space<vmem>>, %arg7: memref<64xf32, #tpu.memory_space<vmem>>, %arg8: memref<64x64xf32, #tpu.memory_space<vmem>>, %arg9: memref<64xf32, #tpu.memory_space<vmem>>, %arg10: memref<64x128xf32, #tpu.memory_space<vmem>>, %arg11: memref<128xf32, #tpu.memory_space<vmem>>, %arg12: memref<104x128xf32, #tpu.memory_space<vmem>>) attributes {dimension_semantics = [#tpu.dimension_semantics<arbitrary>], iteration_bounds = array<i64: 64>, scalar_prefetch = 0 : i64, scratch_operands = 0 : i64, tpu.core_type = #tpu.core_type<tc>, window_params = [{transform_indices = @transform_0, window_bounds = array<i64: 6656, 16>}, {transform_indices = @transform_1, window_bounds = array<i64: 6656, 3>}, {transform_indices = @transform_2, window_bounds = array<i64: 6656, 1>}, {transform_indices = @transform_3, window_bounds = array<i64: 104, 1>}, {pipeline_mode = #tpu.pipeline_mode<synchronous>, transform_indices = @transform_4, window_bounds = array<i64: 16, 64>}, {pipeline_mode = #tpu.pipeline_mode<synchronous>, transform_indices = @transform_5, window_bounds = array<i64: 3, 64>}, {pipeline_mode = #tpu.pipeline_mode<synchronous>, transform_indices = @transform_6, window_bounds = array<i64: 64>}, {pipeline_mode = #tpu.pipeline_mode<synchronous>, transform_indices = @transform_7, window_bounds = array<i64: 64, 64>}, {pipeline_mode = #tpu.pipeline_mode<synchronous>, transform_indices = @transform_8, window_bounds = array<i64: 64>}, {pipeline_mode = #tpu.pipeline_mode<synchronous>, transform_indices = @transform_9, window_bounds = array<i64: 64, 128>}, {pipeline_mode = #tpu.pipeline_mode<synchronous>, transform_indices = @transform_10, window_bounds = array<i64: 128>}, {transform_indices = @transform_11, window_bounds = array<i64: 104, 128>}]} {
    %get3A = arith.constant 0 : index
    %get3A_0 = arith.constant 0 : index
    %get3A_1 = vector.load %arg1[%get3A, %get3A_0] : memref<6656x16xf32, #tpu.memory_space<vmem>>, vector<6656x16xf32>
    %get3A_2 = arith.constant 0 : index
    %get3A_3 = arith.constant 0 : index
    %get3A_4 = vector.load %arg2[%get3A_2, %get3A_3] : memref<6656x3xf32, #tpu.memory_space<vmem>>, vector<6656x3xf32>
    %get3A_5 = arith.constant 0 : index
    %get3A_6 = arith.constant 0 : index
    %get3A_7 = vector.load %arg6[%get3A_5, %get3A_6] : memref<3x64xf32, #tpu.memory_space<vmem>>, vector<3x64xf32>
    %dot_general3A = arith.constant dense<0.000000e+00> : vector<6656x64xf32>
    %dot_general3A_8 = tpu.matmul %get3A_4, %get3A_7, %dot_general3A {dimension_numbers = #tpu.dot_dimension_numbers<[1], [0], [0], [1], [0, 0, 1, 1], [], []>, transpose_lhs_hint = false} : vector<6656x3xf32>, vector<3x64xf32>, vector<6656x64xf32> -> vector<6656x64xf32>
    %get3A_9 = arith.constant 0 : index
    %get3A_10 = arith.constant 0 : index
    %get3A_11 = vector.load %arg5[%get3A_9, %get3A_10] : memref<16x64xf32, #tpu.memory_space<vmem>>, vector<16x64xf32>
    %dot_general3A_12 = arith.constant dense<0.000000e+00> : vector<6656x64xf32>
    %dot_general3A_13 = tpu.matmul %get3A_1, %get3A_11, %dot_general3A_12 {dimension_numbers = #tpu.dot_dimension_numbers<[1], [0], [0], [1], [0, 0, 1, 1], [], []>, transpose_lhs_hint = false} : vector<6656x16xf32>, vector<16x64xf32>, vector<6656x64xf32> -> vector<6656x64xf32>
    %get3A_14 = arith.constant 0 : index
    %get3A_15 = vector.load %arg7[%get3A_14] : memref<64xf32, #tpu.memory_space<vmem>>, vector<64xf32>
    %broadcast_in_dim3A = vector.shape_cast %get3A_15 : vector<64xf32> to vector<1x64xf32>
    %add3A = vector.broadcast %broadcast_in_dim3A : vector<1x64xf32> to vector<6656x64xf32>
    %add3A_16 = arith.addf %dot_general3A_13, %add3A : vector<6656x64xf32>
    %sub3A = arith.subf %add3A_16, %dot_general3A_8 : vector<6656x64xf32>
    %max3A = arith.constant 0.000000e+00 : f32
    %max3A_17 = vector.broadcast %max3A : f32 to vector<6656x64xf32>
    %max3A_18 = arith.maximumf %sub3A, %max3A_17 : vector<6656x64xf32>
    %get3A_19 = arith.constant 0 : index
    %get3A_20 = arith.constant 0 : index
    %get3A_21 = vector.load %arg8[%get3A_19, %get3A_20] : memref<64x64xf32, #tpu.memory_space<vmem>>, vector<64x64xf32>
    %dot_general3A_22 = arith.constant dense<0.000000e+00> : vector<6656x64xf32>
    %dot_general3A_23 = tpu.matmul %max3A_18, %get3A_21, %dot_general3A_22 {dimension_numbers = #tpu.dot_dimension_numbers<[1], [0], [0], [1], [0, 0, 1, 1], [], []>, transpose_lhs_hint = false} : vector<6656x64xf32>, vector<64x64xf32>, vector<6656x64xf32> -> vector<6656x64xf32>
    %get3A_24 = arith.constant 0 : index
    %get3A_25 = vector.load %arg9[%get3A_24] : memref<64xf32, #tpu.memory_space<vmem>>, vector<64xf32>
    %broadcast_in_dim3A_26 = vector.shape_cast %get3A_25 : vector<64xf32> to vector<1x64xf32>
    %add3A_27 = vector.broadcast %broadcast_in_dim3A_26 : vector<1x64xf32> to vector<6656x64xf32>
    %add3A_28 = arith.addf %dot_general3A_23, %add3A_27 : vector<6656x64xf32>
    %max3A_29 = arith.constant 0.000000e+00 : f32
    %max3A_30 = vector.broadcast %max3A_29 : f32 to vector<6656x64xf32>
    %max3A_31 = arith.maximumf %add3A_28, %max3A_30 : vector<6656x64xf32>
    %get3A_32 = arith.constant 0 : index
    %get3A_33 = arith.constant 0 : index
    %get3A_34 = vector.load %arg10[%get3A_32, %get3A_33] : memref<64x128xf32, #tpu.memory_space<vmem>>, vector<64x128xf32>
    %dot_general3A_35 = arith.constant dense<0.000000e+00> : vector<6656x128xf32>
    %dot_general3A_36 = tpu.matmul %max3A_31, %get3A_34, %dot_general3A_35 {dimension_numbers = #tpu.dot_dimension_numbers<[1], [0], [0], [1], [0, 0, 1, 1], [], []>, transpose_lhs_hint = false} : vector<6656x64xf32>, vector<64x128xf32>, vector<6656x128xf32> -> vector<6656x128xf32>
    %get3A_37 = arith.constant 0 : index
    %get3A_38 = vector.load %arg11[%get3A_37] : memref<128xf32, #tpu.memory_space<vmem>>, vector<128xf32>
    %broadcast_in_dim3A_39 = vector.shape_cast %get3A_38 : vector<128xf32> to vector<1x128xf32>
    %add3A_40 = vector.broadcast %broadcast_in_dim3A_39 : vector<1x128xf32> to vector<6656x128xf32>
    %add3A_41 = arith.addf %dot_general3A_36, %add3A_40 : vector<6656x128xf32>
    %get3A_42 = arith.constant 0 : index
    %get3A_43 = arith.constant 0 : index
    %get3A_44 = vector.load %arg3[%get3A_42, %get3A_43] : memref<6656x1xi32, #tpu.memory_space<vmem>>, vector<6656x1xi32>
    %gt3A = arith.constant 0 : i32
    %gt3A_45 = vector.broadcast %gt3A : i32 to vector<6656x1xi32>
    %gt3A_46 = arith.cmpi sgt, %get3A_44, %gt3A_45 : vector<6656x1xi32>
    %jit3A = arith.constant 0xFF800000 : f32
    %broadcast_in_dim3A_47 = vector.shape_cast %gt3A_46 : vector<6656x1xi1> to vector<6656x1xi1>
    %broadcast_in_dim3A_48 = vector.broadcast %broadcast_in_dim3A_47 : vector<6656x1xi1> to vector<6656x128xi1>
    %broadcast_in_dim3A_49 = vector.broadcast %jit3A : f32 to vector<6656x128xf32>
    %select_n3A = arith.select %broadcast_in_dim3A_48, %add3A_41, %broadcast_in_dim3A_49 : vector<6656x128xi1>, vector<6656x128xf32>
    %reshape3A = vector.shape_cast %select_n3A : vector<6656x128xf32> to vector<104x64x128xf32>
    %reduce_max3A = arith.constant dense<0xFF800000> : vector<104x128xf32>
    %reduce_max3A_50 = vector.multi_reduction <maximumf>, %reshape3A, %reduce_max3A [1] : vector<104x64x128xf32> to vector<104x128xf32>
    %get3A_51 = arith.constant 0 : index
    %get3A_52 = arith.constant 0 : index
    %get3A_53 = vector.load %arg4[%get3A_51, %get3A_52] : memref<104x1xi32, #tpu.memory_space<vmem>>, vector<104x1xi32>
    %gt3A_54 = arith.constant 0 : i32
    %gt3A_55 = vector.broadcast %gt3A_54 : i32 to vector<104x1xi32>
    %gt3A_56 = arith.cmpi sgt, %get3A_53, %gt3A_55 : vector<104x1xi32>
    %jit3A_57 = arith.constant 0.000000e+00 : f32
    %broadcast_in_dim3A_58 = vector.shape_cast %gt3A_56 : vector<104x1xi1> to vector<104x1xi1>
    %broadcast_in_dim3A_59 = vector.broadcast %broadcast_in_dim3A_58 : vector<104x1xi1> to vector<104x128xi1>
    %broadcast_in_dim3A_60 = vector.broadcast %jit3A_57 : f32 to vector<104x128xf32>
    %select_n3A_61 = arith.select %broadcast_in_dim3A_59, %reduce_max3A_50, %broadcast_in_dim3A_60 : vector<104x128xi1>, vector<104x128xf32>
    %swap3A = arith.constant 0 : index
    %swap3A_62 = arith.constant 0 : index
    %swap3A_63 = vector.load %arg12[%swap3A, %swap3A_62] : memref<104x128xf32, #tpu.memory_space<vmem>>, vector<104x128xf32>
    tpu.vector_store %arg12[%swap3A, %swap3A_62], %select_n3A_61 {strides = array<i32>} : memref<104x128xf32, #tpu.memory_space<vmem>>, vector<104x128xf32>,
    return
  }
  func.func @transform_0(%arg0: i32) -> (i32, i32) {
    %c0_i32 = arith.constant 0 : i32
    %c0_i32_0 = arith.constant 0 : i32
    return %arg0, %c0_i32 : i32, i32
  }
  func.func @transform_1(%arg0: i32) -> (i32, i32) {
    %c0_i32 = arith.constant 0 : i32
    %c0_i32_0 = arith.constant 0 : i32
    return %arg0, %c0_i32 : i32, i32
  }
  func.func @transform_2(%arg0: i32) -> (i32, i32) {
    %c0_i32 = arith.constant 0 : i32
    %c0_i32_0 = arith.constant 0 : i32
    return %arg0, %c0_i32 : i32, i32
  }
  func.func @transform_3(%arg0: i32) -> (i32, i32) {
    %c0_i32 = arith.constant 0 : i32
    %c0_i32_0 = arith.constant 0 : i32
    return %arg0, %c0_i32 : i32, i32
  }
  func.func @transform_4(%arg0: i32) -> (i32, i32) {
    %c0_i32 = arith.constant 0 : i32
    %c0_i32_0 = arith.constant 0 : i32
    %c0_i32_1 = arith.constant 0 : i32
    return %c0_i32, %c0_i32_0 : i32, i32
  }
  func.func @transform_5(%arg0: i32) -> (i32, i32) {
    %c0_i32 = arith.constant 0 : i32
    %c0_i32_0 = arith.constant 0 : i32
    %c0_i32_1 = arith.constant 0 : i32
    return %c0_i32, %c0_i32_0 : i32, i32
  }
  func.func @transform_6(%arg0: i32) -> i32 {
    %c0_i32 = arith.constant 0 : i32
    %c0_i32_0 = arith.constant 0 : i32
    return %c0_i32 : i32
  }
  func.func @transform_7(%arg0: i32) -> (i32, i32) {
    %c0_i32 = arith.constant 0 : i32
    %c0_i32_0 = arith.constant 0 : i32
    %c0_i32_1 = arith.constant 0 : i32
    return %c0_i32, %c0_i32_0 : i32, i32
  }
  func.func @transform_8(%arg0: i32) -> i32 {
    %c0_i32 = arith.constant 0 : i32
    %c0_i32_0 = arith.constant 0 : i32
    return %c0_i32 : i32
  }
  func.func @transform_9(%arg0: i32) -> (i32, i32) {
    %c0_i32 = arith.constant 0 : i32
    %c0_i32_0 = arith.constant 0 : i32
    %c0_i32_1 = arith.constant 0 : i32
    return %c0_i32, %c0_i32_0 : i32, i32
  }
  func.func @transform_10(%arg0: i32) -> i32 {
    %c0_i32 = arith.constant 0 : i32
    %c0_i32_0 = arith.constant 0 : i32
    return %c0_i32 : i32
  }
  func.func @transform_11(%arg0: i32) -> (i32, i32) {
    %c0_i32 = arith.constant 0 : i32
    %c0_i32_0 = arith.constant 0 : i32
    return %arg0, %c0_i32 : i32, i32
  }
}

module attributes {stable_mosaic.version = 14 : i64} {
  func.func @_sa_mlp_kernel(%arg0: i32, %arg1: memref<4096x144xf32, #tpu.memory_space<vmem>>, %arg2: memref<4096x3xf32, #tpu.memory_space<vmem>>, %arg3: memref<4096x1xi32, #tpu.memory_space<vmem>>, %arg4: memref<64x1xi32, #tpu.memory_space<vmem>>, %arg5: memref<144x128xf32, #tpu.memory_space<vmem>>, %arg6: memref<3x128xf32, #tpu.memory_space<vmem>>, %arg7: memref<128xf32, #tpu.memory_space<vmem>>, %arg8: memref<128x128xf32, #tpu.memory_space<vmem>>, %arg9: memref<128xf32, #tpu.memory_space<vmem>>, %arg10: memref<128x256xf32, #tpu.memory_space<vmem>>, %arg11: memref<256xf32, #tpu.memory_space<vmem>>, %arg12: memref<64x256xf32, #tpu.memory_space<vmem>>) attributes {dimension_semantics = [#tpu.dimension_semantics<arbitrary>], iteration_bounds = array<i64: 32>, scalar_prefetch = 0 : i64, scratch_operands = 0 : i64, tpu.core_type = #tpu.core_type<tc>, window_params = [{transform_indices = @transform_0, window_bounds = array<i64: 4096, 144>}, {transform_indices = @transform_1, window_bounds = array<i64: 4096, 3>}, {transform_indices = @transform_2, window_bounds = array<i64: 4096, 1>}, {transform_indices = @transform_3, window_bounds = array<i64: 64, 1>}, {pipeline_mode = #tpu.pipeline_mode<synchronous>, transform_indices = @transform_4, window_bounds = array<i64: 144, 128>}, {pipeline_mode = #tpu.pipeline_mode<synchronous>, transform_indices = @transform_5, window_bounds = array<i64: 3, 128>}, {pipeline_mode = #tpu.pipeline_mode<synchronous>, transform_indices = @transform_6, window_bounds = array<i64: 128>}, {pipeline_mode = #tpu.pipeline_mode<synchronous>, transform_indices = @transform_7, window_bounds = array<i64: 128, 128>}, {pipeline_mode = #tpu.pipeline_mode<synchronous>, transform_indices = @transform_8, window_bounds = array<i64: 128>}, {pipeline_mode = #tpu.pipeline_mode<synchronous>, transform_indices = @transform_9, window_bounds = array<i64: 128, 256>}, {pipeline_mode = #tpu.pipeline_mode<synchronous>, transform_indices = @transform_10, window_bounds = array<i64: 256>}, {transform_indices = @transform_11, window_bounds = array<i64: 64, 256>}]} {
    %get3A = arith.constant 0 : index
    %get3A_0 = arith.constant 0 : index
    %get3A_1 = vector.load %arg1[%get3A, %get3A_0] : memref<4096x144xf32, #tpu.memory_space<vmem>>, vector<4096x144xf32>
    %get3A_2 = arith.constant 0 : index
    %get3A_3 = arith.constant 0 : index
    %get3A_4 = vector.load %arg2[%get3A_2, %get3A_3] : memref<4096x3xf32, #tpu.memory_space<vmem>>, vector<4096x3xf32>
    %get3A_5 = arith.constant 0 : index
    %get3A_6 = arith.constant 0 : index
    %get3A_7 = vector.load %arg6[%get3A_5, %get3A_6] : memref<3x128xf32, #tpu.memory_space<vmem>>, vector<3x128xf32>
    %dot_general3A = arith.constant dense<0.000000e+00> : vector<4096x128xf32>
    %dot_general3A_8 = tpu.matmul %get3A_4, %get3A_7, %dot_general3A {dimension_numbers = #tpu.dot_dimension_numbers<[1], [0], [0], [1], [0, 0, 1, 1], [], []>, transpose_lhs_hint = false} : vector<4096x3xf32>, vector<3x128xf32>, vector<4096x128xf32> -> vector<4096x128xf32>
    %get3A_9 = arith.constant 0 : index
    %get3A_10 = arith.constant 0 : index
    %get3A_11 = vector.load %arg5[%get3A_9, %get3A_10] : memref<144x128xf32, #tpu.memory_space<vmem>>, vector<144x128xf32>
    %dot_general3A_12 = arith.constant dense<0.000000e+00> : vector<4096x128xf32>
    %dot_general3A_13 = tpu.matmul %get3A_1, %get3A_11, %dot_general3A_12 {dimension_numbers = #tpu.dot_dimension_numbers<[1], [0], [0], [1], [0, 0, 1, 1], [], []>, transpose_lhs_hint = false} : vector<4096x144xf32>, vector<144x128xf32>, vector<4096x128xf32> -> vector<4096x128xf32>
    %get3A_14 = arith.constant 0 : index
    %get3A_15 = vector.load %arg7[%get3A_14] : memref<128xf32, #tpu.memory_space<vmem>>, vector<128xf32>
    %broadcast_in_dim3A = vector.shape_cast %get3A_15 : vector<128xf32> to vector<1x128xf32>
    %add3A = vector.broadcast %broadcast_in_dim3A : vector<1x128xf32> to vector<4096x128xf32>
    %add3A_16 = arith.addf %dot_general3A_13, %add3A : vector<4096x128xf32>
    %sub3A = arith.subf %add3A_16, %dot_general3A_8 : vector<4096x128xf32>
    %max3A = arith.constant 0.000000e+00 : f32
    %max3A_17 = vector.broadcast %max3A : f32 to vector<4096x128xf32>
    %max3A_18 = arith.maximumf %sub3A, %max3A_17 : vector<4096x128xf32>
    %get3A_19 = arith.constant 0 : index
    %get3A_20 = arith.constant 0 : index
    %get3A_21 = vector.load %arg8[%get3A_19, %get3A_20] : memref<128x128xf32, #tpu.memory_space<vmem>>, vector<128x128xf32>
    %dot_general3A_22 = arith.constant dense<0.000000e+00> : vector<4096x128xf32>
    %dot_general3A_23 = tpu.matmul %max3A_18, %get3A_21, %dot_general3A_22 {dimension_numbers = #tpu.dot_dimension_numbers<[1], [0], [0], [1], [0, 0, 1, 1], [], []>, transpose_lhs_hint = false} : vector<4096x128xf32>, vector<128x128xf32>, vector<4096x128xf32> -> vector<4096x128xf32>
    %get3A_24 = arith.constant 0 : index
    %get3A_25 = vector.load %arg9[%get3A_24] : memref<128xf32, #tpu.memory_space<vmem>>, vector<128xf32>
    %broadcast_in_dim3A_26 = vector.shape_cast %get3A_25 : vector<128xf32> to vector<1x128xf32>
    %add3A_27 = vector.broadcast %broadcast_in_dim3A_26 : vector<1x128xf32> to vector<4096x128xf32>
    %add3A_28 = arith.addf %dot_general3A_23, %add3A_27 : vector<4096x128xf32>
    %max3A_29 = arith.constant 0.000000e+00 : f32
    %max3A_30 = vector.broadcast %max3A_29 : f32 to vector<4096x128xf32>
    %max3A_31 = arith.maximumf %add3A_28, %max3A_30 : vector<4096x128xf32>
    %get3A_32 = arith.constant 0 : index
    %get3A_33 = arith.constant 0 : index
    %get3A_34 = vector.load %arg10[%get3A_32, %get3A_33] : memref<128x256xf32, #tpu.memory_space<vmem>>, vector<128x256xf32>
    %dot_general3A_35 = arith.constant dense<0.000000e+00> : vector<4096x256xf32>
    %dot_general3A_36 = tpu.matmul %max3A_31, %get3A_34, %dot_general3A_35 {dimension_numbers = #tpu.dot_dimension_numbers<[1], [0], [0], [1], [0, 0, 1, 1], [], []>, transpose_lhs_hint = false} : vector<4096x128xf32>, vector<128x256xf32>, vector<4096x256xf32> -> vector<4096x256xf32>
    %get3A_37 = arith.constant 0 : index
    %get3A_38 = vector.load %arg11[%get3A_37] : memref<256xf32, #tpu.memory_space<vmem>>, vector<256xf32>
    %broadcast_in_dim3A_39 = vector.shape_cast %get3A_38 : vector<256xf32> to vector<1x256xf32>
    %add3A_40 = vector.broadcast %broadcast_in_dim3A_39 : vector<1x256xf32> to vector<4096x256xf32>
    %add3A_41 = arith.addf %dot_general3A_36, %add3A_40 : vector<4096x256xf32>
    %get3A_42 = arith.constant 0 : index
    %get3A_43 = arith.constant 0 : index
    %get3A_44 = vector.load %arg3[%get3A_42, %get3A_43] : memref<4096x1xi32, #tpu.memory_space<vmem>>, vector<4096x1xi32>
    %gt3A = arith.constant 0 : i32
    %gt3A_45 = vector.broadcast %gt3A : i32 to vector<4096x1xi32>
    %gt3A_46 = arith.cmpi sgt, %get3A_44, %gt3A_45 : vector<4096x1xi32>
    %jit3A = arith.constant 0xFF800000 : f32
    %broadcast_in_dim3A_47 = vector.shape_cast %gt3A_46 : vector<4096x1xi1> to vector<4096x1xi1>
    %broadcast_in_dim3A_48 = vector.broadcast %broadcast_in_dim3A_47 : vector<4096x1xi1> to vector<4096x256xi1>
    %broadcast_in_dim3A_49 = vector.broadcast %jit3A : f32 to vector<4096x256xf32>
    %select_n3A = arith.select %broadcast_in_dim3A_48, %add3A_41, %broadcast_in_dim3A_49 : vector<4096x256xi1>, vector<4096x256xf32>
    %reshape3A = vector.shape_cast %select_n3A : vector<4096x256xf32> to vector<64x64x256xf32>
    %reduce_max3A = arith.constant dense<0xFF800000> : vector<64x256xf32>
    %reduce_max3A_50 = vector.multi_reduction <maximumf>, %reshape3A, %reduce_max3A [1] : vector<64x64x256xf32> to vector<64x256xf32>
    %get3A_51 = arith.constant 0 : index
    %get3A_52 = arith.constant 0 : index
    %get3A_53 = vector.load %arg4[%get3A_51, %get3A_52] : memref<64x1xi32, #tpu.memory_space<vmem>>, vector<64x1xi32>
    %gt3A_54 = arith.constant 0 : i32
    %gt3A_55 = vector.broadcast %gt3A_54 : i32 to vector<64x1xi32>
    %gt3A_56 = arith.cmpi sgt, %get3A_53, %gt3A_55 : vector<64x1xi32>
    %jit3A_57 = arith.constant 0.000000e+00 : f32
    %broadcast_in_dim3A_58 = vector.shape_cast %gt3A_56 : vector<64x1xi1> to vector<64x1xi1>
    %broadcast_in_dim3A_59 = vector.broadcast %broadcast_in_dim3A_58 : vector<64x1xi1> to vector<64x256xi1>
    %broadcast_in_dim3A_60 = vector.broadcast %jit3A_57 : f32 to vector<64x256xf32>
    %select_n3A_61 = arith.select %broadcast_in_dim3A_59, %reduce_max3A_50, %broadcast_in_dim3A_60 : vector<64x256xi1>, vector<64x256xf32>
    %swap3A = arith.constant 0 : index
    %swap3A_62 = arith.constant 0 : index
    %swap3A_63 = vector.load %arg12[%swap3A, %swap3A_62] : memref<64x256xf32, #tpu.memory_space<vmem>>, vector<64x256xf32>
    tpu.vector_store %arg12[%swap3A, %swap3A_62], %select_n3A_61 {strides = array<i32>} : memref<64x256xf32, #tpu.memory_space<vmem>>, vector<64x256xf32>,
    return
  }
  func.func @transform_0(%arg0: i32) -> (i32, i32) {
    %c0_i32 = arith.constant 0 : i32
    %c0_i32_0 = arith.constant 0 : i32
    return %arg0, %c0_i32 : i32, i32
  }
  func.func @transform_1(%arg0: i32) -> (i32, i32) {
    %c0_i32 = arith.constant 0 : i32
    %c0_i32_0 = arith.constant 0 : i32
    return %arg0, %c0_i32 : i32, i32
  }
  func.func @transform_2(%arg0: i32) -> (i32, i32) {
    %c0_i32 = arith.constant 0 : i32
    %c0_i32_0 = arith.constant 0 : i32
    return %arg0, %c0_i32 : i32, i32
  }
  func.func @transform_3(%arg0: i32) -> (i32, i32) {
    %c0_i32 = arith.constant 0 : i32
    %c0_i32_0 = arith.constant 0 : i32
    return %arg0, %c0_i32 : i32, i32
  }
  func.func @transform_4(%arg0: i32) -> (i32, i32) {
    %c0_i32 = arith.constant 0 : i32
    %c0_i32_0 = arith.constant 0 : i32
    %c0_i32_1 = arith.constant 0 : i32
    return %c0_i32, %c0_i32_0 : i32, i32
  }
  func.func @transform_5(%arg0: i32) -> (i32, i32) {
    %c0_i32 = arith.constant 0 : i32
    %c0_i32_0 = arith.constant 0 : i32
    %c0_i32_1 = arith.constant 0 : i32
    return %c0_i32, %c0_i32_0 : i32, i32
  }
  func.func @transform_6(%arg0: i32) -> i32 {
    %c0_i32 = arith.constant 0 : i32
    %c0_i32_0 = arith.constant 0 : i32
    return %c0_i32 : i32
  }
  func.func @transform_7(%arg0: i32) -> (i32, i32) {
    %c0_i32 = arith.constant 0 : i32
    %c0_i32_0 = arith.constant 0 : i32
    %c0_i32_1 = arith.constant 0 : i32
    return %c0_i32, %c0_i32_0 : i32, i32
  }
  func.func @transform_8(%arg0: i32) -> i32 {
    %c0_i32 = arith.constant 0 : i32
    %c0_i32_0 = arith.constant 0 : i32
    return %c0_i32 : i32
  }
  func.func @transform_9(%arg0: i32) -> (i32, i32) {
    %c0_i32 = arith.constant 0 : i32
    %c0_i32_0 = arith.constant 0 : i32
    %c0_i32_1 = arith.constant 0 : i32
    return %c0_i32, %c0_i32_0 : i32, i32
  }
  func.func @transform_10(%arg0: i32) -> i32 {
    %c0_i32 = arith.constant 0 : i32
    %c0_i32_0 = arith.constant 0 : i32
    return %c0_i32 : i32
  }
  func.func @transform_11(%arg0: i32) -> (i32, i32) {
    %c0_i32 = arith.constant 0 : i32
    %c0_i32_0 = arith.constant 0 : i32
    return %arg0, %c0_i32 : i32, i32
  }
}

module attributes {stable_mosaic.version = 14 : i64} {
  func.func @_sa3_fp3_kernel(%arg0: i32, %arg1: memref<1x256x256xf32, #tpu.memory_space<vmem>>, %arg2: memref<1x256x3xf32, #tpu.memory_space<vmem>>, %arg3: memref<256x256xf32, #tpu.memory_space<vmem>>, %arg4: memref<3x256xf32, #tpu.memory_space<vmem>>, %arg5: memref<256xf32, #tpu.memory_space<vmem>>, %arg6: memref<256x512xf32, #tpu.memory_space<vmem>>, %arg7: memref<512xf32, #tpu.memory_space<vmem>>, %arg8: memref<512x1024xf32, #tpu.memory_space<vmem>>, %arg9: memref<1024xf32, #tpu.memory_space<vmem>>, %arg10: memref<1024x256xf32, #tpu.memory_space<vmem>>, %arg11: memref<256x256xf32, #tpu.memory_space<vmem>>, %arg12: memref<256xf32, #tpu.memory_space<vmem>>, %arg13: memref<256x256xf32, #tpu.memory_space<vmem>>, %arg14: memref<256xf32, #tpu.memory_space<vmem>>, %arg15: memref<1x256x256xf32, #tpu.memory_space<vmem>>) attributes {dimension_semantics = [#tpu.dimension_semantics<arbitrary>], iteration_bounds = array<i64: 8>, scalar_prefetch = 0 : i64, scratch_operands = 0 : i64, tpu.core_type = #tpu.core_type<tc>, window_params = [{transform_indices = @transform_0, window_bounds = array<i64: 1, 256, 256>}, {transform_indices = @transform_1, window_bounds = array<i64: 1, 256, 3>}, {pipeline_mode = #tpu.pipeline_mode<synchronous>, transform_indices = @transform_2, window_bounds = array<i64: 256, 256>}, {pipeline_mode = #tpu.pipeline_mode<synchronous>, transform_indices = @transform_3, window_bounds = array<i64: 3, 256>}, {pipeline_mode = #tpu.pipeline_mode<synchronous>, transform_indices = @transform_4, window_bounds = array<i64: 256>}, {pipeline_mode = #tpu.pipeline_mode<synchronous>, transform_indices = @transform_5, window_bounds = array<i64: 256, 512>}, {pipeline_mode = #tpu.pipeline_mode<synchronous>, transform_indices = @transform_6, window_bounds = array<i64: 512>}, {pipeline_mode = #tpu.pipeline_mode<synchronous>, transform_indices = @transform_7, window_bounds = array<i64: 512, 1024>}, {pipeline_mode = #tpu.pipeline_mode<synchronous>, transform_indices = @transform_8, window_bounds = array<i64: 1024>}, {pipeline_mode = #tpu.pipeline_mode<synchronous>, transform_indices = @transform_9, window_bounds = array<i64: 1024, 256>}, {pipeline_mode = #tpu.pipeline_mode<synchronous>, transform_indices = @transform_10, window_bounds = array<i64: 256, 256>}, {pipeline_mode = #tpu.pipeline_mode<synchronous>, transform_indices = @transform_11, window_bounds = array<i64: 256>}, {pipeline_mode = #tpu.pipeline_mode<synchronous>, transform_indices = @transform_12, window_bounds = array<i64: 256, 256>}, {pipeline_mode = #tpu.pipeline_mode<synchronous>, transform_indices = @transform_13, window_bounds = array<i64: 256>}, {transform_indices = @transform_14, window_bounds = array<i64: 1, 256, 256>}]} {
    %get3A = arith.constant 0 : index
    %get3A_0 = arith.constant 0 : index
    %get3A_1 = arith.constant 0 : index
    %get3A_2 = vector.load %arg1[%get3A, %get3A_0, %get3A_1] : memref<1x256x256xf32, #tpu.memory_space<vmem>>, vector<1x256x256xf32>
    %get3A_3 = vector.shape_cast %get3A_2 : vector<1x256x256xf32> to vector<256x256xf32>
    %get3A_4 = arith.constant 0 : index
    %get3A_5 = arith.constant 0 : index
    %get3A_6 = arith.constant 0 : index
    %get3A_7 = vector.load %arg2[%get3A_4, %get3A_5, %get3A_6] : memref<1x256x3xf32, #tpu.memory_space<vmem>>, vector<1x256x3xf32>
    %get3A_8 = vector.shape_cast %get3A_7 : vector<1x256x3xf32> to vector<256x3xf32>
    %get3A_9 = arith.constant 0 : index
    %get3A_10 = arith.constant 0 : index
    %get3A_11 = vector.load %arg3[%get3A_9, %get3A_10] : memref<256x256xf32, #tpu.memory_space<vmem>>, vector<256x256xf32>
    %dot_general3A = arith.constant dense<0.000000e+00> : vector<256x256xf32>
    %dot_general3A_12 = tpu.matmul %get3A_3, %get3A_11, %dot_general3A {dimension_numbers = #tpu.dot_dimension_numbers<[1], [0], [0], [1], [0, 0, 1, 1], [], []>, transpose_lhs_hint = false} : vector<256x256xf32>, vector<256x256xf32>, vector<256x256xf32> -> vector<256x256xf32>
    %get3A_13 = arith.constant 0 : index
    %get3A_14 = arith.constant 0 : index
    %get3A_15 = vector.load %arg4[%get3A_13, %get3A_14] : memref<3x256xf32, #tpu.memory_space<vmem>>, vector<3x256xf32>
    %dot_general3A_16 = arith.constant dense<0.000000e+00> : vector<256x256xf32>
    %dot_general3A_17 = tpu.matmul %get3A_8, %get3A_15, %dot_general3A_16 {dimension_numbers = #tpu.dot_dimension_numbers<[1], [0], [0], [1], [0, 0, 1, 1], [], []>, transpose_lhs_hint = false} : vector<256x3xf32>, vector<3x256xf32>, vector<256x256xf32> -> vector<256x256xf32>
    %add3A = arith.addf %dot_general3A_12, %dot_general3A_17 : vector<256x256xf32>
    %get3A_18 = arith.constant 0 : index
    %get3A_19 = vector.load %arg5[%get3A_18] : memref<256xf32, #tpu.memory_space<vmem>>, vector<256xf32>
    %broadcast_in_dim3A = vector.shape_cast %get3A_19 : vector<256xf32> to vector<1x256xf32>
    %add3A_20 = vector.broadcast %broadcast_in_dim3A : vector<1x256xf32> to vector<256x256xf32>
    %add3A_21 = arith.addf %add3A, %add3A_20 : vector<256x256xf32>
    %max3A = arith.constant 0.000000e+00 : f32
    %max3A_22 = vector.broadcast %max3A : f32 to vector<256x256xf32>
    %max3A_23 = arith.maximumf %add3A_21, %max3A_22 : vector<256x256xf32>
    %get3A_24 = arith.constant 0 : index
    %get3A_25 = arith.constant 0 : index
    %get3A_26 = vector.load %arg6[%get3A_24, %get3A_25] : memref<256x512xf32, #tpu.memory_space<vmem>>, vector<256x512xf32>
    %dot_general3A_27 = arith.constant dense<0.000000e+00> : vector<256x512xf32>
    %dot_general3A_28 = tpu.matmul %max3A_23, %get3A_26, %dot_general3A_27 {dimension_numbers = #tpu.dot_dimension_numbers<[1], [0], [0], [1], [0, 0, 1, 1], [], []>, transpose_lhs_hint = false} : vector<256x256xf32>, vector<256x512xf32>, vector<256x512xf32> -> vector<256x512xf32>
    %get3A_29 = arith.constant 0 : index
    %get3A_30 = vector.load %arg7[%get3A_29] : memref<512xf32, #tpu.memory_space<vmem>>, vector<512xf32>
    %broadcast_in_dim3A_31 = vector.shape_cast %get3A_30 : vector<512xf32> to vector<1x512xf32>
    %add3A_32 = vector.broadcast %broadcast_in_dim3A_31 : vector<1x512xf32> to vector<256x512xf32>
    %add3A_33 = arith.addf %dot_general3A_28, %add3A_32 : vector<256x512xf32>
    %max3A_34 = arith.constant 0.000000e+00 : f32
    %max3A_35 = vector.broadcast %max3A_34 : f32 to vector<256x512xf32>
    %max3A_36 = arith.maximumf %add3A_33, %max3A_35 : vector<256x512xf32>
    %get3A_37 = arith.constant 0 : index
    %get3A_38 = arith.constant 0 : index
    %get3A_39 = vector.load %arg8[%get3A_37, %get3A_38] : memref<512x1024xf32, #tpu.memory_space<vmem>>, vector<512x1024xf32>
    %dot_general3A_40 = arith.constant dense<0.000000e+00> : vector<256x1024xf32>
    %dot_general3A_41 = tpu.matmul %max3A_36, %get3A_39, %dot_general3A_40 {dimension_numbers = #tpu.dot_dimension_numbers<[1], [0], [0], [1], [0, 0, 1, 1], [], []>, transpose_lhs_hint = false} : vector<256x512xf32>, vector<512x1024xf32>, vector<256x1024xf32> -> vector<256x1024xf32>
    %get3A_42 = arith.constant 0 : index
    %get3A_43 = vector.load %arg9[%get3A_42] : memref<1024xf32, #tpu.memory_space<vmem>>, vector<1024xf32>
    %broadcast_in_dim3A_44 = vector.shape_cast %get3A_43 : vector<1024xf32> to vector<1x1024xf32>
    %add3A_45 = vector.broadcast %broadcast_in_dim3A_44 : vector<1x1024xf32> to vector<256x1024xf32>
    %add3A_46 = arith.addf %dot_general3A_41, %add3A_45 : vector<256x1024xf32>
    %iota3A = tpu.iota {dimensions = array<i32: 0>} : vector<256x1024xi32>
    %lt3A = arith.constant 205 : i32
    %lt3A_47 = vector.broadcast %lt3A : i32 to vector<256x1024xi32>
    %lt3A_48 = arith.cmpi slt, %iota3A, %lt3A_47 : vector<256x1024xi32>
    %jit3A = arith.constant 0xFF800000 : f32
    %broadcast_in_dim3A_49 = vector.broadcast %jit3A : f32 to vector<256x1024xf32>
    %select_n3A = arith.select %lt3A_48, %add3A_46, %broadcast_in_dim3A_49 : vector<256x1024xi1>, vector<256x1024xf32>
    %reduce_max3A = arith.constant dense<0xFF800000> : vector<1024xf32>
    %reduce_max3A_50 = vector.multi_reduction <maximumf>, %select_n3A, %reduce_max3A [0] : vector<256x1024xf32> to vector<1024xf32>
    %broadcast_in_dim3A_51 = vector.shape_cast %reduce_max3A_50 : vector<1024xf32> to vector<1x1024xf32>
    %get3A_52 = arith.constant 0 : index
    %get3A_53 = arith.constant 0 : index
    %get3A_54 = vector.load %arg11[%get3A_52, %get3A_53] : memref<256x256xf32, #tpu.memory_space<vmem>>, vector<256x256xf32>
    %dot_general3A_55 = arith.constant dense<0.000000e+00> : vector<256x256xf32>
    %dot_general3A_56 = tpu.matmul %get3A_3, %get3A_54, %dot_general3A_55 {dimension_numbers = #tpu.dot_dimension_numbers<[1], [0], [0], [1], [0, 0, 1, 1], [], []>, transpose_lhs_hint = false} : vector<256x256xf32>, vector<256x256xf32>, vector<256x256xf32> -> vector<256x256xf32>
    %get3A_57 = arith.constant 0 : index
    %get3A_58 = arith.constant 0 : index
    %get3A_59 = vector.load %arg10[%get3A_57, %get3A_58] : memref<1024x256xf32, #tpu.memory_space<vmem>>, vector<1024x256xf32>
    %dot_general3A_60 = arith.constant dense<0.000000e+00> : vector<1x256xf32>
    %dot_general3A_61 = tpu.matmul %broadcast_in_dim3A_51, %get3A_59, %dot_general3A_60 {dimension_numbers = #tpu.dot_dimension_numbers<[1], [0], [0], [1], [0, 0, 1, 1], [], []>, transpose_lhs_hint = false} : vector<1x1024xf32>, vector<1024x256xf32>, vector<1x256xf32> -> vector<1x256xf32>
    %add3A_62 = vector.broadcast %dot_general3A_61 : vector<1x256xf32> to vector<256x256xf32>
    %add3A_63 = arith.addf %dot_general3A_56, %add3A_62 : vector<256x256xf32>
    %get3A_64 = arith.constant 0 : index
    %get3A_65 = vector.load %arg12[%get3A_64] : memref<256xf32, #tpu.memory_space<vmem>>, vector<256xf32>
    %broadcast_in_dim3A_66 = vector.shape_cast %get3A_65 : vector<256xf32> to vector<1x256xf32>
    %add3A_67 = vector.broadcast %broadcast_in_dim3A_66 : vector<1x256xf32> to vector<256x256xf32>
    %add3A_68 = arith.addf %add3A_63, %add3A_67 : vector<256x256xf32>
    %max3A_69 = arith.constant 0.000000e+00 : f32
    %max3A_70 = vector.broadcast %max3A_69 : f32 to vector<256x256xf32>
    %max3A_71 = arith.maximumf %add3A_68, %max3A_70 : vector<256x256xf32>
    %get3A_72 = arith.constant 0 : index
    %get3A_73 = arith.constant 0 : index
    %get3A_74 = vector.load %arg13[%get3A_72, %get3A_73] : memref<256x256xf32, #tpu.memory_space<vmem>>, vector<256x256xf32>
    %dot_general3A_75 = arith.constant dense<0.000000e+00> : vector<256x256xf32>
    %dot_general3A_76 = tpu.matmul %max3A_71, %get3A_74, %dot_general3A_75 {dimension_numbers = #tpu.dot_dimension_numbers<[1], [0], [0], [1], [0, 0, 1, 1], [], []>, transpose_lhs_hint = false} : vector<256x256xf32>, vector<256x256xf32>, vector<256x256xf32> -> vector<256x256xf32>
    %get3A_77 = arith.constant 0 : index
    %get3A_78 = vector.load %arg14[%get3A_77] : memref<256xf32, #tpu.memory_space<vmem>>, vector<256xf32>
    %broadcast_in_dim3A_79 = vector.shape_cast %get3A_78 : vector<256xf32> to vector<1x256xf32>
    %add3A_80 = vector.broadcast %broadcast_in_dim3A_79 : vector<1x256xf32> to vector<256x256xf32>
    %add3A_81 = arith.addf %dot_general3A_76, %add3A_80 : vector<256x256xf32>
    %iota3A_82 = tpu.iota {dimensions = array<i32: 0>} : vector<256x256xi32>
    %lt3A_83 = arith.constant 205 : i32
    %lt3A_84 = vector.broadcast %lt3A_83 : i32 to vector<256x256xi32>
    %lt3A_85 = arith.cmpi slt, %iota3A_82, %lt3A_84 : vector<256x256xi32>
    %jit3A_86 = arith.constant 0.000000e+00 : f32
    %broadcast_in_dim3A_87 = vector.broadcast %jit3A_86 : f32 to vector<256x256xf32>
    %select_n3A_88 = arith.select %lt3A_85, %add3A_81, %broadcast_in_dim3A_87 : vector<256x256xi1>, vector<256x256xf32>
    %swap3A = arith.constant 0 : index
    %swap3A_89 = arith.constant 0 : index
    %swap3A_90 = arith.constant 0 : index
    %swap3A_91 = vector.load %arg15[%swap3A, %swap3A_89, %swap3A_90] : memref<1x256x256xf32, #tpu.memory_space<vmem>>, vector<1x256x256xf32>
    %swap3A_92 = vector.shape_cast %swap3A_91 : vector<1x256x256xf32> to vector<256x256xf32>
    %swap3A_93 = vector.shape_cast %select_n3A_88 : vector<256x256xf32> to vector<1x256x256xf32>
    tpu.vector_store %arg15[%swap3A, %swap3A_89, %swap3A_90], %swap3A_93 {strides = array<i32>} : memref<1x256x256xf32, #tpu.memory_space<vmem>>, vector<1x256x256xf32>,
    return
  }
  func.func @transform_0(%arg0: i32) -> (i32, i32, i32) {
    %c0_i32 = arith.constant 0 : i32
    %c0_i32_0 = arith.constant 0 : i32
    %c0_i32_1 = arith.constant 0 : i32
    return %arg0, %c0_i32, %c0_i32_0 : i32, i32, i32
  }
  func.func @transform_1(%arg0: i32) -> (i32, i32, i32) {
    %c0_i32 = arith.constant 0 : i32
    %c0_i32_0 = arith.constant 0 : i32
    %c0_i32_1 = arith.constant 0 : i32
    return %arg0, %c0_i32, %c0_i32_0 : i32, i32, i32
  }
  func.func @transform_2(%arg0: i32) -> (i32, i32) {
    %c0_i32 = arith.constant 0 : i32
    %c0_i32_0 = arith.constant 0 : i32
    %c0_i32_1 = arith.constant 0 : i32
    return %c0_i32, %c0_i32_0 : i32, i32
  }
  func.func @transform_3(%arg0: i32) -> (i32, i32) {
    %c0_i32 = arith.constant 0 : i32
    %c0_i32_0 = arith.constant 0 : i32
    %c0_i32_1 = arith.constant 0 : i32
    return %c0_i32, %c0_i32_0 : i32, i32
  }
  func.func @transform_4(%arg0: i32) -> i32 {
    %c0_i32 = arith.constant 0 : i32
    %c0_i32_0 = arith.constant 0 : i32
    return %c0_i32 : i32
  }
  func.func @transform_5(%arg0: i32) -> (i32, i32) {
    %c0_i32 = arith.constant 0 : i32
    %c0_i32_0 = arith.constant 0 : i32
    %c0_i32_1 = arith.constant 0 : i32
    return %c0_i32, %c0_i32_0 : i32, i32
  }
  func.func @transform_6(%arg0: i32) -> i32 {
    %c0_i32 = arith.constant 0 : i32
    %c0_i32_0 = arith.constant 0 : i32
    return %c0_i32 : i32
  }
  func.func @transform_7(%arg0: i32) -> (i32, i32) {
    %c0_i32 = arith.constant 0 : i32
    %c0_i32_0 = arith.constant 0 : i32
    %c0_i32_1 = arith.constant 0 : i32
    return %c0_i32, %c0_i32_0 : i32, i32
  }
  func.func @transform_8(%arg0: i32) -> i32 {
    %c0_i32 = arith.constant 0 : i32
    %c0_i32_0 = arith.constant 0 : i32
    return %c0_i32 : i32
  }
  func.func @transform_9(%arg0: i32) -> (i32, i32) {
    %c0_i32 = arith.constant 0 : i32
    %c0_i32_0 = arith.constant 0 : i32
    %c0_i32_1 = arith.constant 0 : i32
    return %c0_i32, %c0_i32_0 : i32, i32
  }
  func.func @transform_10(%arg0: i32) -> (i32, i32) {
    %c0_i32 = arith.constant 0 : i32
    %c0_i32_0 = arith.constant 0 : i32
    %c0_i32_1 = arith.constant 0 : i32
    return %c0_i32, %c0_i32_0 : i32, i32
  }
  func.func @transform_11(%arg0: i32) -> i32 {
    %c0_i32 = arith.constant 0 : i32
    %c0_i32_0 = arith.constant 0 : i32
    return %c0_i32 : i32
  }
  func.func @transform_12(%arg0: i32) -> (i32, i32) {
    %c0_i32 = arith.constant 0 : i32
    %c0_i32_0 = arith.constant 0 : i32
    %c0_i32_1 = arith.constant 0 : i32
    return %c0_i32, %c0_i32_0 : i32, i32
  }
  func.func @transform_13(%arg0: i32) -> i32 {
    %c0_i32 = arith.constant 0 : i32
    %c0_i32_0 = arith.constant 0 : i32
    return %c0_i32 : i32
  }
  func.func @transform_14(%arg0: i32) -> (i32, i32, i32) {
    %c0_i32 = arith.constant 0 : i32
    %c0_i32_0 = arith.constant 0 : i32
    %c0_i32_1 = arith.constant 0 : i32
    return %arg0, %c0_i32, %c0_i32_0 : i32, i32, i32
  }
}

module attributes {stable_mosaic.version = 14 : i64} {
  func.func @_interp_kernel(%arg0: i32, %arg1: i32, %arg2: memref<1x208x1xf32, #tpu.memory_space<vmem>>, %arg3: memref<1x208x1xf32, #tpu.memory_space<vmem>>, %arg4: memref<1x208x1xf32, #tpu.memory_space<vmem>>, %arg5: memref<1x1x256xf32, #tpu.memory_space<vmem>>, %arg6: memref<1x1x256xf32, #tpu.memory_space<vmem>>, %arg7: memref<1x1x256xf32, #tpu.memory_space<vmem>>, %arg8: memref<1x256x256xf32, #tpu.memory_space<vmem>>, %arg9: memref<1x208x128xf32, #tpu.memory_space<vmem>>, %arg10: memref<256x256xf32, #tpu.memory_space<vmem>>, %arg11: memref<128x256xf32, #tpu.memory_space<vmem>>, %arg12: memref<256xf32, #tpu.memory_space<vmem>>, %arg13: memref<256x128xf32, #tpu.memory_space<vmem>>, %arg14: memref<128xf32, #tpu.memory_space<vmem>>, %arg15: memref<1x208x128xf32, #tpu.memory_space<vmem>>) attributes {dimension_semantics = [#tpu.dimension_semantics<arbitrary>, #tpu.dimension_semantics<arbitrary>], iteration_bounds = array<i64: 8, 4>, scalar_prefetch = 0 : i64, scratch_operands = 0 : i64, tpu.core_type = #tpu.core_type<tc>, window_params = [{transform_indices = @transform_0, window_bounds = array<i64: 1, 208, 1>}, {transform_indices = @transform_1, window_bounds = array<i64: 1, 208, 1>}, {transform_indices = @transform_2, window_bounds = array<i64: 1, 208, 1>}, {transform_indices = @transform_3, window_bounds = array<i64: 1, 1, 256>}, {transform_indices = @transform_4, window_bounds = array<i64: 1, 1, 256>}, {transform_indices = @transform_5, window_bounds = array<i64: 1, 1, 256>}, {transform_indices = @transform_6, window_bounds = array<i64: 1, 256, 256>}, {transform_indices = @transform_7, window_bounds = array<i64: 1, 208, 128>}, {pipeline_mode = #tpu.pipeline_mode<synchronous>, transform_indices = @transform_8, window_bounds = array<i64: 256, 256>}, {pipeline_mode = #tpu.pipeline_mode<synchronous>, transform_indices = @transform_9, window_bounds = array<i64: 128, 256>}, {pipeline_mode = #tpu.pipeline_mode<synchronous>, transform_indices = @transform_10, window_bounds = array<i64: 256>}, {pipeline_mode = #tpu.pipeline_mode<synchronous>, transform_indices = @transform_11, window_bounds = array<i64: 256, 128>}, {pipeline_mode = #tpu.pipeline_mode<synchronous>, transform_indices = @transform_12, window_bounds = array<i64: 128>}, {transform_indices = @transform_13, window_bounds = array<i64: 1, 208, 128>}]} {
    %get3A = arith.constant 0 : index
    %get3A_0 = arith.constant 0 : index
    %get3A_1 = arith.constant 0 : index
    %get3A_2 = vector.load %arg2[%get3A, %get3A_0, %get3A_1] : memref<1x208x1xf32, #tpu.memory_space<vmem>>, vector<1x208x1xf32>
    %get3A_3 = vector.shape_cast %get3A_2 : vector<1x208x1xf32> to vector<208x1xf32>
    %get3A_4 = arith.constant 0 : index
    %get3A_5 = arith.constant 0 : index
    %get3A_6 = arith.constant 0 : index
    %get3A_7 = vector.load %arg3[%get3A_4, %get3A_5, %get3A_6] : memref<1x208x1xf32, #tpu.memory_space<vmem>>, vector<1x208x1xf32>
    %get3A_8 = vector.shape_cast %get3A_7 : vector<1x208x1xf32> to vector<208x1xf32>
    %get3A_9 = arith.constant 0 : index
    %get3A_10 = arith.constant 0 : index
    %get3A_11 = arith.constant 0 : index
    %get3A_12 = vector.load %arg4[%get3A_9, %get3A_10, %get3A_11] : memref<1x208x1xf32, #tpu.memory_space<vmem>>, vector<1x208x1xf32>
    %get3A_13 = vector.shape_cast %get3A_12 : vector<1x208x1xf32> to vector<208x1xf32>
    %get3A_14 = arith.constant 0 : index
    %get3A_15 = arith.constant 0 : index
    %get3A_16 = arith.constant 0 : index
    %get3A_17 = vector.load %arg5[%get3A_14, %get3A_15, %get3A_16] : memref<1x1x256xf32, #tpu.memory_space<vmem>>, vector<1x1x256xf32>
    %get3A_18 = vector.shape_cast %get3A_17 : vector<1x1x256xf32> to vector<1x256xf32>
    %get3A_19 = arith.constant 0 : index
    %get3A_20 = arith.constant 0 : index
    %get3A_21 = arith.constant 0 : index
    %get3A_22 = vector.load %arg6[%get3A_19, %get3A_20, %get3A_21] : memref<1x1x256xf32, #tpu.memory_space<vmem>>, vector<1x1x256xf32>
    %get3A_23 = vector.shape_cast %get3A_22 : vector<1x1x256xf32> to vector<1x256xf32>
    %get3A_24 = arith.constant 0 : index
    %get3A_25 = arith.constant 0 : index
    %get3A_26 = arith.constant 0 : index
    %get3A_27 = vector.load %arg7[%get3A_24, %get3A_25, %get3A_26] : memref<1x1x256xf32, #tpu.memory_space<vmem>>, vector<1x1x256xf32>
    %get3A_28 = vector.shape_cast %get3A_27 : vector<1x1x256xf32> to vector<1x256xf32>
    %sub3A = vector.broadcast %get3A_3 : vector<208x1xf32> to vector<208x256xf32>
    %sub3A_29 = vector.broadcast %get3A_18 : vector<1x256xf32> to vector<208x256xf32>
    %sub3A_30 = arith.subf %sub3A, %sub3A_29 : vector<208x256xf32>
    %sub3A_31 = vector.broadcast %get3A_8 : vector<208x1xf32> to vector<208x256xf32>
    %sub3A_32 = vector.broadcast %get3A_23 : vector<1x256xf32> to vector<208x256xf32>
    %sub3A_33 = arith.subf %sub3A_31, %sub3A_32 : vector<208x256xf32>
    %sub3A_34 = vector.broadcast %get3A_13 : vector<208x1xf32> to vector<208x256xf32>
    %sub3A_35 = vector.broadcast %get3A_28 : vector<1x256xf32> to vector<208x256xf32>
    %sub3A_36 = arith.subf %sub3A_34, %sub3A_35 : vector<208x256xf32>
    %mul3A = arith.mulf %sub3A_30, %sub3A_30 : vector<208x256xf32>
    %mul3A_37 = arith.mulf %sub3A_33, %sub3A_33 : vector<208x256xf32>
    %add3A = arith.addf %mul3A, %mul3A_37 : vector<208x256xf32>
    %mul3A_38 = arith.mulf %sub3A_36, %sub3A_36 : vector<208x256xf32>
    %add3A_39 = arith.addf %add3A, %mul3A_38 : vector<208x256xf32>
    %iota3A = tpu.iota {dimensions = array<i32: 1>} : vector<208x256xi32>
    %broadcast_in_dim3A = arith.constant 0.000000e+00 : f32
    %broadcast_in_dim3A_40 = vector.broadcast %broadcast_in_dim3A : f32 to vector<208x256xf32>
    %broadcast_in_dim3A_41 = arith.constant 0.000000e+00 : f32
    %broadcast_in_dim3A_42 = vector.broadcast %broadcast_in_dim3A_41 : f32 to vector<208x1xf32>
    %reduce_min3A = arith.constant dense<0x7F800000> : vector<208xf32>
    %reduce_min3A_43 = vector.multi_reduction <minimumf>, %add3A_39, %reduce_min3A [1] : vector<208x256xf32> to vector<208xf32>
    %broadcast_in_dim3A_44 = vector.shape_cast %reduce_min3A_43 : vector<208xf32> to vector<208x1xf32>
    %eq3A = vector.broadcast %broadcast_in_dim3A_44 : vector<208x1xf32> to vector<208x256xf32>
    %eq3A_45 = arith.cmpf oeq, %add3A_39, %eq3A : vector<208x256xf32>
    %jit3A = arith.constant 256 : i32
    %broadcast_in_dim3A_46 = vector.broadcast %jit3A : i32 to vector<208x256xi32>
    %select_n3A = arith.select %eq3A_45, %iota3A, %broadcast_in_dim3A_46 : vector<208x256xi1>, vector<208x256xi32>
    %reduce_min3A_47 = arith.constant dense<2147483647> : vector<208xi32>
    %reduce_min3A_48 = vector.multi_reduction <minsi>, %select_n3A, %reduce_min3A_47 [1] : vector<208x256xi32> to vector<208xi32>
    %broadcast_in_dim3A_49 = vector.shape_cast %reduce_min3A_48 : vector<208xi32> to vector<208x1xi32>
    %max3A = arith.constant 1.000000e-16 : f32
    %max3A_50 = vector.broadcast %max3A : f32 to vector<208x1xf32>
    %max3A_51 = arith.maximumf %broadcast_in_dim3A_44, %max3A_50 : vector<208x1xf32>
    %div3A = arith.constant 1.000000e+00 : f32
    %div3A_52 = vector.broadcast %div3A : f32 to vector<208x1xf32>
    %div3A_53 = arith.divf %div3A_52, %max3A_51 : vector<208x1xf32>
    %eq3A_54 = vector.broadcast %broadcast_in_dim3A_49 : vector<208x1xi32> to vector<208x256xi32>
    %eq3A_55 = arith.cmpi eq, %iota3A, %eq3A_54 : vector<208x256xi32>
    %broadcast_in_dim3A_56 = vector.shape_cast %div3A_53 : vector<208x1xf32> to vector<208x1xf32>
    %broadcast_in_dim3A_57 = vector.broadcast %broadcast_in_dim3A_56 : vector<208x1xf32> to vector<208x256xf32>
    %select_n3A_58 = arith.select %eq3A_55, %broadcast_in_dim3A_57, %broadcast_in_dim3A_40 : vector<208x256xi1>, vector<208x256xf32>
    %add3A_59 = arith.addf %broadcast_in_dim3A_42, %div3A_53 : vector<208x1xf32>
    %jit3A_60 = arith.constant 0x7F800000 : f32
    %broadcast_in_dim3A_61 = vector.broadcast %jit3A_60 : f32 to vector<208x256xf32>
    %select_n3A_62 = arith.select %eq3A_55, %broadcast_in_dim3A_61, %add3A_39 : vector<208x256xi1>, vector<208x256xf32>
    %reduce_min3A_63 = arith.constant dense<0x7F800000> : vector<208xf32>
    %reduce_min3A_64 = vector.multi_reduction <minimumf>, %select_n3A_62, %reduce_min3A_63 [1] : vector<208x256xf32> to vector<208xf32>
    %broadcast_in_dim3A_65 = vector.shape_cast %reduce_min3A_64 : vector<208xf32> to vector<208x1xf32>
    %eq3A_66 = vector.broadcast %broadcast_in_dim3A_65 : vector<208x1xf32> to vector<208x256xf32>
    %eq3A_67 = arith.cmpf oeq, %select_n3A_62, %eq3A_66 : vector<208x256xf32>
    %jit3A_68 = arith.constant 256 : i32
    %broadcast_in_dim3A_69 = vector.broadcast %jit3A_68 : i32 to vector<208x256xi32>
    %select_n3A_70 = arith.select %eq3A_67, %iota3A, %broadcast_in_dim3A_69 : vector<208x256xi1>, vector<208x256xi32>
    %reduce_min3A_71 = arith.constant dense<2147483647> : vector<208xi32>
    %reduce_min3A_72 = vector.multi_reduction <minsi>, %select_n3A_70, %reduce_min3A_71 [1] : vector<208x256xi32> to vector<208xi32>
    %broadcast_in_dim3A_73 = vector.shape_cast %reduce_min3A_72 : vector<208xi32> to vector<208x1xi32>
    %max3A_74 = arith.constant 1.000000e-16 : f32
    %max3A_75 = vector.broadcast %max3A_74 : f32 to vector<208x1xf32>
    %max3A_76 = arith.maximumf %broadcast_in_dim3A_65, %max3A_75 : vector<208x1xf32>
    %div3A_77 = arith.constant 1.000000e+00 : f32
    %div3A_78 = vector.broadcast %div3A_77 : f32 to vector<208x1xf32>
    %div3A_79 = arith.divf %div3A_78, %max3A_76 : vector<208x1xf32>
    %eq3A_80 = vector.broadcast %broadcast_in_dim3A_73 : vector<208x1xi32> to vector<208x256xi32>
    %eq3A_81 = arith.cmpi eq, %iota3A, %eq3A_80 : vector<208x256xi32>
    %broadcast_in_dim3A_82 = vector.shape_cast %div3A_79 : vector<208x1xf32> to vector<208x1xf32>
    %broadcast_in_dim3A_83 = vector.broadcast %broadcast_in_dim3A_82 : vector<208x1xf32> to vector<208x256xf32>
    %select_n3A_84 = arith.select %eq3A_81, %broadcast_in_dim3A_83, %select_n3A_58 : vector<208x256xi1>, vector<208x256xf32>
    %add3A_85 = arith.addf %add3A_59, %div3A_79 : vector<208x1xf32>
    %jit3A_86 = arith.constant 0x7F800000 : f32
    %broadcast_in_dim3A_87 = vector.broadcast %jit3A_86 : f32 to vector<208x256xf32>
    %select_n3A_88 = arith.select %eq3A_81, %broadcast_in_dim3A_87, %select_n3A_62 : vector<208x256xi1>, vector<208x256xf32>
    %reduce_min3A_89 = arith.constant dense<0x7F800000> : vector<208xf32>
    %reduce_min3A_90 = vector.multi_reduction <minimumf>, %select_n3A_88, %reduce_min3A_89 [1] : vector<208x256xf32> to vector<208xf32>
    %broadcast_in_dim3A_91 = vector.shape_cast %reduce_min3A_90 : vector<208xf32> to vector<208x1xf32>
    %eq3A_92 = vector.broadcast %broadcast_in_dim3A_91 : vector<208x1xf32> to vector<208x256xf32>
    %eq3A_93 = arith.cmpf oeq, %select_n3A_88, %eq3A_92 : vector<208x256xf32>
    %jit3A_94 = arith.constant 256 : i32
    %broadcast_in_dim3A_95 = vector.broadcast %jit3A_94 : i32 to vector<208x256xi32>
    %select_n3A_96 = arith.select %eq3A_93, %iota3A, %broadcast_in_dim3A_95 : vector<208x256xi1>, vector<208x256xi32>
    %reduce_min3A_97 = arith.constant dense<2147483647> : vector<208xi32>
    %reduce_min3A_98 = vector.multi_reduction <minsi>, %select_n3A_96, %reduce_min3A_97 [1] : vector<208x256xi32> to vector<208xi32>
    %broadcast_in_dim3A_99 = vector.shape_cast %reduce_min3A_98 : vector<208xi32> to vector<208x1xi32>
    %max3A_100 = arith.constant 1.000000e-16 : f32
    %max3A_101 = vector.broadcast %max3A_100 : f32 to vector<208x1xf32>
    %max3A_102 = arith.maximumf %broadcast_in_dim3A_91, %max3A_101 : vector<208x1xf32>
    %div3A_103 = arith.constant 1.000000e+00 : f32
    %div3A_104 = vector.broadcast %div3A_103 : f32 to vector<208x1xf32>
    %div3A_105 = arith.divf %div3A_104, %max3A_102 : vector<208x1xf32>
    %eq3A_106 = vector.broadcast %broadcast_in_dim3A_99 : vector<208x1xi32> to vector<208x256xi32>
    %eq3A_107 = arith.cmpi eq, %iota3A, %eq3A_106 : vector<208x256xi32>
    %broadcast_in_dim3A_108 = vector.shape_cast %div3A_105 : vector<208x1xf32> to vector<208x1xf32>
    %broadcast_in_dim3A_109 = vector.broadcast %broadcast_in_dim3A_108 : vector<208x1xf32> to vector<208x256xf32>
    %select_n3A_110 = arith.select %eq3A_107, %broadcast_in_dim3A_109, %select_n3A_84 : vector<208x256xi1>, vector<208x256xf32>
    %add3A_111 = arith.addf %add3A_85, %div3A_105 : vector<208x1xf32>
    %div3A_112 = vector.broadcast %add3A_111 : vector<208x1xf32> to vector<208x256xf32>
    %div3A_113 = arith.divf %select_n3A_110, %div3A_112 : vector<208x256xf32>
    %get3A_114 = arith.constant 0 : index
    %get3A_115 = arith.constant 0 : index
    %get3A_116 = arith.constant 0 : index
    %get3A_117 = vector.load %arg8[%get3A_114, %get3A_115, %get3A_116] : memref<1x256x256xf32, #tpu.memory_space<vmem>>, vector<1x256x256xf32>
    %get3A_118 = vector.shape_cast %get3A_117 : vector<1x256x256xf32> to vector<256x256xf32>
    %dot_general3A = arith.constant dense<0.000000e+00> : vector<208x256xf32>
    %dot_general3A_119 = tpu.matmul %div3A_113, %get3A_118, %dot_general3A {dimension_numbers = #tpu.dot_dimension_numbers<[1], [0], [0], [1], [0, 0, 1, 1], [], []>, transpose_lhs_hint = false} : vector<208x256xf32>, vector<256x256xf32>, vector<208x256xf32> -> vector<208x256xf32>
    %get3A_120 = arith.constant 0 : index
    %get3A_121 = arith.constant 0 : index
    %get3A_122 = vector.load %arg10[%get3A_120, %get3A_121] : memref<256x256xf32, #tpu.memory_space<vmem>>, vector<256x256xf32>
    %dot_general3A_123 = arith.constant dense<0.000000e+00> : vector<208x256xf32>
    %dot_general3A_124 = tpu.matmul %dot_general3A_119, %get3A_122, %dot_general3A_123 {dimension_numbers = #tpu.dot_dimension_numbers<[1], [0], [0], [1], [0, 0, 1, 1], [], []>, transpose_lhs_hint = false} : vector<208x256xf32>, vector<256x256xf32>, vector<208x256xf32> -> vector<208x256xf32>
    %get3A_125 = arith.constant 0 : index
    %get3A_126 = arith.constant 0 : index
    %get3A_127 = arith.constant 0 : index
    %get3A_128 = vector.load %arg9[%get3A_125, %get3A_126, %get3A_127] : memref<1x208x128xf32, #tpu.memory_space<vmem>>, vector<1x208x128xf32>
    %get3A_129 = vector.shape_cast %get3A_128 : vector<1x208x128xf32> to vector<208x128xf32>
    %get3A_130 = arith.constant 0 : index
    %get3A_131 = arith.constant 0 : index
    %get3A_132 = vector.load %arg11[%get3A_130, %get3A_131] : memref<128x256xf32, #tpu.memory_space<vmem>>, vector<128x256xf32>
    %dot_general3A_133 = arith.constant dense<0.000000e+00> : vector<208x256xf32>
    %dot_general3A_134 = tpu.matmul %get3A_129, %get3A_132, %dot_general3A_133 {dimension_numbers = #tpu.dot_dimension_numbers<[1], [0], [0], [1], [0, 0, 1, 1], [], []>, transpose_lhs_hint = false} : vector<208x128xf32>, vector<128x256xf32>, vector<208x256xf32> -> vector<208x256xf32>
    %add3A_135 = arith.addf %dot_general3A_124, %dot_general3A_134 : vector<208x256xf32>
    %get3A_136 = arith.constant 0 : index
    %get3A_137 = vector.load %arg12[%get3A_136] : memref<256xf32, #tpu.memory_space<vmem>>, vector<256xf32>
    %broadcast_in_dim3A_138 = vector.shape_cast %get3A_137 : vector<256xf32> to vector<1x256xf32>
    %add3A_139 = vector.broadcast %broadcast_in_dim3A_138 : vector<1x256xf32> to vector<208x256xf32>
    %add3A_140 = arith.addf %add3A_135, %add3A_139 : vector<208x256xf32>
    %max3A_141 = arith.constant 0.000000e+00 : f32
    %max3A_142 = vector.broadcast %max3A_141 : f32 to vector<208x256xf32>
    %max3A_143 = arith.maximumf %add3A_140, %max3A_142 : vector<208x256xf32>
    %get3A_144 = arith.constant 0 : index
    %get3A_145 = arith.constant 0 : index
    %get3A_146 = vector.load %arg13[%get3A_144, %get3A_145] : memref<256x128xf32, #tpu.memory_space<vmem>>, vector<256x128xf32>
    %dot_general3A_147 = arith.constant dense<0.000000e+00> : vector<208x128xf32>
    %dot_general3A_148 = tpu.matmul %max3A_143, %get3A_146, %dot_general3A_147 {dimension_numbers = #tpu.dot_dimension_numbers<[1], [0], [0], [1], [0, 0, 1, 1], [], []>, transpose_lhs_hint = false} : vector<208x256xf32>, vector<256x128xf32>, vector<208x128xf32> -> vector<208x128xf32>
    %get3A_149 = arith.constant 0 : index
    %get3A_150 = vector.load %arg14[%get3A_149] : memref<128xf32, #tpu.memory_space<vmem>>, vector<128xf32>
    %broadcast_in_dim3A_151 = vector.shape_cast %get3A_150 : vector<128xf32> to vector<1x128xf32>
    %add3A_152 = vector.broadcast %broadcast_in_dim3A_151 : vector<1x128xf32> to vector<208x128xf32>
    %add3A_153 = arith.addf %dot_general3A_148, %add3A_152 : vector<208x128xf32>
    %swap3A = arith.constant 0 : index
    %swap3A_154 = arith.constant 0 : index
    %swap3A_155 = arith.constant 0 : index
    %swap3A_156 = vector.load %arg15[%swap3A, %swap3A_154, %swap3A_155] : memref<1x208x128xf32, #tpu.memory_space<vmem>>, vector<1x208x128xf32>
    %swap3A_157 = vector.shape_cast %swap3A_156 : vector<1x208x128xf32> to vector<208x128xf32>
    %swap3A_158 = vector.shape_cast %add3A_153 : vector<208x128xf32> to vector<1x208x128xf32>
    tpu.vector_store %arg15[%swap3A, %swap3A_154, %swap3A_155], %swap3A_158 {strides = array<i32>} : memref<1x208x128xf32, #tpu.memory_space<vmem>>, vector<1x208x128xf32>,
    return
  }
  func.func @transform_0(%arg0: i32, %arg1: i32) -> (i32, i32, i32) {
    %c0_i32 = arith.constant 0 : i32
    %c0_i32_0 = arith.constant 0 : i32
    return %arg0, %arg1, %c0_i32 : i32, i32, i32
  }
  func.func @transform_1(%arg0: i32, %arg1: i32) -> (i32, i32, i32) {
    %c0_i32 = arith.constant 0 : i32
    %c0_i32_0 = arith.constant 0 : i32
    return %arg0, %arg1, %c0_i32 : i32, i32, i32
  }
  func.func @transform_2(%arg0: i32, %arg1: i32) -> (i32, i32, i32) {
    %c0_i32 = arith.constant 0 : i32
    %c0_i32_0 = arith.constant 0 : i32
    return %arg0, %arg1, %c0_i32 : i32, i32, i32
  }
  func.func @transform_3(%arg0: i32, %arg1: i32) -> (i32, i32, i32) {
    %c0_i32 = arith.constant 0 : i32
    %c0_i32_0 = arith.constant 0 : i32
    %c0_i32_1 = arith.constant 0 : i32
    return %arg0, %c0_i32, %c0_i32_0 : i32, i32, i32
  }
  func.func @transform_4(%arg0: i32, %arg1: i32) -> (i32, i32, i32) {
    %c0_i32 = arith.constant 0 : i32
    %c0_i32_0 = arith.constant 0 : i32
    %c0_i32_1 = arith.constant 0 : i32
    return %arg0, %c0_i32, %c0_i32_0 : i32, i32, i32
  }
  func.func @transform_5(%arg0: i32, %arg1: i32) -> (i32, i32, i32) {
    %c0_i32 = arith.constant 0 : i32
    %c0_i32_0 = arith.constant 0 : i32
    %c0_i32_1 = arith.constant 0 : i32
    return %arg0, %c0_i32, %c0_i32_0 : i32, i32, i32
  }
  func.func @transform_6(%arg0: i32, %arg1: i32) -> (i32, i32, i32) {
    %c0_i32 = arith.constant 0 : i32
    %c0_i32_0 = arith.constant 0 : i32
    %c0_i32_1 = arith.constant 0 : i32
    return %arg0, %c0_i32, %c0_i32_0 : i32, i32, i32
  }
  func.func @transform_7(%arg0: i32, %arg1: i32) -> (i32, i32, i32) {
    %c0_i32 = arith.constant 0 : i32
    %c0_i32_0 = arith.constant 0 : i32
    return %arg0, %arg1, %c0_i32 : i32, i32, i32
  }
  func.func @transform_8(%arg0: i32, %arg1: i32) -> (i32, i32) {
    %c0_i32 = arith.constant 0 : i32
    %c0_i32_0 = arith.constant 0 : i32
    %c0_i32_1 = arith.constant 0 : i32
    return %c0_i32, %c0_i32_0 : i32, i32
  }
  func.func @transform_9(%arg0: i32, %arg1: i32) -> (i32, i32) {
    %c0_i32 = arith.constant 0 : i32
    %c0_i32_0 = arith.constant 0 : i32
    %c0_i32_1 = arith.constant 0 : i32
    return %c0_i32, %c0_i32_0 : i32, i32
  }
  func.func @transform_10(%arg0: i32, %arg1: i32) -> i32 {
    %c0_i32 = arith.constant 0 : i32
    %c0_i32_0 = arith.constant 0 : i32
    return %c0_i32 : i32
  }
  func.func @transform_11(%arg0: i32, %arg1: i32) -> (i32, i32) {
    %c0_i32 = arith.constant 0 : i32
    %c0_i32_0 = arith.constant 0 : i32
    %c0_i32_1 = arith.constant 0 : i32
    return %c0_i32, %c0_i32_0 : i32, i32
  }
  func.func @transform_12(%arg0: i32, %arg1: i32) -> i32 {
    %c0_i32 = arith.constant 0 : i32
    %c0_i32_0 = arith.constant 0 : i32
    return %c0_i32 : i32
  }
  func.func @transform_13(%arg0: i32, %arg1: i32) -> (i32, i32, i32) {
    %c0_i32 = arith.constant 0 : i32
    %c0_i32_0 = arith.constant 0 : i32
    return %arg0, %arg1, %c0_i32 : i32, i32, i32
  }
}

module attributes {stable_mosaic.version = 14 : i64} {
  func.func @_interp_kernel(%arg0: i32, %arg1: i32, %arg2: memref<1x512x1xf32, #tpu.memory_space<vmem>>, %arg3: memref<1x512x1xf32, #tpu.memory_space<vmem>>, %arg4: memref<1x512x1xf32, #tpu.memory_space<vmem>>, %arg5: memref<1x1x896xf32, #tpu.memory_space<vmem>>, %arg6: memref<1x1x896xf32, #tpu.memory_space<vmem>>, %arg7: memref<1x1x896xf32, #tpu.memory_space<vmem>>, %arg8: memref<1x896x128xf32, #tpu.memory_space<vmem>>, %arg9: memref<1x512x3xf32, #tpu.memory_space<vmem>>, %arg10: memref<128x128xf32, #tpu.memory_space<vmem>>, %arg11: memref<3x128xf32, #tpu.memory_space<vmem>>, %arg12: memref<128xf32, #tpu.memory_space<vmem>>, %arg13: memref<128x128xf32, #tpu.memory_space<vmem>>, %arg14: memref<128xf32, #tpu.memory_space<vmem>>, %arg15: memref<128x128xf32, #tpu.memory_space<vmem>>, %arg16: memref<128xf32, #tpu.memory_space<vmem>>, %arg17: memref<1x512x128xf32, #tpu.memory_space<vmem>>) attributes {dimension_semantics = [#tpu.dimension_semantics<arbitrary>, #tpu.dimension_semantics<arbitrary>], iteration_bounds = array<i64: 8, 8>, scalar_prefetch = 0 : i64, scratch_operands = 0 : i64, tpu.core_type = #tpu.core_type<tc>, window_params = [{transform_indices = @transform_0, window_bounds = array<i64: 1, 512, 1>}, {transform_indices = @transform_1, window_bounds = array<i64: 1, 512, 1>}, {transform_indices = @transform_2, window_bounds = array<i64: 1, 512, 1>}, {transform_indices = @transform_3, window_bounds = array<i64: 1, 1, 896>}, {transform_indices = @transform_4, window_bounds = array<i64: 1, 1, 896>}, {transform_indices = @transform_5, window_bounds = array<i64: 1, 1, 896>}, {transform_indices = @transform_6, window_bounds = array<i64: 1, 896, 128>}, {transform_indices = @transform_7, window_bounds = array<i64: 1, 512, 3>}, {pipeline_mode = #tpu.pipeline_mode<synchronous>, transform_indices = @transform_8, window_bounds = array<i64: 128, 128>}, {pipeline_mode = #tpu.pipeline_mode<synchronous>, transform_indices = @transform_9, window_bounds = array<i64: 3, 128>}, {pipeline_mode = #tpu.pipeline_mode<synchronous>, transform_indices = @transform_10, window_bounds = array<i64: 128>}, {pipeline_mode = #tpu.pipeline_mode<synchronous>, transform_indices = @transform_11, window_bounds = array<i64: 128, 128>}, {pipeline_mode = #tpu.pipeline_mode<synchronous>, transform_indices = @transform_12, window_bounds = array<i64: 128>}, {pipeline_mode = #tpu.pipeline_mode<synchronous>, transform_indices = @transform_13, window_bounds = array<i64: 128, 128>}, {pipeline_mode = #tpu.pipeline_mode<synchronous>, transform_indices = @transform_14, window_bounds = array<i64: 128>}, {transform_indices = @transform_15, window_bounds = array<i64: 1, 512, 128>}]} {
    %get3A = arith.constant 0 : index
    %get3A_0 = arith.constant 0 : index
    %get3A_1 = arith.constant 0 : index
    %get3A_2 = vector.load %arg2[%get3A, %get3A_0, %get3A_1] : memref<1x512x1xf32, #tpu.memory_space<vmem>>, vector<1x512x1xf32>
    %get3A_3 = vector.shape_cast %get3A_2 : vector<1x512x1xf32> to vector<512x1xf32>
    %get3A_4 = arith.constant 0 : index
    %get3A_5 = arith.constant 0 : index
    %get3A_6 = arith.constant 0 : index
    %get3A_7 = vector.load %arg3[%get3A_4, %get3A_5, %get3A_6] : memref<1x512x1xf32, #tpu.memory_space<vmem>>, vector<1x512x1xf32>
    %get3A_8 = vector.shape_cast %get3A_7 : vector<1x512x1xf32> to vector<512x1xf32>
    %get3A_9 = arith.constant 0 : index
    %get3A_10 = arith.constant 0 : index
    %get3A_11 = arith.constant 0 : index
    %get3A_12 = vector.load %arg4[%get3A_9, %get3A_10, %get3A_11] : memref<1x512x1xf32, #tpu.memory_space<vmem>>, vector<1x512x1xf32>
    %get3A_13 = vector.shape_cast %get3A_12 : vector<1x512x1xf32> to vector<512x1xf32>
    %get3A_14 = arith.constant 0 : index
    %get3A_15 = arith.constant 0 : index
    %get3A_16 = arith.constant 0 : index
    %get3A_17 = vector.load %arg5[%get3A_14, %get3A_15, %get3A_16] : memref<1x1x896xf32, #tpu.memory_space<vmem>>, vector<1x1x896xf32>
    %get3A_18 = vector.shape_cast %get3A_17 : vector<1x1x896xf32> to vector<1x896xf32>
    %get3A_19 = arith.constant 0 : index
    %get3A_20 = arith.constant 0 : index
    %get3A_21 = arith.constant 0 : index
    %get3A_22 = vector.load %arg6[%get3A_19, %get3A_20, %get3A_21] : memref<1x1x896xf32, #tpu.memory_space<vmem>>, vector<1x1x896xf32>
    %get3A_23 = vector.shape_cast %get3A_22 : vector<1x1x896xf32> to vector<1x896xf32>
    %get3A_24 = arith.constant 0 : index
    %get3A_25 = arith.constant 0 : index
    %get3A_26 = arith.constant 0 : index
    %get3A_27 = vector.load %arg7[%get3A_24, %get3A_25, %get3A_26] : memref<1x1x896xf32, #tpu.memory_space<vmem>>, vector<1x1x896xf32>
    %get3A_28 = vector.shape_cast %get3A_27 : vector<1x1x896xf32> to vector<1x896xf32>
    %sub3A = vector.broadcast %get3A_3 : vector<512x1xf32> to vector<512x896xf32>
    %sub3A_29 = vector.broadcast %get3A_18 : vector<1x896xf32> to vector<512x896xf32>
    %sub3A_30 = arith.subf %sub3A, %sub3A_29 : vector<512x896xf32>
    %sub3A_31 = vector.broadcast %get3A_8 : vector<512x1xf32> to vector<512x896xf32>
    %sub3A_32 = vector.broadcast %get3A_23 : vector<1x896xf32> to vector<512x896xf32>
    %sub3A_33 = arith.subf %sub3A_31, %sub3A_32 : vector<512x896xf32>
    %sub3A_34 = vector.broadcast %get3A_13 : vector<512x1xf32> to vector<512x896xf32>
    %sub3A_35 = vector.broadcast %get3A_28 : vector<1x896xf32> to vector<512x896xf32>
    %sub3A_36 = arith.subf %sub3A_34, %sub3A_35 : vector<512x896xf32>
    %mul3A = arith.mulf %sub3A_30, %sub3A_30 : vector<512x896xf32>
    %mul3A_37 = arith.mulf %sub3A_33, %sub3A_33 : vector<512x896xf32>
    %add3A = arith.addf %mul3A, %mul3A_37 : vector<512x896xf32>
    %mul3A_38 = arith.mulf %sub3A_36, %sub3A_36 : vector<512x896xf32>
    %add3A_39 = arith.addf %add3A, %mul3A_38 : vector<512x896xf32>
    %iota3A = tpu.iota {dimensions = array<i32: 1>} : vector<512x896xi32>
    %broadcast_in_dim3A = arith.constant 0.000000e+00 : f32
    %broadcast_in_dim3A_40 = vector.broadcast %broadcast_in_dim3A : f32 to vector<512x896xf32>
    %broadcast_in_dim3A_41 = arith.constant 0.000000e+00 : f32
    %broadcast_in_dim3A_42 = vector.broadcast %broadcast_in_dim3A_41 : f32 to vector<512x1xf32>
    %reduce_min3A = arith.constant dense<0x7F800000> : vector<512xf32>
    %reduce_min3A_43 = vector.multi_reduction <minimumf>, %add3A_39, %reduce_min3A [1] : vector<512x896xf32> to vector<512xf32>
    %broadcast_in_dim3A_44 = vector.shape_cast %reduce_min3A_43 : vector<512xf32> to vector<512x1xf32>
    %eq3A = vector.broadcast %broadcast_in_dim3A_44 : vector<512x1xf32> to vector<512x896xf32>
    %eq3A_45 = arith.cmpf oeq, %add3A_39, %eq3A : vector<512x896xf32>
    %jit3A = arith.constant 896 : i32
    %broadcast_in_dim3A_46 = vector.broadcast %jit3A : i32 to vector<512x896xi32>
    %select_n3A = arith.select %eq3A_45, %iota3A, %broadcast_in_dim3A_46 : vector<512x896xi1>, vector<512x896xi32>
    %reduce_min3A_47 = arith.constant dense<2147483647> : vector<512xi32>
    %reduce_min3A_48 = vector.multi_reduction <minsi>, %select_n3A, %reduce_min3A_47 [1] : vector<512x896xi32> to vector<512xi32>
    %broadcast_in_dim3A_49 = vector.shape_cast %reduce_min3A_48 : vector<512xi32> to vector<512x1xi32>
    %max3A = arith.constant 1.000000e-16 : f32
    %max3A_50 = vector.broadcast %max3A : f32 to vector<512x1xf32>
    %max3A_51 = arith.maximumf %broadcast_in_dim3A_44, %max3A_50 : vector<512x1xf32>
    %div3A = arith.constant 1.000000e+00 : f32
    %div3A_52 = vector.broadcast %div3A : f32 to vector<512x1xf32>
    %div3A_53 = arith.divf %div3A_52, %max3A_51 : vector<512x1xf32>
    %eq3A_54 = vector.broadcast %broadcast_in_dim3A_49 : vector<512x1xi32> to vector<512x896xi32>
    %eq3A_55 = arith.cmpi eq, %iota3A, %eq3A_54 : vector<512x896xi32>
    %broadcast_in_dim3A_56 = vector.shape_cast %div3A_53 : vector<512x1xf32> to vector<512x1xf32>
    %broadcast_in_dim3A_57 = vector.broadcast %broadcast_in_dim3A_56 : vector<512x1xf32> to vector<512x896xf32>
    %select_n3A_58 = arith.select %eq3A_55, %broadcast_in_dim3A_57, %broadcast_in_dim3A_40 : vector<512x896xi1>, vector<512x896xf32>
    %add3A_59 = arith.addf %broadcast_in_dim3A_42, %div3A_53 : vector<512x1xf32>
    %jit3A_60 = arith.constant 0x7F800000 : f32
    %broadcast_in_dim3A_61 = vector.broadcast %jit3A_60 : f32 to vector<512x896xf32>
    %select_n3A_62 = arith.select %eq3A_55, %broadcast_in_dim3A_61, %add3A_39 : vector<512x896xi1>, vector<512x896xf32>
    %reduce_min3A_63 = arith.constant dense<0x7F800000> : vector<512xf32>
    %reduce_min3A_64 = vector.multi_reduction <minimumf>, %select_n3A_62, %reduce_min3A_63 [1] : vector<512x896xf32> to vector<512xf32>
    %broadcast_in_dim3A_65 = vector.shape_cast %reduce_min3A_64 : vector<512xf32> to vector<512x1xf32>
    %eq3A_66 = vector.broadcast %broadcast_in_dim3A_65 : vector<512x1xf32> to vector<512x896xf32>
    %eq3A_67 = arith.cmpf oeq, %select_n3A_62, %eq3A_66 : vector<512x896xf32>
    %jit3A_68 = arith.constant 896 : i32
    %broadcast_in_dim3A_69 = vector.broadcast %jit3A_68 : i32 to vector<512x896xi32>
    %select_n3A_70 = arith.select %eq3A_67, %iota3A, %broadcast_in_dim3A_69 : vector<512x896xi1>, vector<512x896xi32>
    %reduce_min3A_71 = arith.constant dense<2147483647> : vector<512xi32>
    %reduce_min3A_72 = vector.multi_reduction <minsi>, %select_n3A_70, %reduce_min3A_71 [1] : vector<512x896xi32> to vector<512xi32>
    %broadcast_in_dim3A_73 = vector.shape_cast %reduce_min3A_72 : vector<512xi32> to vector<512x1xi32>
    %max3A_74 = arith.constant 1.000000e-16 : f32
    %max3A_75 = vector.broadcast %max3A_74 : f32 to vector<512x1xf32>
    %max3A_76 = arith.maximumf %broadcast_in_dim3A_65, %max3A_75 : vector<512x1xf32>
    %div3A_77 = arith.constant 1.000000e+00 : f32
    %div3A_78 = vector.broadcast %div3A_77 : f32 to vector<512x1xf32>
    %div3A_79 = arith.divf %div3A_78, %max3A_76 : vector<512x1xf32>
    %eq3A_80 = vector.broadcast %broadcast_in_dim3A_73 : vector<512x1xi32> to vector<512x896xi32>
    %eq3A_81 = arith.cmpi eq, %iota3A, %eq3A_80 : vector<512x896xi32>
    %broadcast_in_dim3A_82 = vector.shape_cast %div3A_79 : vector<512x1xf32> to vector<512x1xf32>
    %broadcast_in_dim3A_83 = vector.broadcast %broadcast_in_dim3A_82 : vector<512x1xf32> to vector<512x896xf32>
    %select_n3A_84 = arith.select %eq3A_81, %broadcast_in_dim3A_83, %select_n3A_58 : vector<512x896xi1>, vector<512x896xf32>
    %add3A_85 = arith.addf %add3A_59, %div3A_79 : vector<512x1xf32>
    %jit3A_86 = arith.constant 0x7F800000 : f32
    %broadcast_in_dim3A_87 = vector.broadcast %jit3A_86 : f32 to vector<512x896xf32>
    %select_n3A_88 = arith.select %eq3A_81, %broadcast_in_dim3A_87, %select_n3A_62 : vector<512x896xi1>, vector<512x896xf32>
    %reduce_min3A_89 = arith.constant dense<0x7F800000> : vector<512xf32>
    %reduce_min3A_90 = vector.multi_reduction <minimumf>, %select_n3A_88, %reduce_min3A_89 [1] : vector<512x896xf32> to vector<512xf32>
    %broadcast_in_dim3A_91 = vector.shape_cast %reduce_min3A_90 : vector<512xf32> to vector<512x1xf32>
    %eq3A_92 = vector.broadcast %broadcast_in_dim3A_91 : vector<512x1xf32> to vector<512x896xf32>
    %eq3A_93 = arith.cmpf oeq, %select_n3A_88, %eq3A_92 : vector<512x896xf32>
    %jit3A_94 = arith.constant 896 : i32
    %broadcast_in_dim3A_95 = vector.broadcast %jit3A_94 : i32 to vector<512x896xi32>
    %select_n3A_96 = arith.select %eq3A_93, %iota3A, %broadcast_in_dim3A_95 : vector<512x896xi1>, vector<512x896xi32>
    %reduce_min3A_97 = arith.constant dense<2147483647> : vector<512xi32>
    %reduce_min3A_98 = vector.multi_reduction <minsi>, %select_n3A_96, %reduce_min3A_97 [1] : vector<512x896xi32> to vector<512xi32>
    %broadcast_in_dim3A_99 = vector.shape_cast %reduce_min3A_98 : vector<512xi32> to vector<512x1xi32>
    %max3A_100 = arith.constant 1.000000e-16 : f32
    %max3A_101 = vector.broadcast %max3A_100 : f32 to vector<512x1xf32>
    %max3A_102 = arith.maximumf %broadcast_in_dim3A_91, %max3A_101 : vector<512x1xf32>
    %div3A_103 = arith.constant 1.000000e+00 : f32
    %div3A_104 = vector.broadcast %div3A_103 : f32 to vector<512x1xf32>
    %div3A_105 = arith.divf %div3A_104, %max3A_102 : vector<512x1xf32>
    %eq3A_106 = vector.broadcast %broadcast_in_dim3A_99 : vector<512x1xi32> to vector<512x896xi32>
    %eq3A_107 = arith.cmpi eq, %iota3A, %eq3A_106 : vector<512x896xi32>
    %broadcast_in_dim3A_108 = vector.shape_cast %div3A_105 : vector<512x1xf32> to vector<512x1xf32>
    %broadcast_in_dim3A_109 = vector.broadcast %broadcast_in_dim3A_108 : vector<512x1xf32> to vector<512x896xf32>
    %select_n3A_110 = arith.select %eq3A_107, %broadcast_in_dim3A_109, %select_n3A_84 : vector<512x896xi1>, vector<512x896xf32>
    %add3A_111 = arith.addf %add3A_85, %div3A_105 : vector<512x1xf32>
    %div3A_112 = vector.broadcast %add3A_111 : vector<512x1xf32> to vector<512x896xf32>
    %div3A_113 = arith.divf %select_n3A_110, %div3A_112 : vector<512x896xf32>
    %get3A_114 = arith.constant 0 : index
    %get3A_115 = arith.constant 0 : index
    %get3A_116 = arith.constant 0 : index
    %get3A_117 = vector.load %arg8[%get3A_114, %get3A_115, %get3A_116] : memref<1x896x128xf32, #tpu.memory_space<vmem>>, vector<1x896x128xf32>
    %get3A_118 = vector.shape_cast %get3A_117 : vector<1x896x128xf32> to vector<896x128xf32>
    %dot_general3A = arith.constant dense<0.000000e+00> : vector<512x128xf32>
    %dot_general3A_119 = tpu.matmul %div3A_113, %get3A_118, %dot_general3A {dimension_numbers = #tpu.dot_dimension_numbers<[1], [0], [0], [1], [0, 0, 1, 1], [], []>, transpose_lhs_hint = false} : vector<512x896xf32>, vector<896x128xf32>, vector<512x128xf32> -> vector<512x128xf32>
    %get3A_120 = arith.constant 0 : index
    %get3A_121 = arith.constant 0 : index
    %get3A_122 = vector.load %arg10[%get3A_120, %get3A_121] : memref<128x128xf32, #tpu.memory_space<vmem>>, vector<128x128xf32>
    %dot_general3A_123 = arith.constant dense<0.000000e+00> : vector<512x128xf32>
    %dot_general3A_124 = tpu.matmul %dot_general3A_119, %get3A_122, %dot_general3A_123 {dimension_numbers = #tpu.dot_dimension_numbers<[1], [0], [0], [1], [0, 0, 1, 1], [], []>, transpose_lhs_hint = false} : vector<512x128xf32>, vector<128x128xf32>, vector<512x128xf32> -> vector<512x128xf32>
    %get3A_125 = arith.constant 0 : index
    %get3A_126 = arith.constant 0 : index
    %get3A_127 = arith.constant 0 : index
    %get3A_128 = vector.load %arg9[%get3A_125, %get3A_126, %get3A_127] : memref<1x512x3xf32, #tpu.memory_space<vmem>>, vector<1x512x3xf32>
    %get3A_129 = vector.shape_cast %get3A_128 : vector<1x512x3xf32> to vector<512x3xf32>
    %get3A_130 = arith.constant 0 : index
    %get3A_131 = arith.constant 0 : index
    %get3A_132 = vector.load %arg11[%get3A_130, %get3A_131] : memref<3x128xf32, #tpu.memory_space<vmem>>, vector<3x128xf32>
    %dot_general3A_133 = arith.constant dense<0.000000e+00> : vector<512x128xf32>
    %dot_general3A_134 = tpu.matmul %get3A_129, %get3A_132, %dot_general3A_133 {dimension_numbers = #tpu.dot_dimension_numbers<[1], [0], [0], [1], [0, 0, 1, 1], [], []>, transpose_lhs_hint = false} : vector<512x3xf32>, vector<3x128xf32>, vector<512x128xf32> -> vector<512x128xf32>
    %add3A_135 = arith.addf %dot_general3A_124, %dot_general3A_134 : vector<512x128xf32>
    %get3A_136 = arith.constant 0 : index
    %get3A_137 = vector.load %arg12[%get3A_136] : memref<128xf32, #tpu.memory_space<vmem>>, vector<128xf32>
    %broadcast_in_dim3A_138 = vector.shape_cast %get3A_137 : vector<128xf32> to vector<1x128xf32>
    %add3A_139 = vector.broadcast %broadcast_in_dim3A_138 : vector<1x128xf32> to vector<512x128xf32>
    %add3A_140 = arith.addf %add3A_135, %add3A_139 : vector<512x128xf32>
    %max3A_141 = arith.constant 0.000000e+00 : f32
    %max3A_142 = vector.broadcast %max3A_141 : f32 to vector<512x128xf32>
    %max3A_143 = arith.maximumf %add3A_140, %max3A_142 : vector<512x128xf32>
    %get3A_144 = arith.constant 0 : index
    %get3A_145 = arith.constant 0 : index
    %get3A_146 = vector.load %arg13[%get3A_144, %get3A_145] : memref<128x128xf32, #tpu.memory_space<vmem>>, vector<128x128xf32>
    %dot_general3A_147 = arith.constant dense<0.000000e+00> : vector<512x128xf32>
    %dot_general3A_148 = tpu.matmul %max3A_143, %get3A_146, %dot_general3A_147 {dimension_numbers = #tpu.dot_dimension_numbers<[1], [0], [0], [1], [0, 0, 1, 1], [], []>, transpose_lhs_hint = false} : vector<512x128xf32>, vector<128x128xf32>, vector<512x128xf32> -> vector<512x128xf32>
    %get3A_149 = arith.constant 0 : index
    %get3A_150 = vector.load %arg14[%get3A_149] : memref<128xf32, #tpu.memory_space<vmem>>, vector<128xf32>
    %broadcast_in_dim3A_151 = vector.shape_cast %get3A_150 : vector<128xf32> to vector<1x128xf32>
    %add3A_152 = vector.broadcast %broadcast_in_dim3A_151 : vector<1x128xf32> to vector<512x128xf32>
    %add3A_153 = arith.addf %dot_general3A_148, %add3A_152 : vector<512x128xf32>
    %max3A_154 = arith.constant 0.000000e+00 : f32
    %max3A_155 = vector.broadcast %max3A_154 : f32 to vector<512x128xf32>
    %max3A_156 = arith.maximumf %add3A_153, %max3A_155 : vector<512x128xf32>
    %get3A_157 = arith.constant 0 : index
    %get3A_158 = arith.constant 0 : index
    %get3A_159 = vector.load %arg15[%get3A_157, %get3A_158] : memref<128x128xf32, #tpu.memory_space<vmem>>, vector<128x128xf32>
    %dot_general3A_160 = arith.constant dense<0.000000e+00> : vector<512x128xf32>
    %dot_general3A_161 = tpu.matmul %max3A_156, %get3A_159, %dot_general3A_160 {dimension_numbers = #tpu.dot_dimension_numbers<[1], [0], [0], [1], [0, 0, 1, 1], [], []>, transpose_lhs_hint = false} : vector<512x128xf32>, vector<128x128xf32>, vector<512x128xf32> -> vector<512x128xf32>
    %get3A_162 = arith.constant 0 : index
    %get3A_163 = vector.load %arg16[%get3A_162] : memref<128xf32, #tpu.memory_space<vmem>>, vector<128xf32>
    %broadcast_in_dim3A_164 = vector.shape_cast %get3A_163 : vector<128xf32> to vector<1x128xf32>
    %add3A_165 = vector.broadcast %broadcast_in_dim3A_164 : vector<1x128xf32> to vector<512x128xf32>
    %add3A_166 = arith.addf %dot_general3A_161, %add3A_165 : vector<512x128xf32>
    %swap3A = arith.constant 0 : index
    %swap3A_167 = arith.constant 0 : index
    %swap3A_168 = arith.constant 0 : index
    %swap3A_169 = vector.load %arg17[%swap3A, %swap3A_167, %swap3A_168] : memref<1x512x128xf32, #tpu.memory_space<vmem>>, vector<1x512x128xf32>
    %swap3A_170 = vector.shape_cast %swap3A_169 : vector<1x512x128xf32> to vector<512x128xf32>
    %swap3A_171 = vector.shape_cast %add3A_166 : vector<512x128xf32> to vector<1x512x128xf32>
    tpu.vector_store %arg17[%swap3A, %swap3A_167, %swap3A_168], %swap3A_171 {strides = array<i32>} : memref<1x512x128xf32, #tpu.memory_space<vmem>>, vector<1x512x128xf32>,
    return
  }
  func.func @transform_0(%arg0: i32, %arg1: i32) -> (i32, i32, i32) {
    %c0_i32 = arith.constant 0 : i32
    %c0_i32_0 = arith.constant 0 : i32
    return %arg0, %arg1, %c0_i32 : i32, i32, i32
  }
  func.func @transform_1(%arg0: i32, %arg1: i32) -> (i32, i32, i32) {
    %c0_i32 = arith.constant 0 : i32
    %c0_i32_0 = arith.constant 0 : i32
    return %arg0, %arg1, %c0_i32 : i32, i32, i32
  }
  func.func @transform_2(%arg0: i32, %arg1: i32) -> (i32, i32, i32) {
    %c0_i32 = arith.constant 0 : i32
    %c0_i32_0 = arith.constant 0 : i32
    return %arg0, %arg1, %c0_i32 : i32, i32, i32
  }
  func.func @transform_3(%arg0: i32, %arg1: i32) -> (i32, i32, i32) {
    %c0_i32 = arith.constant 0 : i32
    %c0_i32_0 = arith.constant 0 : i32
    %c0_i32_1 = arith.constant 0 : i32
    return %arg0, %c0_i32, %c0_i32_0 : i32, i32, i32
  }
  func.func @transform_4(%arg0: i32, %arg1: i32) -> (i32, i32, i32) {
    %c0_i32 = arith.constant 0 : i32
    %c0_i32_0 = arith.constant 0 : i32
    %c0_i32_1 = arith.constant 0 : i32
    return %arg0, %c0_i32, %c0_i32_0 : i32, i32, i32
  }
  func.func @transform_5(%arg0: i32, %arg1: i32) -> (i32, i32, i32) {
    %c0_i32 = arith.constant 0 : i32
    %c0_i32_0 = arith.constant 0 : i32
    %c0_i32_1 = arith.constant 0 : i32
    return %arg0, %c0_i32, %c0_i32_0 : i32, i32, i32
  }
  func.func @transform_6(%arg0: i32, %arg1: i32) -> (i32, i32, i32) {
    %c0_i32 = arith.constant 0 : i32
    %c0_i32_0 = arith.constant 0 : i32
    %c0_i32_1 = arith.constant 0 : i32
    return %arg0, %c0_i32, %c0_i32_0 : i32, i32, i32
  }
  func.func @transform_7(%arg0: i32, %arg1: i32) -> (i32, i32, i32) {
    %c0_i32 = arith.constant 0 : i32
    %c0_i32_0 = arith.constant 0 : i32
    return %arg0, %arg1, %c0_i32 : i32, i32, i32
  }
  func.func @transform_8(%arg0: i32, %arg1: i32) -> (i32, i32) {
    %c0_i32 = arith.constant 0 : i32
    %c0_i32_0 = arith.constant 0 : i32
    %c0_i32_1 = arith.constant 0 : i32
    return %c0_i32, %c0_i32_0 : i32, i32
  }
  func.func @transform_9(%arg0: i32, %arg1: i32) -> (i32, i32) {
    %c0_i32 = arith.constant 0 : i32
    %c0_i32_0 = arith.constant 0 : i32
    %c0_i32_1 = arith.constant 0 : i32
    return %c0_i32, %c0_i32_0 : i32, i32
  }
  func.func @transform_10(%arg0: i32, %arg1: i32) -> i32 {
    %c0_i32 = arith.constant 0 : i32
    %c0_i32_0 = arith.constant 0 : i32
    return %c0_i32 : i32
  }
  func.func @transform_11(%arg0: i32, %arg1: i32) -> (i32, i32) {
    %c0_i32 = arith.constant 0 : i32
    %c0_i32_0 = arith.constant 0 : i32
    %c0_i32_1 = arith.constant 0 : i32
    return %c0_i32, %c0_i32_0 : i32, i32
  }
  func.func @transform_12(%arg0: i32, %arg1: i32) -> i32 {
    %c0_i32 = arith.constant 0 : i32
    %c0_i32_0 = arith.constant 0 : i32
    return %c0_i32 : i32
  }
  func.func @transform_13(%arg0: i32, %arg1: i32) -> (i32, i32) {
    %c0_i32 = arith.constant 0 : i32
    %c0_i32_0 = arith.constant 0 : i32
    %c0_i32_1 = arith.constant 0 : i32
    return %c0_i32, %c0_i32_0 : i32, i32
  }
  func.func @transform_14(%arg0: i32, %arg1: i32) -> i32 {
    %c0_i32 = arith.constant 0 : i32
    %c0_i32_0 = arith.constant 0 : i32
    return %c0_i32 : i32
  }
  func.func @transform_15(%arg0: i32, %arg1: i32) -> (i32, i32, i32) {
    %c0_i32 = arith.constant 0 : i32
    %c0_i32_0 = arith.constant 0 : i32
    return %arg0, %arg1, %c0_i32 : i32, i32, i32
  }
}

module attributes {stable_mosaic.version = 14 : i64} {
  func.func @_head_kernel(%arg0: i32, %arg1: memref<2048x128xf32, #tpu.memory_space<vmem>>, %arg2: memref<128x128xf32, #tpu.memory_space<vmem>>, %arg3: memref<128xf32, #tpu.memory_space<vmem>>, %arg4: memref<128x128xf32, #tpu.memory_space<vmem>>, %arg5: memref<128xf32, #tpu.memory_space<vmem>>, %arg6: memref<128x13xf32, #tpu.memory_space<vmem>>, %arg7: memref<13xf32, #tpu.memory_space<vmem>>, %arg8: memref<2048x13xf32, #tpu.memory_space<vmem>>) attributes {dimension_semantics = [#tpu.dimension_semantics<arbitrary>], iteration_bounds = array<i64: 16>, scalar_prefetch = 0 : i64, scratch_operands = 0 : i64, tpu.core_type = #tpu.core_type<tc>, window_params = [{transform_indices = @transform_0, window_bounds = array<i64: 2048, 128>}, {pipeline_mode = #tpu.pipeline_mode<synchronous>, transform_indices = @transform_1, window_bounds = array<i64: 128, 128>}, {pipeline_mode = #tpu.pipeline_mode<synchronous>, transform_indices = @transform_2, window_bounds = array<i64: 128>}, {pipeline_mode = #tpu.pipeline_mode<synchronous>, transform_indices = @transform_3, window_bounds = array<i64: 128, 128>}, {pipeline_mode = #tpu.pipeline_mode<synchronous>, transform_indices = @transform_4, window_bounds = array<i64: 128>}, {pipeline_mode = #tpu.pipeline_mode<synchronous>, transform_indices = @transform_5, window_bounds = array<i64: 128, 13>}, {pipeline_mode = #tpu.pipeline_mode<synchronous>, transform_indices = @transform_6, window_bounds = array<i64: 13>}, {transform_indices = @transform_7, window_bounds = array<i64: 2048, 13>}]} {
    %get3A = arith.constant 0 : index
    %get3A_0 = arith.constant 0 : index
    %get3A_1 = vector.load %arg1[%get3A, %get3A_0] : memref<2048x128xf32, #tpu.memory_space<vmem>>, vector<2048x128xf32>
    %get3A_2 = arith.constant 0 : index
    %get3A_3 = arith.constant 0 : index
    %get3A_4 = vector.load %arg2[%get3A_2, %get3A_3] : memref<128x128xf32, #tpu.memory_space<vmem>>, vector<128x128xf32>
    %dot_general3A = arith.constant dense<0.000000e+00> : vector<2048x128xf32>
    %dot_general3A_5 = tpu.matmul %get3A_1, %get3A_4, %dot_general3A {dimension_numbers = #tpu.dot_dimension_numbers<[1], [0], [0], [1], [0, 0, 1, 1], [], []>, transpose_lhs_hint = false} : vector<2048x128xf32>, vector<128x128xf32>, vector<2048x128xf32> -> vector<2048x128xf32>
    %get3A_6 = arith.constant 0 : index
    %get3A_7 = vector.load %arg3[%get3A_6] : memref<128xf32, #tpu.memory_space<vmem>>, vector<128xf32>
    %broadcast_in_dim3A = vector.shape_cast %get3A_7 : vector<128xf32> to vector<1x128xf32>
    %add3A = vector.broadcast %broadcast_in_dim3A : vector<1x128xf32> to vector<2048x128xf32>
    %add3A_8 = arith.addf %dot_general3A_5, %add3A : vector<2048x128xf32>
    %max3A = arith.constant 0.000000e+00 : f32
    %max3A_9 = vector.broadcast %max3A : f32 to vector<2048x128xf32>
    %max3A_10 = arith.maximumf %add3A_8, %max3A_9 : vector<2048x128xf32>
    %get3A_11 = arith.constant 0 : index
    %get3A_12 = arith.constant 0 : index
    %get3A_13 = vector.load %arg4[%get3A_11, %get3A_12] : memref<128x128xf32, #tpu.memory_space<vmem>>, vector<128x128xf32>
    %dot_general3A_14 = arith.constant dense<0.000000e+00> : vector<2048x128xf32>
    %dot_general3A_15 = tpu.matmul %max3A_10, %get3A_13, %dot_general3A_14 {dimension_numbers = #tpu.dot_dimension_numbers<[1], [0], [0], [1], [0, 0, 1, 1], [], []>, transpose_lhs_hint = false} : vector<2048x128xf32>, vector<128x128xf32>, vector<2048x128xf32> -> vector<2048x128xf32>
    %get3A_16 = arith.constant 0 : index
    %get3A_17 = vector.load %arg5[%get3A_16] : memref<128xf32, #tpu.memory_space<vmem>>, vector<128xf32>
    %broadcast_in_dim3A_18 = vector.shape_cast %get3A_17 : vector<128xf32> to vector<1x128xf32>
    %add3A_19 = vector.broadcast %broadcast_in_dim3A_18 : vector<1x128xf32> to vector<2048x128xf32>
    %add3A_20 = arith.addf %dot_general3A_15, %add3A_19 : vector<2048x128xf32>
    %max3A_21 = arith.constant 0.000000e+00 : f32
    %max3A_22 = vector.broadcast %max3A_21 : f32 to vector<2048x128xf32>
    %max3A_23 = arith.maximumf %add3A_20, %max3A_22 : vector<2048x128xf32>
    %get3A_24 = arith.constant 0 : index
    %get3A_25 = arith.constant 0 : index
    %get3A_26 = vector.load %arg6[%get3A_24, %get3A_25] : memref<128x13xf32, #tpu.memory_space<vmem>>, vector<128x13xf32>
    %dot_general3A_27 = arith.constant dense<0.000000e+00> : vector<2048x13xf32>
    %dot_general3A_28 = tpu.matmul %max3A_23, %get3A_26, %dot_general3A_27 {dimension_numbers = #tpu.dot_dimension_numbers<[1], [0], [0], [1], [0, 0, 1, 1], [], []>, transpose_lhs_hint = false} : vector<2048x128xf32>, vector<128x13xf32>, vector<2048x13xf32> -> vector<2048x13xf32>
    %get3A_29 = arith.constant 0 : index
    %get3A_30 = vector.load %arg7[%get3A_29] : memref<13xf32, #tpu.memory_space<vmem>>, vector<13xf32>
    %broadcast_in_dim3A_31 = vector.shape_cast %get3A_30 : vector<13xf32> to vector<1x13xf32>
    %add3A_32 = vector.broadcast %broadcast_in_dim3A_31 : vector<1x13xf32> to vector<2048x13xf32>
    %add3A_33 = arith.addf %dot_general3A_28, %add3A_32 : vector<2048x13xf32>
    %reduce_max3A = arith.constant dense<0xFF800000> : vector<2048xf32>
    %reduce_max3A_34 = vector.multi_reduction <maximumf>, %add3A_33, %reduce_max3A [1] : vector<2048x13xf32> to vector<2048xf32>
    %max3A_35 = arith.constant 0xFF800000 : f32
    %max3A_36 = vector.broadcast %max3A_35 : f32 to vector<2048xf32>
    %max3A_37 = arith.maximumf %max3A_36, %reduce_max3A_34 : vector<2048xf32>
    %broadcast_in_dim3A_38 = vector.shape_cast %max3A_37 : vector<2048xf32> to vector<2048x1xf32>
    %is_finite3A = tpu.weird %broadcast_in_dim3A_38 : vector<2048x1xf32> -> vector<2048x1xi1>
    %is_finite3A_39 = arith.constant dense<true> : vector<2048x1xi1>
    %is_finite3A_40 = arith.xori %is_finite3A, %is_finite3A_39 : vector<2048x1xi1>
    %broadcast_in_dim3A_41 = arith.constant 0.000000e+00 : f32
    %broadcast_in_dim3A_42 = vector.broadcast %broadcast_in_dim3A_41 : f32 to vector<2048x1xf32>
    %select_n3A = arith.select %is_finite3A_40, %broadcast_in_dim3A_38, %broadcast_in_dim3A_42 : vector<2048x1xi1>, vector<2048x1xf32>
    %sub3A = vector.broadcast %select_n3A : vector<2048x1xf32> to vector<2048x13xf32>
    %sub3A_43 = arith.subf %add3A_33, %sub3A : vector<2048x13xf32>
    %exp3A = math.exp %sub3A_43 : vector<2048x13xf32>
    %reduce_sum3A = arith.constant dense<0.000000e+00> : vector<2048xf32>
    %reduce_sum3A_44 = vector.multi_reduction <add>, %exp3A, %reduce_sum3A [1] : vector<2048x13xf32> to vector<2048xf32>
    %broadcast_in_dim3A_45 = vector.shape_cast %reduce_sum3A_44 : vector<2048xf32> to vector<2048x1xf32>
    %abs3A = math.absf %broadcast_in_dim3A_45 : vector<2048x1xf32>
    %log3A = math.log %abs3A : vector<2048x1xf32>
    %add3A_46 = arith.addf %log3A, %select_n3A : vector<2048x1xf32>
    %sub3A_47 = vector.broadcast %add3A_46 : vector<2048x1xf32> to vector<2048x13xf32>
    %sub3A_48 = arith.subf %add3A_33, %sub3A_47 : vector<2048x13xf32>
    %swap3A = arith.constant 0 : index
    %swap3A_49 = arith.constant 0 : index
    %swap3A_50 = vector.load %arg8[%swap3A, %swap3A_49] : memref<2048x13xf32, #tpu.memory_space<vmem>>, vector<2048x13xf32>
    tpu.vector_store %arg8[%swap3A, %swap3A_49], %sub3A_48 {strides = array<i32>} : memref<2048x13xf32, #tpu.memory_space<vmem>>, vector<2048x13xf32>,
    return
  }
  func.func @transform_0(%arg0: i32) -> (i32, i32) {
    %c0_i32 = arith.constant 0 : i32
    %c0_i32_0 = arith.constant 0 : i32
    return %arg0, %c0_i32 : i32, i32
  }
  func.func @transform_1(%arg0: i32) -> (i32, i32) {
    %c0_i32 = arith.constant 0 : i32
    %c0_i32_0 = arith.constant 0 : i32
    %c0_i32_1 = arith.constant 0 : i32
    return %c0_i32, %c0_i32_0 : i32, i32
  }
  func.func @transform_2(%arg0: i32) -> i32 {
    %c0_i32 = arith.constant 0 : i32
    %c0_i32_0 = arith.constant 0 : i32
    return %c0_i32 : i32
  }
  func.func @transform_3(%arg0: i32) -> (i32, i32) {
    %c0_i32 = arith.constant 0 : i32
    %c0_i32_0 = arith.constant 0 : i32
    %c0_i32_1 = arith.constant 0 : i32
    return %c0_i32, %c0_i32_0 : i32, i32
  }
  func.func @transform_4(%arg0: i32) -> i32 {
    %c0_i32 = arith.constant 0 : i32
    %c0_i32_0 = arith.constant 0 : i32
    return %c0_i32 : i32
  }
  func.func @transform_5(%arg0: i32) -> (i32, i32) {
    %c0_i32 = arith.constant 0 : i32
    %c0_i32_0 = arith.constant 0 : i32
    %c0_i32_1 = arith.constant 0 : i32
    return %c0_i32, %c0_i32_0 : i32, i32
  }
  func.func @transform_6(%arg0: i32) -> i32 {
    %c0_i32 = arith.constant 0 : i32
    %c0_i32_0 = arith.constant 0 : i32
    return %c0_i32 : i32
  }
  func.func @transform_7(%arg0: i32) -> (i32, i32) {
    %c0_i32 = arith.constant 0 : i32
    %c0_i32_0 = arith.constant 0 : i32
    return %arg0, %c0_i32 : i32, i32
  }
}

</mosaic_0001>

<sc_bundles>
// kernel: gather_offload_async_start.1
scs
__scs_entry_jumppad:
0x0: {  	(pc) =	sbr.rel $0x88, $3  }
0x1: {  	(tag) =	ssettag $0x0;
	lr =	simm.s32 $0x1  }
0x2: {  	[smem:$0x3F79] =	sst lr;
	_ =	strace $0xD0000000  }
0x3: {  	_ = 	snop  }
0x4: {  	_ = 	snop  }
0x5: {  	_ = 	snop  }
0x6: {  	_ = 	snop  }
0x7: {  	_ = 	snop  }
__scs_overlays_trampoline_lowered:
0x8: {  	[smem:$0x3F88] =	sst s0  }
0x9: {  	[smem:$0x3F89] =	sst s1  }
0xa: {  	[smem:$0x3F8A] =	sst s2  }
0xb: {  	[smem:$0x3F8B] =	sst s3  }
0xc: {  	[smem:$0x3F8C] =	sst s4  }
0xd: {  	[smem:$0x3F8D] =	sst s5  }
0xe: {  	[smem:$0x3F8E] =	sst s6  }
0xf: {  	[smem:$0x3F8F] =	sst s7  }
0x10: {  	[smem:$0x3F90] =	sst s8  }
0x11: {  	[smem:$0x3F91] =	sst s9;
	s0 =	simm.s32 @!p0 $0x0  }
0x12: {  	s1 =	sld [smem:$0x3F77];
	s0 =	simm.s32 @p0 $0x1  }
0x13: {  	[smem:$0x3F92] =	sst s0;
	s0 =	simm.s32 @!p1 $0x0  }
0x14: {  	s2 =	sld [smem:$0x3F76];
	s0 =	simm.s32 @p1 $0x1  }
0x15: {  	[smem:$0x3F93] =	sst s0;
	s0 =	simm.s32 @!p2 $0x0  }
0x16: {  	s3 =	sld [smem:$0x3FDB];
	s0 =	simm.s32 @p2 $0x1  }
0x17: {  	s4 =	simm.s32 $0x1BF5;
	[smem:$0x3F95] =	sst s0  }
0x18: {  	s0 =	sld [smem:$0x3F78];
	_ =	swait.ge [sflag:s4], $0x0  }
0x19: {  	s7 =	sld [smem:$0x3F79]  }
0x1a: {  	s8 =	sadd.s32 $0xFFFFE003, lr  }
0x1b: {  	s9 =	sadd.s32 $0xFFFFFEF7, lr;
	s5 =	simm.s32 $0xFFFFFFFF;
	p2 =	slt.u32 s8, $0xFFFFF086  }
0x1c: {  	p1 =	slt.u32 s9, $0xF7A;
	s5 =	simm.s32 @!p2 $0x0  }
0x1d: {  	s5 =	simm.s32 @p1 $0x1;
	p0 =	seq.s32 s7, s2  }
0x1e: {  	s7 =	smul.u32 @!p0 $0xF7A, s2;
	p2 =	seq.s32 @!p0 s5, $0x0  }
0x1f: {  	s9 =	smul.u32 $0xF7A, s1;
	s8 =	simm.s32 @!p0 $0x1BF5;
	p2 =	por !p2, p0  }
0x20: {  	[sflag:s8] =	ssyncset.s32 @!p0 $0xFFFFF086;
	s6 =	sadd.s32 @!p0 s3, s7;
	s7 =	simm.s32 @!p0 $0x108  }
0x21: {  	s3 =	sadd.s32 s3, s9;
	s6 =	sadd.s32 @!p0 $0x88, s6;
	s7 =	simm.s32 @p2 $0x1082  }
0x22: {  	[simem:s7], [sflag:s8] =	dma.local @!p0 [hbm:s6], $0xF7A  }
0x23: {  	s9 =	sor.u32 $0xD0000000, s2;
	s6 =	simm.s32 $0x108;
	_ =	swait.ge @!p0 [sflag:s8], $0x0  }
0x24: {  	s3 =	sadd.s32 $0x88, s3;
	s6 =	simm.s32 @!p1 $0x1082;
	[sflag:s4] =	ssyncset.s32 $0xFFFFF086  }
0x25: {  	[simem:s6], [sflag:s4] =	dma.local [hbm:s3], $0xF7A  }
0x26: {  	[smem:$0x3F79] =	sst s1;
	(tag) =	ssettag s2;
	_ =	strace s9  }
0x27: {  	s1 =	sld [smem:$0x3F89]  }
0x28: {  	s2 =	sld [smem:$0x3F8A]  }
0x29: {  	s4 =	sld [smem:$0x3F8C]  }
0x2a: {  	p0 =	seq.s32 s5, $0x0;
	s5 =	sld [smem:$0x3F8D]  }
0x2b: {  	s6 =	sld [smem:$0x3F8E]  }
0x2c: {  	s7 =	sld [smem:$0x3F8F]  }
0x2d: {  	s3 =	simm.s32 $0x108;
	s8 =	sld [smem:$0x3F90]  }
0x2e: {  	s3 =	simm.s32 @!p0 $0x1082;
	s9 =	sld [smem:$0x3F91]  }
0x2f: {  	lr =	sadd.s32 s0, s3;
	s0 =	sld [smem:$0x3F88]  }
0x30: {  	s3 =	sld [smem:$0x3F8B]  }
0x31: {  	[smem:$0x3F94] =	sst s10  }
0x32: {  	s10 =	sld [smem:$0x3F92];
	_ =	sdelay $0x3  }
0x33: {  	p0 =	seq.s32 s10, $0x1;
	s10 =	sld [smem:$0x3F94];
	_ =	sdelay $0x3  }
0x34: {  	[smem:$0x3F94] =	sst s10  }
0x35: {  	s10 =	sld [smem:$0x3F93];
	_ =	sdelay $0x3  }
0x36: {  	p1 =	seq.s32 s10, $0x1;
	s10 =	sld [smem:$0x3F94];
	_ =	sdelay $0x3  }
0x37: {  	[smem:$0x3F94] =	sst s10  }
0x38: {  	s10 =	sld [smem:$0x3F95]  }
0x39: {  	_ = 	snop;
	(pc) =	sbr.ind lr, $3  }
0x3a: {  	_ = 	snop  }
0x3b: {  	_ = 	snop  }
0x3c: {  	p2 =	seq.s32 s10, $0x1;
	s10 =	sld [smem:$0x3F94]  }
0x3d: {  	_ =	shalt  }
0x3e: {  	_ =	shalt  }
0x3f: {  	_ =	shalt  }
0x40: {  	_ =	shalt  }
0x41: {  	_ =	shalt  }
0x42: {  	_ =	shalt  }
0x43: {  	_ =	shalt  }
0x44: {  	_ =	shalt  }
0x45: {  	_ =	shalt  }
0x46: {  	_ =	shalt  }
0x47: {  	_ =	shalt  }
0x48: {  	_ =	shalt  }
0x49: {  	_ =	shalt  }
0x4a: {  	_ =	shalt  }
0x4b: {  	_ =	shalt  }
0x4c: {  	_ =	shalt  }
0x4d: {  	_ =	shalt  }
0x4e: {  	_ =	shalt  }
0x4f: {  	_ =	shalt  }
0x50: {  	_ =	shalt  }
0x51: {  	_ =	shalt  }
0x52: {  	_ =	shalt  }
0x53: {  	_ =	shalt  }
0x54: {  	_ =	shalt  }
0x55: {  	_ =	shalt  }
0x56: {  	_ =	shalt  }
0x57: {  	_ =	shalt  }
0x58: {  	_ =	shalt  }
0x59: {  	_ =	shalt  }
0x5a: {  	_ =	shalt  }
0x5b: {  	_ =	shalt  }
0x5c: {  	_ =	shalt  }
0x5d: {  	_ =	shalt  }
0x5e: {  	_ =	shalt  }
0x5f: {  	_ =	shalt  }
0x60: {  	_ =	shalt  }
0x61: {  	_ =	shalt  }
0x62: {  	_ =	shalt  }
0x63: {  	_ =	shalt  }
0x64: {  	_ =	shalt  }
0x65: {  	_ =	shalt  }
0x66: {  	_ =	shalt  }
0x67: {  	_ =	shalt  }
0x68: {  	_ =	shalt  }
0x69: {  	_ =	shalt  }
0x6a: {  	_ =	shalt  }
0x6b: {  	_ =	shalt  }
0x6c: {  	_ =	shalt  }
0x6d: {  	_ =	shalt  }
0x6e: {  	_ =	shalt  }
0x6f: {  	_ =	shalt  }
0x70: {  	_ =	shalt  }
0x71: {  	_ =	shalt  }
0x72: {  	_ =	shalt  }
0x73: {  	_ =	shalt  }
0x74: {  	_ =	shalt  }
0x75: {  	_ =	shalt  }
0x76: {  	_ =	shalt  }
0x77: {  	_ =	shalt  }
0x78: {  	_ =	shalt  }
0x79: {  	_ =	shalt  }
0x7a: {  	_ =	shalt  }
0x7b: {  	_ =	shalt  }
0x7c: {  	_ =	shalt  }
0x7d: {  	_ =	shalt  }
0x7e: {  	_ =	shalt  }
0x7f: {  	_ =	shalt  }
0x80: {  	_ =	shalt  }
0x81: {  	_ =	shalt  }
0x82: {  	_ =	shalt  }
0x83: {  	_ =	shalt  }
0x84: {  	_ =	shalt  }
0x85: {  	_ =	shalt  }
0x86: {  	_ =	shalt  }
0x87: {  	_ =	shalt  }
.Lfunc_end0:
.L_simem_size_0:
called_computation.1_lowered:
.L_overlay_start_0:
0x88: {  	s2 =	sld [smem:$0x3FD9]  }
0x89: {  	s3 =	sld [smem:$0x3FFE];
	_ =	sdelay $0x1  }
0x8a: {  	s1 =	srdreg.scid  }
0x8b: {  	s0 =	sand.u32 $0x1, s1  }
0x8c: {  	s16 =	sshll.u32 s0, $0xA;
	s2 =	sadd.s32 s3, s2  }
0x8d: {  	s2 =	sadd.s32 s2, s16  }
0x8e: {  	[smem:$0x3FA0] =	sst s2  }
0x8f: {  	_ = 	snop  }
0x90: {  	(tm) =	ssettm $0x1  }
0x91: {  	s17 =	sld [smem:$0x3FFB];
	_ =	sdelay $0x3  }
0x92: {  	_ =	strace s17  }
0x93: {  	s2 =	sld [smem:$0x3FFC];
	_ =	sdelay $0x3  }
0x94: {  	_ =	strace s2  }
0x95: {  	s2 =	sld [smem:$0x3FFD];
	_ =	sdelay $0x3  }
0x96: {  	_ =	strace s2  }
0x97: {  	_ =	strace $0x8FFFFFFF  }
0x98: {  	s18 =	sld [smem:$0x3FDB];
	_ =	sdelay $0x1  }
0x99: {  	s19 =	simm.s32 $_scs_section_size  }
0x9a: {  	s4 =	simm.s32 $_size__tile_overlayer_lowered;
	s5 =	simm.s32 $_tile_overlayer_lowered  }
0x9b: {  	s22 =	simm.s32 $0x1BFF;
	s21 =	sshll.u32 s5, $0x1;
	s2 =	sadd.s32 s19, s18  }
0x9c: {  	s6 =	simm.s32 $0x0;
	s20 =	sshll.u32 s4, $0x1;
	s4 =	sadd.s32 s21, s2  }
0x9d: {  	[timem:s6], [sflag:s22] =	dma.local [hbm:s4], s20  }
0x9e: {  	_ =	swait.ge [sflag:s22], s20  }
0x9f: {  	s3 =	ssub.s32 $0x0, s20;
	[sflag:s22] =	ssyncset.done $0x0  }
0xa0: {  	[sflag:s22] =	ssyncadd.s32 s3;
	_ =	sdelay $0x1  }
0xa1: {  	s23 =	simm.s32 $0x1B8B  }
0xa2: {  	_ =	swait.ge [sflag:s23], $0x1  }
0xa3: {  	[sflag:s23] =	ssyncset.done $0x0  }
0xa4: {  	s25 =	simm.s32 $0x1B8E;
	s24 =	sld [smem:$0x3FFE];
	[sflag:s23] =	ssyncadd.s32 $0xFFFFFFFF  }
0xa5: {  	s26 =	simm.s32 $execute0_lowered;
	[smem:$0x3FD2] =	sst s25  }
0xa6: {  	s4 =	sshll.u32 s26, $0x1;
	_ =	strace $0x80000049;
	[dreg:$0x1] =	wrdreg $0xFFFFFFFF  }
0xa7: {  	s28 =	simm.s32 $_size_execute0_lowered;
	s2 =	sadd.s32 s2, s4;
	[dreg:$0x0] =	wrdreg $0x0  }
0xa8: {  	s4 =	sshll.u32 s28, $0x1;
	[dreg:$0x2] =	wrdreg s2  }
0xa9: {  	[dreg:$0x3] =	wrdreg s4  }
0xaa: {  	[dreg:$0x4] =	wrdreg $0xC0  }
0xab: {  	_ =	task [dreg:s6], $0x5FFFF  }
0xac: {  	[dreg:$0x1] =	wrdreg $0xFFFFFFFF  }
0xad: {  	[dreg:$0x0] =	wrdreg $0x60  }
0xae: {  	[dreg:$0x2] =	wrdreg s24  }
0xaf: {  	[dreg:$0x3] =	wrdreg $0x9  }
0xb0: {  	_ =	task.clear_ibuf [dreg:s6], $0x4FFFF;
	_ =	strace $0x90000049  }
0xb1: {  	s29 =	simm.s32 $0x9;
	_ =	strace $0x8000004B  }
0xb2: {  	_ =	swait.ge [sflag:s29], $0x1  }
0xb3: {  	[sflag:s29] =	ssyncadd.s32 $0xFFFFFFFF  }
0xb4: {  	_ =	strace $0x9000004B  }
0xb5: {  	_ =	sfence  }
0xb6: {  	s30 =	sld [smem:$0x0];
	_ =	sdelay $0x2  }
0xb7: {  	s31 =	sshll.u32 s1, $0xD;
	s1 =	sshrl.u32 s1, $0x2  }
0xb8: {  	s3 =	sand.u32 $0x4000, s31;
	s1 =	sadd.s32 s1, s30  }
0xb9: {  	s0 =	sor.u32 s3, s0;
	s1 =	sshll.u32 s1, $0x11  }
0xba: {  	s0 =	sor.u32 s1, s0  }
0xbb: {  	s0 =	sadd.s32 $0x8F2B, s0  }
0xbc: {  	[sflag:s0] =	ssyncadd.remote.s32 $0x1  }
0xbd: {  	_ =	sfence.sel $0xFFFF  }
0xbe: {  	[dreg:$0x0] =	wrdreg $0xFFFFFFFF;
	(pc) =	sbr.abs _section_cstart, $3  }
0xbf: {  	[dreg:$0x1] =	wrdreg $0xFFFFFFFF  }
0xc0: {  	_ =	task.clear_ibuf [dreg:s6], $0x2FFFF;
	_ =	strace $0x9FFFFFFF  }
0xc1: {  	(tm) =	ssettm $0x7FFFFFFF  }
tec
execute0_lowered:
.L_overlay_start_1:
0x0: {  	(tag) =	ssettag $0x1  }
0x1: {  	s0 =	srdreg.scid;
	s5 =	rddreg [dreg:$0x0]  }
0x2: {  	s1 =	stileid.u32;
	s6 =	simm.s32 $0x1;
	s9 =	simm.s32 $0x1  }
0x3: {  	s10 =	simm.s32 $0x3;
	s13 =	simm.s32 $0x0;
	s2 =	sshll.u32 s0, $0xB  }
0x4: {  	s12 =	simm.s32 $0x0;
	s3 =	sshll.u32 s1, $0xC;
	s4 =	sand.u32 $0x800, s2  }
0x5: {  	s0 =	rddreg [dreg:$0x1];
	_ =	strace $0x8000004A;
	s3 =	sor.u32 s3, s4  }
0x6: {  	s2 =	sadd.s32 $0x208400, s5;
	[sflag:s6] =	ssyncpa.u1 $0x0;
	s8 =	ssub.s32 $0x20000, s3  }
.Ltmp0:
0x7: {  	s4 =	sadd.s32 $0x278400, s5;
	s7 =	sand.u32 $0xF800, s8;
	(pc) =	sbr.rel .LBB2_1-.Ltmp0, $4  }
0x8: {  	s5 =	sadd.s32 $0x624C00, s5;
	s11 =	smov.u32 s3;
	p0 =	sne.s32 s7, $0x0  }
0x9: {  	s8 =	sshrl.u32 s8, $0x10;
	s7 =	simm.s32 $0x2;
	s9 =	simm.s32 @!p0 $0x0  }
0xa: {  	[sflag:s7] =	ssyncpa.u1 $0x0;
	p0 =	por $0x0, $0x0;
	s8 =	sadd.s32 s9, s8  }
0xb: {  	vm0 =	vmmov $0xffff;
	[sflag:s10] =	ssyncpa.u1 $0x0;
	s10 =	simm.s32 $0x0;
	s9 =	sadd.s32 $0x1, s8  }
.LBB2_4:
0xc: {  	v6 =	vand.u32 $0x7F, v4;
	v3 =	vsel vm1, $0xFFFC8000, v3  }
0xd: {  	v5 =	vmul.u32 $0x1C00, v5;
	vm1 =	vmmov vm2;
	v56 =	vshll.u32 v4, $0x3  }
0xe: {  	v7 =	vand.u32 $0x7, v1;
	v2 =	vshll.u32 v2, $0x7;
	v57 =	vshrl.u32 v1, $0x3  }
0xf: {  	v58 =	vshrl.u32 v1, $0xB;
	v3 =	vor.u32 v3, v6;
	v4 =	vand.u32 $0xFFFFFC00, v56  }
0x10: {  	v2 =	vand.u32 $0x380, v2;
	v3 =	vadd.s32 v5, v3;
	v5 =	vand.u32 $0xFF, v57  }
0x11: {  	v1 =	vand.u32 $0x3FF, v58;
	v59 =	vmul.u32 $0x38000, v7;
	v5 =	vsel vm1, $0xFFFFFFFF, v5  }
0x12: {  	v1 =	vsel vm1, $0xFFFFFFFF, v1;
	v3 =	vadd.s32 v4, v3;
	v60 =	vshrl.u32 v5, $0x3  }
0x13: {  	v61 =	vand.u32 $0x7F, v1;
	v6 =	vsel vm1, $0xFFFC8000, v59;
	v4 =	vmul.u32 $0x1C00, v60  }
0x14: {  	v1 =	vshll.u32 v1, $0x3;
	v2 =	vor.u32 v2, v3;
	v62 =	vor.u32 v6, v61  }
0x15: {  	v1 =	vand.u32 $0xFFFFFC00, v1;
	v5 =	vshll.u32 v5, $0x7;
	v3 =	vadd.s32 v4, v62  }
0x16: {  	v63 =	vand.u32 $0x380, v5;
	v1 =	vadd.s32 v1, v3  }
0x17: {  	(ifvalue) =	ssetifvalue $0x7FFFFFFF;
	s15 =	sadd.s32 $0x10, s15;
	v1 =	vor.u32 v63, v1  }
0x18: {  	[tilespmem:s15], [sflag:$0x1] =	stream.indirect_vreg.gather [hbm4b:s2+s10], $0x1, v0, vm0, $0x4038;
	[tilespmem:$0x2000] =	vst v63  }
0x19: {  	(ifvalue) =	ssetifvalue $0x7FFFFFFF;
	s15 =	sadd.s32 $0x10, s15  }
0x1a: {  	[tilespmem:s15], [sflag:$0x1] =	stream.indirect_vreg.gather [hbm4b:s2+s10], $0x1, v2, vm0, $0x4038;
	[tilespmem:$0x2000] =	vst v63  }
0x1b: {  	(ifvalue) =	ssetifvalue $0x7FFFFFFF;
	s15 =	sadd.s32 $0x10, s15  }
0x1c: {  	[tilespmem:s15], [sflag:$0x1] =	stream.indirect_vreg.gather [hbm4b:s2+s10], $0x1, v1, vm0, $0x4038;
	[tilespmem:$0x2000] =	vst v63  }
0x1d: {  	_ =	swait.ge [sflag:s6], $0x800  }
0x1e: {  	s30 =	sshrl.u32 s13, $0x3;
	[sflag:s6] =	ssyncset.done $0x0  }
0x1f: {  	s31 =	sand.u32 $0x7, s13;
	s15 =	sadd.s32 s5, s30;
	[sflag:s6] =	ssyncadd.s32 $0xFFFFF800  }
0x20: {  	[hbm4b:s15+s31] =	stream.linear.scatter [tilespmem:s14], [sflag:$0x3], $0x800, $0x38;
	[tilespmem:$0x2000] =	vst v63  }
.LBB2_5:
0x21: {  	s15 =	sadd.s32 $0x10000, s11  }
0x22: {  	p2 =	sgt.s32 s15, $0x1FFFF  }
0x23: {  	s15 =	smov.u32 @p2 s3;
	p2 =	sne.s32 s12, s9  }
.Ltmp1:
0x24: {  	p1 =	slt.u32 s12, $0x2;
	(pc) =	sbr.rel @!p2 .LBB2_6-.Ltmp1, $4  }
0x25: {  	s14 =	simm.s32 @!p1 $0x3  }
0x26: {  	s16 =	sadd.s32 $0x1, s12;
	_ =	swait.ge @!p1 [sflag:s14], $0x800  }
0x27: {  	s13 =	smov.u32 s11;
	p0 =	por !p0, !p0;
	[sflag:s14] =	ssyncset.done @!p1 $0x0  }
0x28: {  	s12 =	smov.u32 s16;
	s11 =	smov.u32 s15;
	[sflag:s14] =	ssyncadd.s32 @!p1 $0xFFFFF800  }
.LBB2_1:
0x29: {  	p1 =	sge.u32 s12, s8  }
0x2a: {  	s14 =	sxor.u32 @!p1 $0xFFFFFFFF, s12  }
0x2b: {  	s31 =	sadd.s32 $0xFFFFFFFF, s12;
	s15 =	sshrl.u32 @!p1 s11, $0x3;
	s14 =	sshll.u32 @!p1 s14, $0xB  }
0x2c: {  	s16 =	sand.u32 @!p1 $0x7, s11;
	s15 =	sadd.s32 @!p1 s4, s15;
	s14 =	sand.u32 @!p1 $0x800, s14  }
0x2d: {  	[tilespmem:s14], [sflag:$0x2] =	stream.linear.gather @!p1 [hbm4b:s15+s16], $0x800, $0x38;
	[tilespmem:$0x2000] =	vst v63  }
0x2e: {  	p1 =	sge.u32 s31, s8  }
.Ltmp2:
0x2f: {  	_ = 	snop;
	(pc) =	sbr.rel @p1 .LBB2_5-.Ltmp2, $1  }
0x30: {  	_ =	sdelay $0x3  }
0x31: {  	s14 =	simm.s32 $0x1  }
0x32: {  	_ =	swait.ge [sflag:s7], $0x800;
	s14 =	simm.s32 @!p0 $0x0  }
0x33: {  	[sflag:s7] =	ssyncset.done $0x0;
	s14 =	sshll.u32 s14, $0xB  }
0x34: {  	[sflag:s7] =	ssyncadd.s32 $0xFFFFF800;
	(ifvalue) =	ssetifvalue $0x7FFFFFFF;
	v0 =	vld.msk [tilespmem:s14+$0x0 ss:$0x1], $0xffff;
	_ =	sdelay $0x1  }
0x35: {  	s15 =	sadd.s32 $0x10, s14  }
0x36: {  	v1 =	vld.msk [tilespmem:s15+$0x0 ss:$0x1], $0xffff;
	s15 =	sadd.s32 $0x10, s15  }
0x37: {  	v6 =	vld.msk [tilespmem:s15+$0x0 ss:$0x1], $0xffff  }
0x38: {  	vm1 =	veq.s32 v0, $0x80000000;
	v2 =	vand.u32 $0x7, v0  }
0x39: {  	v3 =	vshrl.u32 v0, $0x3;
	v0 =	vshrl.u32 v0, $0xB;
	vm1 =	vmmov vm1  }
0x3a: {  	v3 =	vand.u32 $0xFF, v3;
	v0 =	vand.u32 $0x3FF, v0;
	v2 =	vmul.u32 $0x38000, v2  }
0x3b: {  	vm2 =	veq.s32 v1, $0x80000000;
	v7 =	vand.u32 $0x7, v1;
	v3 =	vsel vm1, $0xFFFFFFFF, v3  }
0x3c: {  	v0 =	vsel vm1, $0xFFFFFFFF, v0;
	v8 =	vand.u32 $0x7, v6;
	v4 =	vshrl.u32 v3, $0x3  }
0x3d: {  	v5 =	vand.u32 $0x7F, v0;
	v2 =	vsel vm1, $0xFFFC8000, v2;
	vm1 =	vmmov vm2  }
0x3e: {  	v0 =	vshll.u32 v0, $0x3;
	v3 =	vshll.u32 v3, $0x7;
	v4 =	vmul.u32 $0x1C00, v4  }
0x3f: {  	v2 =	vor.u32 v2, v5;
	v0 =	vand.u32 $0xFFFFFC00, v0;
	v3 =	vand.u32 $0x380, v3  }
0x40: {  	v2 =	vadd.s32 v4, v2;
	v4 =	vshrl.u32 v1, $0x3;
	v1 =	vshrl.u32 v1, $0xB  }
0x41: {  	v0 =	vadd.s32 v0, v2;
	v2 =	vand.u32 $0xFF, v4;
	v1 =	vand.u32 $0x3FF, v1  }
0x42: {  	v0 =	vor.u32 v3, v0;
	v2 =	vsel vm1, $0xFFFFFFFF, v2;
	v3 =	vmul.u32 $0x38000, v7  }
0x43: {  	vm2 =	veq.s32 v6, $0x80000000;
	v4 =	vsel vm1, $0xFFFFFFFF, v1;
	v1 =	vshrl.u32 v2, $0x3  }
0x44: {  	s17 =	sadd.s32 $0x10, s15;
	v5 =	vand.u32 $0x7F, v4;
	v3 =	vsel vm1, $0xFFFC8000, v3;
	v7 =	vmul.u32 $0x1C00, v1  }
0x45: {  	v4 =	vshll.u32 v4, $0x3;
	v2 =	vshll.u32 v2, $0x7;
	v1 =	vld.msk [tilespmem:s17+$0x0 ss:$0x1], $0xffff;
	v3 =	vor.u32 v3, v5  }
0x46: {  	vm1 =	vmmov vm2;
	v4 =	vand.u32 $0xFFFFFC00, v4;
	v3 =	vadd.s32 v7, v3  }
0x47: {  	s31 =	sshll.u32 s12, $0xB;
	s15 =	sor.u32 $0x1000, s14;
	(ifvalue) =	ssetifvalue $0x7FFFFFFF;
	v2 =	vand.u32 $0x380, v2;
	v5 =	vshrl.u32 v6, $0x3;
	v3 =	vadd.s32 v4, v3  }
0x48: {  	[tilespmem:s15], [sflag:$0x1] =	stream.indirect_vreg.gather [hbm4b:s2+s10], $0x1, v0, vm0, $0x4038;
	v4 =	vand.u32 $0xFF, v5;
	v5 =	vshrl.u32 v6, $0xB;
	v0 =	vor.u32 v2, v3;
	[tilespmem:$0x2000] =	vst v63  }
0x49: {  	s14 =	sand.u32 $0x800, s31;
	v2 =	vsel vm1, $0xFFFFFFFF, v4;
	v4 =	vand.u32 $0x3FF, v5;
	v3 =	vmul.u32 $0x38000, v8  }
0x4a: {  	s16 =	simm.s32 $0x30;
	s14 =	sor.u32 $0x1000, s14;
	s17 =	sadd.s32 $0x10, s17;
	vm2 =	veq.s32 v1, $0x80000000;
	v4 =	vsel vm1, $0xFFFFFFFF, v4;
	v5 =	vshrl.u32 v2, $0x3  }
.LBB2_3:
0x4b: {  	v7 =	vand.u32 $0x7F, v4  }
0x4c: {  	v6 =	vld.msk [tilespmem:s17+$0x0 ss:$0x1], $0xffff;
	v3 =	vsel vm1, $0xFFFC8000, v3;
	v5 =	vmul.u32 $0x1C00, v5;
	vm1 =	vmmov vm2;
	s16 =	sadd.s32 $0x10, s16  }
0x4d: {  	v8 =	vand.u32 $0x7, v1;
	v4 =	vshll.u32 v4, $0x3;
	s15 =	sadd.s32 $0x10, s15;
	v3 =	vor.u32 v3, v7;
	(ifvalue) =	ssetifvalue $0x7FFFFFFF;
	p1 =	slt.u32 s16, $0x7F0  }
0x4e: {  	[tilespmem:s15], [sflag:$0x1] =	stream.indirect_vreg.gather [hbm4b:s2+s10], $0x1, v0, vm0, $0x4038;
	[tilespmem:$0x2000] =	vst v63  }
.Ltmp3:
0x4f: {  	v2 =	vshll.u32 v2, $0x7;
	v4 =	vand.u32 $0xFFFFFC00, v4;
	v3 =	vadd.s32 v5, v3;
	(pc) =	sbr.rel @p1 .LBB2_3-.Ltmp3, $4  }
0x50: {  	v2 =	vand.u32 $0x380, v2;
	v0 =	vshrl.u32 v1, $0x3;
	v3 =	vadd.s32 v4, v3  }
0x51: {  	v9 =	vshrl.u32 v1, $0xB;
	v4 =	vand.u32 $0xFF, v0;
	v0 =	vor.u32 v2, v3  }
0x52: {  	v7 =	vand.u32 $0x3FF, v9;
	v2 =	vsel vm1, $0xFFFFFFFF, v4;
	v3 =	vmul.u32 $0x38000, v8  }
0x53: {  	s17 =	sadd.s32 $0x10, s17;
	v4 =	vsel vm1, $0xFFFFFFFF, v7;
	vm2 =	veq.s32 v6, $0x80000000;
	v5 =	vshrl.u32 v2, $0x3;
	v1 =	vmovc v6  }
.Ltmp4:
0x54: {  	_ = 	snop;
	(pc) =	sbr.rel .LBB2_4-.Ltmp4, $1  }
0x55: {  	_ =	sdelay $0x3  }
.LBB2_6:
0x56: {  	_ =	sfence.sel $0x180000  }
0x57: {  	s2 =	simm.s32 $0x2;
	[bflag:$0x0] =	sbarrier.arrive $0xFFFF  }
0x58: {  	s30 =	simm.s32 $0x3;
	[sflag:s2] =	ssyncpa.u1 $0x1  }
0x59: {  	s31 =	simm.s32 $0x1;
	[sflag:s30] =	ssyncpa.u1 $0x1  }
0x5a: {  	[sflag:s31] =	ssyncpa.u1 $0x1  }
0x5b: {  	p0 =	sne.s32 s1, $0x0;
	_ =	strace $0x9000004A  }
0x5c: {  	s0 =	sadd.s32 @!p0 $0x100000, s0;
	[bflag:$0x2] =	sbarrier.arrive $0xFFFF  }
0x5d: {  	[sflag:s0] =	ssyncadd.tile.s32 @!p0 $0x1;
	_ =	shalt  }
.Lfunc_end2:
_tile_overlayer_lowered:
.L_overlay_start_2:
0x5e: {  	(tag) =	ssettag $0x2  }
0x5f: {  	s0 =	rddreg [dreg:$0x0];
	s2 =	stileid.u32  }
0x60: {  	s1 =	rddreg [dreg:$0x1];
	p0 =	sne.s32 s2, $0x0  }
0x61: {  	s3 =	rddreg [dreg:$0x2];
	[bflag:$0x3] =	sbarrier.arrive $0xFFFF;
	s2 =	simm.s32 @!p0 $0x1C01  }
0x62: {  	[timem:s3], [sflag:s2] =	dma.local @!p0 [hbm:s0], s1  }
0x63: {  	s0 =	simm.s32 @!p0 $0x1  }
0x64: {  	_ =	swait.ge @!p0 [sflag:s0], s1  }
0x65: {  	s1 =	ssub.s32 @!p0 $0x0, s1;
	[sflag:s0] =	ssyncset.done @!p0 $0x0  }
0x66: {  	[sflag:s0] =	ssyncadd.s32 @!p0 s1  }
0x67: {  	[bflag:$0x3] =	sbarrier.arrive $0xFFFF  }
0x68: {  	_ =	shalt  }

// kernel: gather_offload_async_start
scs
__scs_entry_jumppad:
0x0: {  	(pc) =	sbr.rel $0x88, $3  }
0x1: {  	(tag) =	ssettag $0x0;
	lr =	simm.s32 $0x1  }
0x2: {  	[smem:$0x3F79] =	sst lr;
	_ =	strace $0xD0000000  }
0x3: {  	_ = 	snop  }
0x4: {  	_ = 	snop  }
0x5: {  	_ = 	snop  }
0x6: {  	_ = 	snop  }
0x7: {  	_ = 	snop  }
__scs_overlays_trampoline_lowered:
0x8: {  	[smem:$0x3F88] =	sst s0  }
0x9: {  	[smem:$0x3F89] =	sst s1  }
0xa: {  	[smem:$0x3F8A] =	sst s2  }
0xb: {  	[smem:$0x3F8B] =	sst s3  }
0xc: {  	[smem:$0x3F8C] =	sst s4  }
0xd: {  	[smem:$0x3F8D] =	sst s5  }
0xe: {  	[smem:$0x3F8E] =	sst s6  }
0xf: {  	[smem:$0x3F8F] =	sst s7  }
0x10: {  	[smem:$0x3F90] =	sst s8  }
0x11: {  	[smem:$0x3F91] =	sst s9;
	s0 =	simm.s32 @!p0 $0x0  }
0x12: {  	s1 =	sld [smem:$0x3F77];
	s0 =	simm.s32 @p0 $0x1  }
0x13: {  	[smem:$0x3F92] =	sst s0;
	s0 =	simm.s32 @!p1 $0x0  }
0x14: {  	s2 =	sld [smem:$0x3F76];
	s0 =	simm.s32 @p1 $0x1  }
0x15: {  	[smem:$0x3F93] =	sst s0;
	s0 =	simm.s32 @!p2 $0x0  }
0x16: {  	s3 =	sld [smem:$0x3FDB];
	s0 =	simm.s32 @p2 $0x1  }
0x17: {  	s4 =	simm.s32 $0x1BF5;
	[smem:$0x3F95] =	sst s0  }
0x18: {  	s0 =	sld [smem:$0x3F78];
	_ =	swait.ge [sflag:s4], $0x0  }
0x19: {  	s7 =	sld [smem:$0x3F79]  }
0x1a: {  	s8 =	sadd.s32 $0xFFFFE003, lr  }
0x1b: {  	s9 =	sadd.s32 $0xFFFFFEF7, lr;
	s5 =	simm.s32 $0xFFFFFFFF;
	p2 =	slt.u32 s8, $0xFFFFF086  }
0x1c: {  	p1 =	slt.u32 s9, $0xF7A;
	s5 =	simm.s32 @!p2 $0x0  }
0x1d: {  	s5 =	simm.s32 @p1 $0x1;
	p0 =	seq.s32 s7, s2  }
0x1e: {  	s7 =	smul.u32 @!p0 $0xF7A, s2;
	p2 =	seq.s32 @!p0 s5, $0x0  }
0x1f: {  	s9 =	smul.u32 $0xF7A, s1;
	s8 =	simm.s32 @!p0 $0x1BF5;
	p2 =	por !p2, p0  }
0x20: {  	[sflag:s8] =	ssyncset.s32 @!p0 $0xFFFFF086;
	s6 =	sadd.s32 @!p0 s3, s7;
	s7 =	simm.s32 @!p0 $0x108  }
0x21: {  	s3 =	sadd.s32 s3, s9;
	s6 =	sadd.s32 @!p0 $0x88, s6;
	s7 =	simm.s32 @p2 $0x1082  }
0x22: {  	[simem:s7], [sflag:s8] =	dma.local @!p0 [hbm:s6], $0xF7A  }
0x23: {  	s9 =	sor.u32 $0xD0000000, s2;
	s6 =	simm.s32 $0x108;
	_ =	swait.ge @!p0 [sflag:s8], $0x0  }
0x24: {  	s3 =	sadd.s32 $0x88, s3;
	s6 =	simm.s32 @!p1 $0x1082;
	[sflag:s4] =	ssyncset.s32 $0xFFFFF086  }
0x25: {  	[simem:s6], [sflag:s4] =	dma.local [hbm:s3], $0xF7A  }
0x26: {  	[smem:$0x3F79] =	sst s1;
	(tag) =	ssettag s2;
	_ =	strace s9  }
0x27: {  	s1 =	sld [smem:$0x3F89]  }
0x28: {  	s2 =	sld [smem:$0x3F8A]  }
0x29: {  	s4 =	sld [smem:$0x3F8C]  }
0x2a: {  	p0 =	seq.s32 s5, $0x0;
	s5 =	sld [smem:$0x3F8D]  }
0x2b: {  	s6 =	sld [smem:$0x3F8E]  }
0x2c: {  	s7 =	sld [smem:$0x3F8F]  }
0x2d: {  	s3 =	simm.s32 $0x108;
	s8 =	sld [smem:$0x3F90]  }
0x2e: {  	s3 =	simm.s32 @!p0 $0x1082;
	s9 =	sld [smem:$0x3F91]  }
0x2f: {  	lr =	sadd.s32 s0, s3;
	s0 =	sld [smem:$0x3F88]  }
0x30: {  	s3 =	sld [smem:$0x3F8B]  }
0x31: {  	[smem:$0x3F94] =	sst s10  }
0x32: {  	s10 =	sld [smem:$0x3F92];
	_ =	sdelay $0x3  }
0x33: {  	p0 =	seq.s32 s10, $0x1;
	s10 =	sld [smem:$0x3F94];
	_ =	sdelay $0x3  }
0x34: {  	[smem:$0x3F94] =	sst s10  }
0x35: {  	s10 =	sld [smem:$0x3F93];
	_ =	sdelay $0x3  }
0x36: {  	p1 =	seq.s32 s10, $0x1;
	s10 =	sld [smem:$0x3F94];
	_ =	sdelay $0x3  }
0x37: {  	[smem:$0x3F94] =	sst s10  }
0x38: {  	s10 =	sld [smem:$0x3F95]  }
0x39: {  	_ = 	snop;
	(pc) =	sbr.ind lr, $3  }
0x3a: {  	_ = 	snop  }
0x3b: {  	_ = 	snop  }
0x3c: {  	p2 =	seq.s32 s10, $0x1;
	s10 =	sld [smem:$0x3F94]  }
0x3d: {  	_ =	shalt  }
0x3e: {  	_ =	shalt  }
0x3f: {  	_ =	shalt  }
0x40: {  	_ =	shalt  }
0x41: {  	_ =	shalt  }
0x42: {  	_ =	shalt  }
0x43: {  	_ =	shalt  }
0x44: {  	_ =	shalt  }
0x45: {  	_ =	shalt  }
0x46: {  	_ =	shalt  }
0x47: {  	_ =	shalt  }
0x48: {  	_ =	shalt  }
0x49: {  	_ =	shalt  }
0x4a: {  	_ =	shalt  }
0x4b: {  	_ =	shalt  }
0x4c: {  	_ =	shalt  }
0x4d: {  	_ =	shalt  }
0x4e: {  	_ =	shalt  }
0x4f: {  	_ =	shalt  }
0x50: {  	_ =	shalt  }
0x51: {  	_ =	shalt  }
0x52: {  	_ =	shalt  }
0x53: {  	_ =	shalt  }
0x54: {  	_ =	shalt  }
0x55: {  	_ =	shalt  }
0x56: {  	_ =	shalt  }
0x57: {  	_ =	shalt  }
0x58: {  	_ =	shalt  }
0x59: {  	_ =	shalt  }
0x5a: {  	_ =	shalt  }
0x5b: {  	_ =	shalt  }
0x5c: {  	_ =	shalt  }
0x5d: {  	_ =	shalt  }
0x5e: {  	_ =	shalt  }
0x5f: {  	_ =	shalt  }
0x60: {  	_ =	shalt  }
0x61: {  	_ =	shalt  }
0x62: {  	_ =	shalt  }
0x63: {  	_ =	shalt  }
0x64: {  	_ =	shalt  }
0x65: {  	_ =	shalt  }
0x66: {  	_ =	shalt  }
0x67: {  	_ =	shalt  }
0x68: {  	_ =	shalt  }
0x69: {  	_ =	shalt  }
0x6a: {  	_ =	shalt  }
0x6b: {  	_ =	shalt  }
0x6c: {  	_ =	shalt  }
0x6d: {  	_ =	shalt  }
0x6e: {  	_ =	shalt  }
0x6f: {  	_ =	shalt  }
0x70: {  	_ =	shalt  }
0x71: {  	_ =	shalt  }
0x72: {  	_ =	shalt  }
0x73: {  	_ =	shalt  }
0x74: {  	_ =	shalt  }
0x75: {  	_ =	shalt  }
0x76: {  	_ =	shalt  }
0x77: {  	_ =	shalt  }
0x78: {  	_ =	shalt  }
0x79: {  	_ =	shalt  }
0x7a: {  	_ =	shalt  }
0x7b: {  	_ =	shalt  }
0x7c: {  	_ =	shalt  }
0x7d: {  	_ =	shalt  }
0x7e: {  	_ =	shalt  }
0x7f: {  	_ =	shalt  }
0x80: {  	_ =	shalt  }
0x81: {  	_ =	shalt  }
0x82: {  	_ =	shalt  }
0x83: {  	_ =	shalt  }
0x84: {  	_ =	shalt  }
0x85: {  	_ =	shalt  }
0x86: {  	_ =	shalt  }
0x87: {  	_ =	shalt  }
.Lfunc_end0:
.L_simem_size_0:
called_computation_lowered:
.L_overlay_start_0:
0x88: {  	s2 =	sld [smem:$0x3FD9]  }
0x89: {  	s3 =	sld [smem:$0x3FFE];
	_ =	sdelay $0x1  }
0x8a: {  	s1 =	srdreg.scid  }
0x8b: {  	s0 =	sand.u32 $0x1, s1  }
0x8c: {  	s17 =	sshll.u32 s0, $0xA;
	s2 =	sadd.s32 s3, s2  }
0x8d: {  	s2 =	sadd.s32 s2, s17  }
0x8e: {  	[smem:$0x3FA0] =	sst s2  }
0x8f: {  	_ = 	snop  }
0x90: {  	s2 =	sld [smem:$0x3FD0];
	(tm) =	ssettm $0x1  }
0x91: {  	s18 =	sld [smem:$0x3FFB];
	_ =	sdelay $0x3  }
0x92: {  	_ =	strace s18  }
0x93: {  	s3 =	sld [smem:$0x3FFC];
	_ =	sdelay $0x3  }
0x94: {  	_ =	strace s3  }
0x95: {  	s3 =	sld [smem:$0x3FFD];
	_ =	sdelay $0x3  }
0x96: {  	_ =	strace s3  }
0x97: {  	_ =	strace $0x8FFFFFFF  }
0x98: {  	s19 =	sld [smem:$0x3FDB];
	_ =	sdelay $0x1  }
0x99: {  	s4 =	simm.s32 $_scs_section_size  }
0x9a: {  	s5 =	simm.s32 $_size__tile_overlayer_lowered;
	s6 =	simm.s32 $_tile_overlayer_lowered  }
0x9b: {  	s22 =	simm.s32 $0x1BFF;
	s21 =	sshll.u32 s6, $0x1;
	s3 =	sadd.s32 s4, s19  }
0x9c: {  	s7 =	simm.s32 $0x0;
	s20 =	sshll.u32 s5, $0x1;
	s5 =	sadd.s32 s21, s3  }
0x9d: {  	[timem:s7], [sflag:s22] =	dma.local [hbm:s5], s20  }
0x9e: {  	_ =	swait.ge [sflag:s22], s20  }
0x9f: {  	s4 =	ssub.s32 $0x0, s20;
	[sflag:s22] =	ssyncset.done $0x0  }
0xa0: {  	[sflag:s22] =	ssyncadd.s32 s4;
	_ =	sdelay $0x1  }
0xa1: {  	s23 =	simm.s32 $0x1B8B  }
0xa2: {  	_ =	swait.ge [sflag:s23], $0x1  }
0xa3: {  	[sflag:s23] =	ssyncset.done $0x0  }
0xa4: {  	s25 =	simm.s32 $0x1B8E;
	s24 =	sld [smem:$0x3FFE];
	[sflag:s23] =	ssyncadd.s32 $0xFFFFFFFF  }
0xa5: {  	s26 =	simm.s32 $execute0_lowered;
	[smem:$0x3FD2] =	sst s25  }
0xa6: {  	s5 =	sshll.u32 s26, $0x1;
	_ =	strace $0x80000046;
	[dreg:$0x1] =	wrdreg $0xFFFFFFFF  }
0xa7: {  	s28 =	simm.s32 $_size_execute0_lowered;
	s3 =	sadd.s32 s3, s5;
	[dreg:$0x0] =	wrdreg $0x0  }
0xa8: {  	s5 =	sshll.u32 s28, $0x1;
	[dreg:$0x2] =	wrdreg s3  }
0xa9: {  	[dreg:$0x3] =	wrdreg s5  }
0xaa: {  	[dreg:$0x4] =	wrdreg $0xC0  }
0xab: {  	_ =	task [dreg:s7], $0x5FFFF  }
0xac: {  	[dreg:$0x1] =	wrdreg $0xFFFFFFFF  }
0xad: {  	[dreg:$0x0] =	wrdreg $0x60  }
0xae: {  	[dreg:$0x2] =	wrdreg s24  }
0xaf: {  	[dreg:$0x3] =	wrdreg s2  }
0xb0: {  	[dreg:$0x4] =	wrdreg $0x9  }
0xb1: {  	_ =	task.clear_ibuf [dreg:s7], $0x5FFFF;
	_ =	strace $0x90000046  }
0xb2: {  	s29 =	simm.s32 $0x9;
	_ =	strace $0x80000048  }
0xb3: {  	_ =	swait.ge [sflag:s29], $0x1  }
0xb4: {  	[sflag:s29] =	ssyncadd.s32 $0xFFFFFFFF  }
0xb5: {  	_ =	strace $0x90000048  }
0xb6: {  	_ =	sfence  }
0xb7: {  	s30 =	sld [smem:$0x0];
	_ =	sdelay $0x2  }
0xb8: {  	s31 =	sshll.u32 s1, $0xD;
	s1 =	sshrl.u32 s1, $0x2  }
0xb9: {  	s3 =	sand.u32 $0x4000, s31;
	s1 =	sadd.s32 s1, s30  }
0xba: {  	s0 =	sor.u32 s3, s0;
	s1 =	sshll.u32 s1, $0x11  }
0xbb: {  	s0 =	sor.u32 s1, s0  }
0xbc: {  	s0 =	sadd.s32 $0x8F2B, s0  }
0xbd: {  	[sflag:s0] =	ssyncadd.remote.s32 $0x1  }
0xbe: {  	_ =	sfence.sel $0xFFFF  }
0xbf: {  	[dreg:$0x0] =	wrdreg $0xFFFFFFFF;
	(pc) =	sbr.abs _section_cstart, $3  }
0xc0: {  	[dreg:$0x1] =	wrdreg $0xFFFFFFFF  }
0xc1: {  	_ =	task.clear_ibuf [dreg:s7], $0x2FFFF;
	_ =	strace $0x9FFFFFFF  }
0xc2: {  	(tm) =	ssettm $0x7FFFFFFF  }
0xc3: {  	_ =	shalt  }
tec
execute0_lowered:
.L_overlay_start_1:
0x0: {  	(tag) =	ssettag $0x1  }
0x1: {  	s5 =	rddreg [dreg:$0x0];
	s0 =	srdreg.scid  }
0x2: {  	s2 =	rddreg [dreg:$0x1];
	s1 =	stileid.u32;
	s6 =	simm.s32 $0x1  }
0x3: {  	s9 =	simm.s32 $0x1;
	s10 =	simm.s32 $0x3;
	s3 =	sshll.u32 s0, $0xD  }
0x4: {  	s13 =	simm.s32 $0x0;
	s4 =	sshll.u32 s1, $0xE;
	s3 =	sand.u32 $0x2000, s3  }
0x5: {  	s0 =	rddreg [dreg:$0x2];
	_ =	strace $0x80000047;
	s3 =	sor.u32 s4, s3  }
0x6: {  	s12 =	simm.s32 $0x0;
	[sflag:s6] =	ssyncpa.u1 $0x0;
	s8 =	ssub.s32 $0x68000, s3  }
.Ltmp0:
0x7: {  	s4 =	sadd.s32 $0x1ECC00, s5;
	s7 =	sand.u32 $0x3E000, s8;
	(pc) =	sbr.rel .LBB2_1-.Ltmp0, $4  }
0x8: {  	s5 =	sadd.s32 $0x647600, s5;
	s11 =	smov.u32 s3;
	p0 =	sne.s32 s7, $0x0  }
0x9: {  	s8 =	sshrl.u32 s8, $0x12;
	s7 =	simm.s32 $0x2;
	s9 =	simm.s32 @!p0 $0x0  }
0xa: {  	[sflag:s7] =	ssyncpa.u1 $0x0;
	p0 =	por $0x0, $0x0;
	s8 =	sadd.s32 s9, s8  }
0xb: {  	vm0 =	vmmov $0xffff;
	[sflag:s10] =	ssyncpa.u1 $0x0;
	s10 =	simm.s32 $0x0;
	s9 =	sadd.s32 $0x1, s8  }
.LBB2_4:
0xc: {  	v5 =	vand.u32 $0x7F, v4;
	v3 =	vsel vm1, $0xFFCC0000, v3;
	v6 =	vshll.u32 v2, $0xC  }
0xd: {  	vm1 =	vmmov vm2;
	v56 =	vshll.u32 v4, $0x3;
	v57 =	vshll.u32 v2, $0x7  }
0xe: {  	v58 =	vand.u32 $0x7, v1;
	v59 =	vshrl.u32 v1, $0x3;
	v60 =	vshrl.u32 v1, $0xD  }
0xf: {  	v6 =	vand.u32 $0xFFFF8000, v6;
	v3 =	vor.u32 v3, v5;
	v4 =	vand.u32 $0xFFFFFC00, v56  }
0x10: {  	v1 =	vand.u32 $0xFFF, v60;
	v5 =	vmul.u32 $0x340000, v58;
	v3 =	vadd.s32 v6, v3  }
0x11: {  	v1 =	vsel vm1, $0xFFFFFFFF, v1;
	v3 =	vadd.s32 v4, v3;
	v4 =	vand.u32 $0x3FF, v59  }
0x12: {  	v2 =	vand.u32 $0x380, v57;
	v62 =	vand.u32 $0x7F, v1;
	v61 =	vsel vm1, $0xFFFFFFFF, v4  }
0x13: {  	v5 =	vsel vm1, $0xFFCC0000, v5;
	v1 =	vshll.u32 v1, $0x3;
	v63 =	vshll.u32 v61, $0xC  }
0x14: {  	v2 =	vor.u32 v2, v3;
	v4 =	vor.u32 v5, v62;
	v6 =	vand.u32 $0xFFFF8000, v63  }
0x15: {  	v1 =	vand.u32 $0xFFFFFC00, v1;
	v3 =	vshll.u32 v61, $0x7;
	v4 =	vadd.s32 v6, v4  }
0x16: {  	v3 =	vand.u32 $0x380, v3;
	v1 =	vadd.s32 v1, v4  }
0x17: {  	(ifvalue) =	ssetifvalue $0x7FFFFFFF;
	s15 =	sadd.s32 $0x10, s15;
	v1 =	vor.u32 v3, v1  }
0x18: {  	[tilespmem:s15], [sflag:$0x1] =	stream.indirect_vreg.gather [hbm4b:s4+s10], $0x1, v0, vm0, $0x4038;
	[tilespmem:$0x8000] =	vst v63  }
0x19: {  	(ifvalue) =	ssetifvalue $0x7FFFFFFF;
	s15 =	sadd.s32 $0x10, s15  }
0x1a: {  	[tilespmem:s15], [sflag:$0x1] =	stream.indirect_vreg.gather [hbm4b:s4+s10], $0x1, v2, vm0, $0x4038;
	[tilespmem:$0x8000] =	vst v63  }
0x1b: {  	(ifvalue) =	ssetifvalue $0x7FFFFFFF;
	s15 =	sadd.s32 $0x10, s15  }
0x1c: {  	[tilespmem:s15], [sflag:$0x1] =	stream.indirect_vreg.gather [hbm4b:s4+s10], $0x1, v1, vm0, $0x4038;
	[tilespmem:$0x8000] =	vst v63  }
0x1d: {  	_ =	swait.ge [sflag:s6], $0x2000  }
0x1e: {  	s30 =	sshrl.u32 s13, $0x3;
	[sflag:s6] =	ssyncset.done $0x0  }
0x1f: {  	s31 =	sand.u32 $0x7, s13;
	s15 =	sadd.s32 s5, s30;
	[sflag:s6] =	ssyncadd.s32 $0xFFFFE000  }
0x20: {  	[hbm4b:s15+s31] =	stream.linear.scatter [tilespmem:s14], [sflag:$0x3], $0x2000, $0x38;
	[tilespmem:$0x8000] =	vst v63  }
.LBB2_5:
0x21: {  	s15 =	sadd.s32 $0x40000, s11  }
0x22: {  	p2 =	sgt.s32 s15, $0x67FFF  }
0x23: {  	s15 =	smov.u32 @p2 s3;
	p2 =	sne.s32 s12, s9  }
.Ltmp1:
0x24: {  	p1 =	slt.u32 s12, $0x2;
	(pc) =	sbr.rel @!p2 .LBB2_6-.Ltmp1, $4  }
0x25: {  	s14 =	simm.s32 @!p1 $0x3  }
0x26: {  	s16 =	sadd.s32 $0x1, s12;
	_ =	swait.ge @!p1 [sflag:s14], $0x2000  }
0x27: {  	s13 =	smov.u32 s11;
	p0 =	por !p0, !p0;
	[sflag:s14] =	ssyncset.done @!p1 $0x0  }
0x28: {  	s12 =	smov.u32 s16;
	s11 =	smov.u32 s15;
	[sflag:s14] =	ssyncadd.s32 @!p1 $0xFFFFE000  }
.LBB2_1:
0x29: {  	p1 =	sge.u32 s12, s8  }
0x2a: {  	s14 =	sxor.u32 @!p1 $0xFFFFFFFF, s12  }
0x2b: {  	s31 =	sadd.s32 $0xFFFFFFFF, s12;
	s15 =	sshrl.u32 @!p1 s11, $0x3;
	s14 =	sshll.u32 @!p1 s14, $0xD  }
0x2c: {  	s16 =	sand.u32 @!p1 $0x7, s11;
	s15 =	sadd.s32 @!p1 s2, s15;
	s14 =	sand.u32 @!p1 $0x2000, s14  }
0x2d: {  	[tilespmem:s14], [sflag:$0x2] =	stream.linear.gather @!p1 [hbm4b:s15+s16], $0x2000, $0x38;
	[tilespmem:$0x8000] =	vst v63  }
0x2e: {  	p1 =	sge.u32 s31, s8  }
.Ltmp2:
0x2f: {  	_ = 	snop;
	(pc) =	sbr.rel @p1 .LBB2_5-.Ltmp2, $1  }
0x30: {  	_ =	sdelay $0x3  }
0x31: {  	s14 =	simm.s32 $0x1  }
0x32: {  	_ =	swait.ge [sflag:s7], $0x2000;
	s14 =	simm.s32 @!p0 $0x0  }
0x33: {  	[sflag:s7] =	ssyncset.done $0x0;
	s14 =	sshll.u32 s14, $0xD  }
0x34: {  	[sflag:s7] =	ssyncadd.s32 $0xFFFFE000;
	(ifvalue) =	ssetifvalue $0x7FFFFFFF;
	v0 =	vld.msk [tilespmem:s14+$0x0 ss:$0x1], $0xffff;
	_ =	sdelay $0x1  }
0x35: {  	s15 =	sadd.s32 $0x10, s14  }
0x36: {  	v1 =	vld.msk [tilespmem:s15+$0x0 ss:$0x1], $0xffff;
	_ =	sdelay $0x1  }
0x37: {  	vm1 =	veq.s32 v0, $0x80000000  }
0x38: {  	v2 =	vand.u32 $0x7, v0;
	v3 =	vshrl.u32 v0, $0xD;
	v0 =	vshrl.u32 v0, $0x3  }
0x39: {  	vm1 =	vmmov vm1;
	v3 =	vand.u32 $0xFFF, v3;
	v2 =	vmul.u32 $0x340000, v2  }
0x3a: {  	v0 =	vand.u32 $0x3FF, v0;
	vm2 =	veq.s32 v1, $0x80000000;
	v3 =	vsel vm1, $0xFFFFFFFF, v3  }
0x3b: {  	v0 =	vsel vm1, $0xFFFFFFFF, v0;
	v4 =	vand.u32 $0x7F, v3;
	v2 =	vsel vm1, $0xFFCC0000, v2  }
0x3c: {  	s15 =	sadd.s32 $0x10, s15;
	v5 =	vshll.u32 v0, $0xC;
	vm1 =	vmmov vm2;
	v3 =	vshll.u32 v3, $0x3  }
0x3d: {  	v6 =	vld.msk [tilespmem:s15+$0x0 ss:$0x1], $0xffff;
	v0 =	vshll.u32 v0, $0x7;
	v5 =	vand.u32 $0xFFFF8000, v5;
	v2 =	vor.u32 v2, v4  }
0x3e: {  	v3 =	vand.u32 $0xFFFFFC00, v3;
	v4 =	vand.u32 $0x7, v1;
	v2 =	vadd.s32 v5, v2  }
0x3f: {  	v0 =	vand.u32 $0x380, v0;
	v2 =	vadd.s32 v3, v2;
	v3 =	vshrl.u32 v1, $0xD  }
0x40: {  	v1 =	vshrl.u32 v1, $0x3;
	v0 =	vor.u32 v0, v2;
	v2 =	vand.u32 $0xFFF, v3  }
0x41: {  	v1 =	vand.u32 $0x3FF, v1;
	v3 =	vmul.u32 $0x340000, v4;
	v2 =	vsel vm1, $0xFFFFFFFF, v2  }
0x42: {  	vm2 =	veq.s32 v6, $0x80000000;
	v4 =	vsel vm1, $0xFFFFFFFF, v1;
	v5 =	vand.u32 $0x7F, v2  }
0x43: {  	s17 =	sadd.s32 $0x10, s15;
	v3 =	vsel vm1, $0xFFCC0000, v3;
	v7 =	vshll.u32 v4, $0xC;
	vm1 =	vmmov vm2  }
0x44: {  	v1 =	vld.msk [tilespmem:s17+$0x0 ss:$0x1], $0xffff;
	v2 =	vshll.u32 v2, $0x3;
	v7 =	vand.u32 $0xFFFF8000, v7;
	v3 =	vor.u32 v3, v5  }
0x45: {  	v4 =	vshll.u32 v4, $0x7;
	v2 =	vand.u32 $0xFFFFFC00, v2;
	v3 =	vadd.s32 v7, v3  }
0x46: {  	s31 =	sshll.u32 s12, $0xD;
	s15 =	sor.u32 $0x4000, s14;
	(ifvalue) =	ssetifvalue $0x7FFFFFFF;
	v5 =	vand.u32 $0x7, v6;
	v4 =	vand.u32 $0x380, v4;
	v2 =	vadd.s32 v2, v3  }
0x47: {  	[tilespmem:s15], [sflag:$0x1] =	stream.indirect_vreg.gather [hbm4b:s4+s10], $0x1, v0, vm0, $0x4038;
	v3 =	vshrl.u32 v6, $0x3;
	v6 =	vshrl.u32 v6, $0xD;
	v0 =	vor.u32 v4, v2;
	[tilespmem:$0x8000] =	vst v63  }
0x48: {  	s14 =	sand.u32 $0x2000, s31;
	v2 =	vand.u32 $0x3FF, v3;
	v4 =	vand.u32 $0xFFF, v6;
	v3 =	vmul.u32 $0x340000, v5  }
0x49: {  	s16 =	simm.s32 $0x30;
	s14 =	sor.u32 $0x4000, s14;
	s17 =	sadd.s32 $0x10, s17;
	vm2 =	veq.s32 v1, $0x80000000;
	v2 =	vsel vm1, $0xFFFFFFFF, v2;
	v4 =	vsel vm1, $0xFFFFFFFF, v4  }
.LBB2_3:
0x4a: {  	v6 =	vand.u32 $0x7F, v4  }
0x4b: {  	v5 =	vld.msk [tilespmem:s17+$0x0 ss:$0x1], $0xffff;
	v3 =	vsel vm1, $0xFFCC0000, v3;
	v7 =	vshll.u32 v2, $0xC;
	vm1 =	vmmov vm2;
	s16 =	sadd.s32 $0x10, s16  }
0x4c: {  	v4 =	vshll.u32 v4, $0x3;
	s15 =	sadd.s32 $0x10, s15;
	v7 =	vand.u32 $0xFFFF8000, v7;
	v3 =	vor.u32 v3, v6;
	(ifvalue) =	ssetifvalue $0x7FFFFFFF;
	p1 =	slt.u32 s16, $0x1FF0  }
0x4d: {  	[tilespmem:s15], [sflag:$0x1] =	stream.indirect_vreg.gather [hbm4b:s4+s10], $0x1, v0, vm0, $0x4038;
	[tilespmem:$0x8000] =	vst v63  }
.Ltmp3:
0x4e: {  	v2 =	vshll.u32 v2, $0x7;
	v4 =	vand.u32 $0xFFFFFC00, v4;
	v3 =	vadd.s32 v7, v3;
	(pc) =	sbr.rel @p1 .LBB2_3-.Ltmp3, $4  }
0x4f: {  	v6 =	vand.u32 $0x7, v1;
	v0 =	vand.u32 $0x380, v2;
	v2 =	vadd.s32 v4, v3  }
0x50: {  	v8 =	vshrl.u32 v1, $0xD;
	v3 =	vshrl.u32 v1, $0x3;
	v0 =	vor.u32 v0, v2  }
0x51: {  	v7 =	vand.u32 $0xFFF, v8;
	v2 =	vand.u32 $0x3FF, v3;
	v3 =	vmul.u32 $0x340000, v6  }
0x52: {  	s17 =	sadd.s32 $0x10, s17;
	v4 =	vsel vm1, $0xFFFFFFFF, v7;
	vm2 =	veq.s32 v5, $0x80000000;
	v2 =	vsel vm1, $0xFFFFFFFF, v2;
	v1 =	vmovc v5  }
.Ltmp4:
0x53: {  	_ = 	snop;
	(pc) =	sbr.rel .LBB2_4-.Ltmp4, $1  }
0x54: {  	_ =	sdelay $0x3  }
.LBB2_6:
0x55: {  	_ =	sfence.sel $0x180000  }
0x56: {  	s2 =	simm.s32 $0x2;
	[bflag:$0x0] =	sbarrier.arrive $0xFFFF  }
0x57: {  	s30 =	simm.s32 $0x3;
	[sflag:s2] =	ssyncpa.u1 $0x1  }
0x58: {  	s31 =	simm.s32 $0x1;
	[sflag:s30] =	ssyncpa.u1 $0x1  }
0x59: {  	[sflag:s31] =	ssyncpa.u1 $0x1  }
0x5a: {  	p0 =	sne.s32 s1, $0x0;
	_ =	strace $0x90000047  }
0x5b: {  	s0 =	sadd.s32 @!p0 $0x100000, s0;
	[bflag:$0x2] =	sbarrier.arrive $0xFFFF  }
0x5c: {  	[sflag:s0] =	ssyncadd.tile.s32 @!p0 $0x1;
	_ =	shalt  }
.Lfunc_end2:
_tile_overlayer_lowered:
.L_overlay_start_2:
0x5d: {  	(tag) =	ssettag $0x2  }
0x5e: {  	s0 =	rddreg [dreg:$0x0];
	s2 =	stileid.u32  }
0x5f: {  	s1 =	rddreg [dreg:$0x1];
	p0 =	sne.s32 s2, $0x0  }
0x60: {  	s3 =	rddreg [dreg:$0x2];
	[bflag:$0x3] =	sbarrier.arrive $0xFFFF;
	s2 =	simm.s32 @!p0 $0x1C01  }
0x61: {  	[timem:s3], [sflag:s2] =	dma.local @!p0 [hbm:s0], s1  }
0x62: {  	s0 =	simm.s32 @!p0 $0x1  }
0x63: {  	_ =	swait.ge @!p0 [sflag:s0], s1  }
0x64: {  	s1 =	ssub.s32 @!p0 $0x0, s1;
	[sflag:s0] =	ssyncset.done @!p0 $0x0  }
0x65: {  	[sflag:s0] =	ssyncadd.s32 @!p0 s1  }
0x66: {  	[bflag:$0x3] =	sbarrier.arrive $0xFFFF  }
0x67: {  	_ =	shalt  }

</sc_bundles>
